<compile_context>
chip_gen: v7x
topology: tpu7x:2x2x1
jax: 0.10.2.dev20260603
libtpu: 0.0.44.dev20260713+nightly
codegen_flags: <defaults>
</compile_context>

<pallas_src>
import functools

import jax
import jax.numpy as jnp
from jax import lax
from jax.experimental import pallas as pl
from jax.experimental.pallas import tpu as pltpu
from jax.experimental.pallas import tpu_sc as plsc

N = 10000
NR = 10016
NRK = 10112
E = 320000
NC = 2
NS = 16
NW = NC * NS
CS = 128
CW = 80
EPAD = NW * CW * CS
D = 32
DUMP = 10008
ZROW = 10008
NGRAPH = 64
K = 79
PG = 80
NPOOL = NGRAPH * PG
DC = 144
TPN = NR // NS

_f32 = jnp.float32
_i32 = jnp.int32


@functools.cache
def _mesh():
    return plsc.VectorSubcoreMesh(core_axis_name="c", subcore_axis_name="s")


_SC_PARAMS = None


def _sc_params():
    global _SC_PARAMS
    if _SC_PARAMS is None:
        _SC_PARAMS = pltpu.CompilerParams(use_tc_tiling_on_sc=False)
    return _SC_PARAMS


def _worker_id():
    return lax.axis_index("s") * NC + lax.axis_index("c")


def _zero_rows(buf, rows, width):
    z16 = jnp.zeros((16,), _f32)

    def body(r, _):
        for c0 in range(0, width, 16):
            buf[r, pl.ds(c0, 16)] = z16
        return 0

    lax.fori_loop(0, rows, body, 0)


def _make_scatter_kernel(with_deg):
  out_type = jax.ShapeDtypeStruct((NC, NR, D), _f32)
  scratch = [
      pltpu.VMEM((CW, CS), _i32),
      pltpu.VMEM((CW, CS), _i32),
      pltpu.VMEM((CS, D), _f32),
      pltpu.VMEM((TPN, D), _f32),
      pltpu.VMEM_SHARED((NR, D), _f32),
      pltpu.SemaphoreType.DMA,
  ]
  if with_deg:
    out_type = (out_type, jax.ShapeDtypeStruct((NC, NR, 16), _f32))
    scratch += [
        pltpu.VMEM((CS, 16), _f32),
        pltpu.VMEM((TPN, 16), _f32),
        pltpu.VMEM_SHARED((NR, 16), _f32),
    ]

  @functools.partial(
      pl.kernel,
      out_type=out_type,
      mesh=_mesh(),
      scratch_types=scratch,
      compiler_params=_sc_params(),
  )
  def _sc_scatter(table, gidx, sidx, out, *rest):
    if with_deg:
      (odeg, gidx_v, sidx_v, rows_v, obuf_v, accum_sh, sem, ones_v, dbuf_v,
       dacc_sh) = rest
    else:
      gidx_v, sidx_v, rows_v, obuf_v, accum_sh, sem = rest
    c = lax.axis_index("c")
    s = lax.axis_index("s")
    wid = _worker_id()
    _zero_rows(obuf_v, TPN, D)
    pltpu.sync_copy(obuf_v, accum_sh.at[pl.ds(s * TPN, TPN)])
    if with_deg:
      one16 = jnp.ones((16,), _f32)

      def fill(r, _):
          ones_v[r, pl.ds(0, 16)] = one16
          return 0

      lax.fori_loop(0, CS, fill, 0)
      _zero_rows(dbuf_v, TPN, 16)
      pltpu.sync_copy(dbuf_v, dacc_sh.at[pl.ds(s * TPN, TPN)])
    pltpu.sync_copy(gidx.at[pl.ds(wid * CW, CW)], gidx_v)
    pltpu.sync_copy(sidx.at[pl.ds(wid * CW, CW)], sidx_v)
    plsc.subcore_barrier()

    def chunk(j, _):
        pltpu.async_copy(table.at[gidx_v.at[j]], rows_v, sem).wait()
        pltpu.sync_copy(rows_v, accum_sh.at[sidx_v.at[j]], add=True)
        if with_deg:
            pltpu.sync_copy(ones_v, dacc_sh.at[gidx_v.at[j]], add=True)
        return 0

    lax.fori_loop(0, CW, chunk, 0)
    plsc.subcore_barrier()
    pltpu.sync_copy(accum_sh.at[pl.ds(s * TPN, TPN)], obuf_v)
    pltpu.sync_copy(obuf_v, out.at[c].at[pl.ds(s * TPN, TPN)])
    if with_deg:
      pltpu.sync_copy(dacc_sh.at[pl.ds(s * TPN, TPN)], dbuf_v)
      pltpu.sync_copy(dbuf_v, odeg.at[c].at[pl.ds(s * TPN, TPN)])

  return _sc_scatter


@functools.cache
def _sc_scatter_kernel():
  return _make_scatter_kernel(False)


@functools.cache
def _sc_scatter_deg_kernel():
  return _make_scatter_kernel(True)


@functools.cache
def _sc_poolgather_kernel():
  @functools.partial(
      pl.kernel,
      out_type=jax.ShapeDtypeStruct((NPOOL, DC), _f32),
      mesh=_mesh(),
      scratch_types=[
          pltpu.VMEM((1, 80), _i32),
          pltpu.VMEM((80, DC), _f32),
          pltpu.SemaphoreType.DMA,
      ],
      compiler_params=_sc_params(),
  )
  def _sc_poolgather(cat, nid2d, out, nid_v, rows_v, sem):
    wid = _worker_id()

    def body(k, _):
        row = wid * 2 + k
        pltpu.sync_copy(nid2d.at[pl.ds(row, 1)], nid_v)
        pltpu.async_copy(cat.at[nid_v.at[0]], rows_v, sem).wait()
        pltpu.sync_copy(rows_v, out.at[pl.ds(row * 80, 80)])
        return 0

    lax.fori_loop(0, 2, body, 0)

  return _sc_poolgather


def _tc0_body(x_ref, w_ref, b_ref, h_ref):
    h_ref[...] = (
        jnp.dot(x_ref[...], w_ref[...], preferred_element_type=_f32)
        + b_ref[...]
    )


def _tc_mid1_body(s_ref, od_ref, h_ref, w_ref, b_ref, invd_ref, t_ref, hn_ref):
    invd = 1.0 / (od_ref[0, :, 0:1] + od_ref[1, :, 0:1] + 1.0)
    invd_ref[...] = invd
    t = jnp.tanh((s_ref[0] + s_ref[1] + h_ref[...]) * invd)
    t_ref[...] = t
    hn_ref[...] = (
        jnp.dot(t, w_ref[...], preferred_element_type=_f32) + b_ref[...]
    )


def _tc_mid_body(s_ref, h_ref, invd_ref, w_ref, b_ref, t_ref, hn_ref):
    t = jnp.tanh((s_ref[0] + s_ref[1] + h_ref[...]) * invd_ref[...])
    t_ref[...] = t
    hn_ref[...] = (
        jnp.dot(t, w_ref[...], preferred_element_type=_f32) + b_ref[...]
    )


def _tc_mid3_body(s_ref, h_ref, invd_ref, w4_ref, b4_ref, t_ref, h4p_ref):
    t = jnp.tanh((s_ref[0] + s_ref[1] + h_ref[...]) * invd_ref[...])
    t_ref[...] = t
    h4 = jnp.dot(t, w4_ref[...], preferred_element_type=_f32) + b4_ref[...]
    h4p_ref[...] = jnp.concatenate([h4, jnp.zeros((NR, D - 1), _f32)], axis=1)


TC4R = NR // 4


def _tc4_body(s_ref, h4p_ref, invd_ref, t0_ref, t1_ref, t2_ref, t3_ref,
              cat_ref):
    i = pl.program_id(0)
    pre4 = (s_ref[0, :, 0:1] + s_ref[1, :, 0:1] + h4p_ref[:, 0:1]) * invd_ref[...]
    t4 = jnp.tanh(pre4)
    cat = jnp.concatenate(
        [t0_ref[...], t1_ref[...], t2_ref[...], t3_ref[...], t4,
         jnp.zeros((TC4R, DC - 129), _f32)], axis=1)
    rmask = (lax.broadcasted_iota(_i32, (TC4R, DC), 0) + i * TC4R) < N
    cat_ref[...] = jnp.where(rmask, cat, 0.0)


def _rank_body(b2_ref, v2_ref, bc_ref, vc_ref, pos_ref):
    i = pl.program_id(0)
    bi = b2_ref[pl.ds(i, 1), :]
    vi = v2_ref[pl.ds(i, 1), :]
    gi_lo = jnp.min(bi)
    gi_hi = jnp.max(bi)
    col = lax.broadcasted_iota(_i32, (128, 128), 1) + i * 128

    def jbody(j, acc):
        bj_row = b2_ref[pl.ds(j, 1), :]
        gj_lo = jnp.min(bj_row)
        gj_hi = jnp.max(bj_row)
        ok = (gj_lo <= gi_hi) & (gj_hi >= gi_lo)

        def compute():
            vj = vc_ref[pl.ds(j * 128, 128), :]
            bj = bc_ref[pl.ds(j * 128, 128), :]
            row = lax.broadcasted_iota(_i32, (128, 128), 0) + j * 128
            m = (bj == bi) & ((vj > vi) | ((vj == vi) & (row < col)))
            return acc + jnp.sum(m.astype(_f32), axis=0, keepdims=True)

        return lax.cond(ok, compute, lambda: acc)

    rank = lax.fori_loop(0, NRK // 128, jbody,
                         jnp.zeros((1, 128), _f32)).astype(_i32)
    valid = (bi < NGRAPH) & (rank < K)
    pos = jnp.where(valid, bi * PG + rank, NPOOL)
    pos_ref[...] = pos.reshape(1, 1, 128)


def _nid_body(pc_ref, b2_ref, o_ref):
    b = pl.program_id(0)
    slots = lax.broadcasted_iota(_i32, (1, 512), 1) + b * 512

    def jbody(j, acc):
        bj = b2_ref[pl.ds(j, 1), :]
        lo = jnp.min(bj) * PG
        hi = jnp.max(bj) * PG + (PG - 1)
        ok = (lo <= b * 512 + 511) & (hi >= b * 512)

        def compute():
            pcol = pc_ref[pl.ds(j * 128, 128), :]
            ids = lax.broadcasted_iota(_i32, (128, 1), 0) + j * 128
            m = pcol == slots
            contrib = jnp.where(m, ids, -1)
            return jnp.maximum(acc, jnp.max(contrib, axis=0, keepdims=True))

        return lax.cond(ok, compute, lambda: acc)

    acc = lax.fori_loop(0, NRK // 128, jbody, jnp.full((1, 512), -1, _i32))
    o_ref[...] = jnp.where(acc < 0, ZROW, acc).reshape(1, 1, 512)


def _tail_body(p_ref, wc1_ref, bc1_ref, w2_ref, bc2_ref, wd1_ref, bd1_ref,
               wd2_ref, bd2_ref, o_ref):
    p = p_ref[...].reshape(NGRAPH, PG, DC)[:, :K, :129]
    c1 = jax.nn.relu(
        jnp.dot(p.reshape(NGRAPH * K, 129), wc1_ref[...],
                preferred_element_type=_f32) + bc1_ref[...]
    ).reshape(NGRAPH, K, 16)
    cp = jnp.max(c1[:, :78, :].reshape(NGRAPH, 39, 2, 16), axis=2)
    xw = jnp.concatenate([cp[:, dt:dt + 35, :] for dt in range(5)], axis=2)
    c2 = jax.nn.relu(
        jnp.dot(xw.reshape(NGRAPH * 35, 80), w2_ref[...],
                preferred_element_type=_f32) + bc2_ref[...]
    ).reshape(NGRAPH, 35, 32)
    acc = bd1_ref[...]
    for t in range(35):
        acc = acc + jnp.dot(c2[:, t, :], wd1_ref[pl.ds(t * 32, 32), :],
                            preferred_element_type=_f32)
    d1 = jax.nn.relu(acc)
    o_ref[...] = jax.nn.sigmoid(
        jnp.dot(d1, wd2_ref[...], preferred_element_type=_f32)
        + bd2_ref[...])


def _call(body, out_shape, *args):
    return pl.pallas_call(body, out_shape=out_shape)(*args)


def kernel(x, edge_index, batch, W0, b0, W1, b1, W2, b2, W3, b3, W4, b4,
           Wc1, bc1, Wc2, bc2, Wd1, bd1, Wd2, bd2):
    sds = jax.ShapeDtypeStruct

    xp = jnp.pad(x, ((0, NR - N), (0, 0)))
    src = edge_index[0]
    dst = edge_index[1]
    g2d = jnp.concatenate(
        [src, jnp.full((EPAD - E,), DUMP, _i32)]).reshape(NW * CW, CS)
    s2d = jnp.concatenate(
        [dst, jnp.full((EPAD - E,), DUMP, _i32)]).reshape(NW * CW, CS)
    batchp = jnp.pad(batch, (0, NRK - N), constant_values=127)

    h0 = _call(_tc0_body, sds((NR, D), _f32), xp, W0.T, b0.reshape(1, D))
    s0, odp = _sc_scatter_deg_kernel()(h0, g2d, s2d)
    invd, t0, h1 = _call(
        _tc_mid1_body,
        (sds((NR, 1), _f32), sds((NR, D), _f32), sds((NR, D), _f32)),
        s0, odp, h0, W1.T, b1.reshape(1, D))
    s1 = _sc_scatter_kernel()(h1, g2d, s2d)
    t1, h2 = _call(
        _tc_mid_body, (sds((NR, D), _f32), sds((NR, D), _f32)),
        s1, h1, invd, W2.T, b2.reshape(1, D))
    s2 = _sc_scatter_kernel()(h2, g2d, s2d)
    t2, h3 = _call(
        _tc_mid_body, (sds((NR, D), _f32), sds((NR, D), _f32)),
        s2, h2, invd, W3.T, b3.reshape(1, D))
    s3 = _sc_scatter_kernel()(h3, g2d, s2d)
    t3, h4p = _call(
        _tc_mid3_body, (sds((NR, D), _f32), sds((NR, D), _f32)),
        s3, h3, invd, W4.T, b4.reshape(1, 1))
    s4 = _sc_scatter_kernel()(h4p, g2d, s2d)
    cat = pl.pallas_call(
        _tc4_body,
        out_shape=sds((NR, DC), _f32),
        grid=(NR // TC4R,),
        in_specs=[
            pl.BlockSpec((NC, TC4R, D), lambda i: (0, i, 0)),
            pl.BlockSpec((TC4R, D), lambda i: (i, 0)),
            pl.BlockSpec((TC4R, 1), lambda i: (i, 0)),
            pl.BlockSpec((TC4R, D), lambda i: (i, 0)),
            pl.BlockSpec((TC4R, D), lambda i: (i, 0)),
            pl.BlockSpec((TC4R, D), lambda i: (i, 0)),
            pl.BlockSpec((TC4R, D), lambda i: (i, 0)),
        ],
        out_specs=pl.BlockSpec((TC4R, DC), lambda i: (i, 0)),
    )(s4, h4p, invd, t0, t1, t2, t3)

    b2d = batchp.reshape(NRK // 128, 128)
    vpad = jnp.pad(cat[:, 128], (0, NRK - NR))
    v2d = vpad.reshape(NRK // 128, 128)
    pos3 = pl.pallas_call(
        _rank_body,
        out_shape=sds((NRK // 128, 1, 128), _i32),
        grid=(NRK // 128,),
        in_specs=[
            pl.BlockSpec((NRK // 128, 128), lambda i: (0, 0)),
            pl.BlockSpec((NRK // 128, 128), lambda i: (0, 0)),
            pl.BlockSpec((NRK, 1), lambda i: (0, 0)),
            pl.BlockSpec((NRK, 1), lambda i: (0, 0)),
        ],
        out_specs=pl.BlockSpec((1, 1, 128), lambda i: (i, 0, 0)),
    )(b2d, v2d, batchp.reshape(NRK, 1), vpad.reshape(NRK, 1))

    posc = pos3.reshape(NRK, 1)
    nid3 = pl.pallas_call(
        _nid_body,
        out_shape=sds((NPOOL // 512, 1, 512), _i32),
        grid=(NPOOL // 512,),
        in_specs=[
            pl.BlockSpec((NRK, 1), lambda i: (0, 0)),
            pl.BlockSpec((NRK // 128, 128), lambda i: (0, 0)),
        ],
        out_specs=pl.BlockSpec((1, 1, 512), lambda i: (i, 0, 0)),
    )(posc, b2d)
    nid2d = nid3.reshape(NGRAPH, PG)
    pooled = _sc_poolgather_kernel()(cat, nid2d)

    wc1f = Wc1[:, 0, :].T
    w2f = Wc2.transpose(2, 1, 0).reshape(80, 32)
    wd1p = Wd1.reshape(128, 32, 35).transpose(2, 1, 0).reshape(1120, 128)
    out = _call(
        _tail_body, sds((NGRAPH, 10), _f32),
        pooled, wc1f, bc1.reshape(1, 16), w2f, bc2.reshape(1, 32),
        wd1p, bd1.reshape(1, 128), Wd2.T, bd2.reshape(1, 10))
    return out

# --- scband reference (transcript-rebuilt; emitter-appended) ---
"""Pipeline reference for scband-dgcnn-7516192768970 (READ-ONLY COPY).

The authoritative reference and input builder live on the scoring server;
editing this copy changes nothing except your own understanding.
"""

import jax, jax.numpy as jnp
import numpy as np

N_NODES = 10000
N_EDGES = 320000
D_FEAT = 128
EMB = 32
NUM_LAYERS = 4
K_SORT = 79
NUM_GRAPHS = 64
DIM_TARGET = 10
DENSE_DIM = 128
TOTAL_LATENT = NUM_LAYERS * EMB + 1


def setup_inputs(seed: int = 0):
    key = jax.random.key(seed)
    ks = jax.random.split(key, 20)
    inp = {}
    inp['x'] = jax.random.normal(ks[0], (N_NODES, D_FEAT), dtype=jnp.float32)
    inp['edge_index'] = jax.random.randint(ks[1], (2, N_EDGES), 0, N_NODES, dtype=jnp.int32)
    inp['batch'] = jnp.sort(jax.random.randint(ks[2], (N_NODES,), 0, NUM_GRAPHS, dtype=jnp.int32))
    dims = [(D_FEAT, EMB)] + [(EMB, EMB)] * (NUM_LAYERS - 1) + [(EMB, 1)]
    for i, (din, dout) in enumerate(dims):
        inp['W%d' % i] = jax.random.normal(ks[3 + i], (dout, din), dtype=jnp.float32) * 0.05
        inp['b%d' % i] = jnp.zeros((dout,), dtype=jnp.float32)
    inp['Wc1'] = jax.random.normal(ks[10], (16, 1, TOTAL_LATENT), dtype=jnp.float32) * 0.05
    inp['bc1'] = jnp.zeros((16,), dtype=jnp.float32)
    inp['Wc2'] = jax.random.normal(ks[11], (32, 16, 5), dtype=jnp.float32) * 0.05
    inp['bc2'] = jnp.zeros((32,), dtype=jnp.float32)
    dense_dim = int((K_SORT - 2) / 2 + 1)
    input_dense = (dense_dim - 5 + 1) * 32
    inp['Wd1'] = jax.random.normal(ks[12], (DENSE_DIM, input_dense), dtype=jnp.float32) * 0.05
    inp['bd1'] = jnp.zeros((DENSE_DIM,), dtype=jnp.float32)
    inp['Wd2'] = jax.random.normal(ks[13], (DIM_TARGET, DENSE_DIM), dtype=jnp.float32) * 0.05
    inp['bd2'] = jnp.zeros((DIM_TARGET,), dtype=jnp.float32)
    return inp


def _dgcnn_conv(x, edge_index, W, b):
    # DGCNNConv: add self loops, linear, then scatter-add of x_j * (1/out_deg[dst])
    n = x.shape[0]
    ar = jnp.arange(n, dtype=edge_index.dtype)
    ei = jnp.concatenate([edge_index, jnp.stack([ar, ar])], axis=1)
    src, dst = ei[0], ei[1]
    h = x @ W.T + b
    deg = jnp.zeros((n,), h.dtype).at[src].add(1.0)
    norm = (1.0 / deg)[dst]
    msg = norm[:, None] * h[src]
    return jnp.zeros((n, h.shape[1]), h.dtype).at[dst].add(msg)


def _global_sort_pool(x, batch, k, num_graphs):
    # faithful port of torch_geometric global_sort_pool
    fill = x.min() - 1.0
    counts = jnp.bincount(batch, length=num_graphs)
    maxn = x.shape[0]
    starts = jnp.concatenate([jnp.zeros((1,), counts.dtype), jnp.cumsum(counts)[:-1]])
    pos = jnp.arange(x.shape[0]) - starts[batch]
    dense = (jnp.zeros((num_graphs, maxn, x.shape[1]), x.dtype) + fill).at[batch, pos].set(x)
    perm = jnp.argsort(-dense[:, :, -1], axis=-1)
    dense = jnp.take_along_axis(dense, perm[:, :, None], axis=1)
    if maxn >= k:
        dense = dense[:, :k]
    else:
        pad = jnp.zeros((num_graphs, k - maxn, x.shape[1]), x.dtype) + fill
        dense = jnp.concatenate([dense, pad], axis=1)
    dense = jnp.where(dense == fill, 0.0, dense)
    return dense.reshape(num_graphs, k * x.shape[1])


def _forward(x, edge_index, batch, Ws, bs, Wc1, bc1, Wc2, bc2, Wd1, bd1, Wd2, bd2):
    hidden = []
    h = x
    for W, b in zip(Ws, bs):
        h = _dgcnn_conv(h, edge_index, W, b)
        h = jnp.tanh(h)
        hidden.append(h)
    cat = jnp.concatenate(hidden, axis=1)  # [N, TOTAL_LATENT]
    pooled = _global_sort_pool(cat, batch, K_SORT, NUM_GRAPHS)  # [B, k*D]
    x1d = pooled[:, None, :]
    dn = ('NCH', 'OIH', 'NCH')
    c1 = jax.lax.conv_general_dilated(x1d, Wc1, (TOTAL_LATENT,), 'VALID', dimension_numbers=dn) + bc1[None, :, None]
    c1 = jax.nn.relu(c1)
    c1 = jax.lax.reduce_window(c1, -jnp.inf, jax.lax.max, (1, 1, 2), (1, 1, 2), 'VALID')
    c2 = jax.lax.conv_general_dilated(c1, Wc2, (1,), 'VALID', dimension_numbers=dn) + bc2[None, :, None]
    c2 = jax.nn.relu(c2)
    flat = c2.reshape(c2.shape[0], -1)
    d = jax.nn.relu(flat @ Wd1.T + bd1)
    # dropout is identity in eval mode
    out = d @ Wd2.T + bd2
    return jax.nn.sigmoid(out)


def reference(x, edge_index, batch, W0, b0, W1, b1, W2, b2, W3, b3, W4, b4, Wc1, bc1, Wc2, bc2, Wd1, bd1, Wd2, bd2):
    Ws = [W0, W1, W2, W3, W4]
    bs = [b0, b1, b2, b3, b4]
    return _forward(x, edge_index, batch, Ws, bs, Wc1, bc1, Wc2, bc2, Wd1, bd1, Wd2, bd2)

if __name__ == "__main__":
    import jax
    _d = setup_inputs()
    print(jax.jit(kernel)(*tuple(_d.values())))

</pallas_src>

<mosaic_0001>
#map = affine_map<(d0, d1) -> (0, 0)>
#map1 = affine_map<(d0, d1) -> (0, 0, 0)>
module attributes {stable_mosaic.version = 14 : i64} {
  func.func @_sc_scatter(%arg0: i32, %arg1: i32, %arg2: memref<10016x32xf32, #tpu.memory_space<hbm>>, %arg3: memref<2560x128xi32, #tpu.memory_space<hbm>>, %arg4: memref<2560x128xi32, #tpu.memory_space<hbm>>, %arg5: memref<2x10016x32xf32, #tpu.memory_space<hbm>>, %arg6: memref<2x10016x16xf32, #tpu.memory_space<hbm>>, %arg7: memref<80x128xi32, #tpu.memory_space<vmem>>, %arg8: memref<80x128xi32, #tpu.memory_space<vmem>>, %arg9: memref<128x32xf32, #tpu.memory_space<vmem>>, %arg10: memref<626x32xf32, #tpu.memory_space<vmem>>, %arg11: memref<10016x32xf32, #tpu.memory_space<vmem_shared>>, %arg12: memref<!tpu.dma_semaphore, #tpu.memory_space<semaphore_mem>>, %arg13: memref<128x16xf32, #tpu.memory_space<vmem>>, %arg14: memref<626x16xf32, #tpu.memory_space<vmem>>, %arg15: memref<10016x16xf32, #tpu.memory_space<vmem_shared>>) attributes {dimension_semantics = [#tpu.dimension_semantics<core_parallel>, #tpu.dimension_semantics<subcore_parallel>], iteration_bounds = array<i64: 2, 16>, scalar_prefetch = 0 : i64, scratch_operands = 9 : i64, tpu.core_type = #tpu.core_type<sc_vector_subcore>, window_params = [{transform_indices = #map}, {transform_indices = #map}, {transform_indices = #map}, {transform_indices = #map1}, {transform_indices = #map1}]} {
    %mul3A = arith.constant 2 : i32
    %mul3A_0 = arith.muli %arg1, %mul3A : i32
    %add3A = arith.addi %mul3A_0, %arg0 : i32
    %broadcast_in_dim3A = arith.constant 0.000000e+00 : f32
    %broadcast_in_dim3A_1 = vector.broadcast %broadcast_in_dim3A : f32 to vector<16xf32>
    %scan3A = arith.constant 0 : i32
    %scan3A_2 = arith.constant 0 : i32
    %scan3A_3 = arith.constant 626 : i32
    %scan3A_4 = arith.addi %scan3A_2, %scan3A_3 : i32
    %scan3A_5 = arith.constant 1 : i32
    %scan3A_6 = scf.for %scan3A_50 = %scan3A_2 to %scan3A_4 step %scan3A_5 iter_args(%scan3A_51 = %scan3A) -> (i32)  : i32 {
      %swap3A = arith.index_cast %scan3A_50 : i32 to index
      %swap3A_52 = arith.constant 0 : index
      %swap3A_53 = tpu.vector_load %arg10[%swap3A, %swap3A_52] {strides = array<i32>} : memref<626x32xf32, #tpu.memory_space<vmem>>, vector<1x16xf32>,
      %swap3A_54 = vector.shape_cast %swap3A_53 : vector<1x16xf32> to vector<16xf32>
      %swap3A_55 = vector.shape_cast %broadcast_in_dim3A_1 : vector<16xf32> to vector<1x16xf32>
      tpu.vector_store %arg10[%swap3A, %swap3A_52], %swap3A_55 {strides = array<i32>} : memref<626x32xf32, #tpu.memory_space<vmem>>, vector<1x16xf32>,
      %swap3A_56 = arith.index_cast %scan3A_50 : i32 to index
      %swap3A_57 = arith.constant 16 : index
      %swap3A_58 = tpu.vector_load %arg10[%swap3A_56, %swap3A_57] {strides = array<i32>} : memref<626x32xf32, #tpu.memory_space<vmem>>, vector<1x16xf32>,
      %swap3A_59 = vector.shape_cast %swap3A_58 : vector<1x16xf32> to vector<16xf32>
      %swap3A_60 = vector.shape_cast %broadcast_in_dim3A_1 : vector<16xf32> to vector<1x16xf32>
      tpu.vector_store %arg10[%swap3A_56, %swap3A_57], %swap3A_60 {strides = array<i32>} : memref<626x32xf32, #tpu.memory_space<vmem>>, vector<1x16xf32>,
      %scan3A_61 = arith.constant 0 : i32
      scf.yield %scan3A_61 : i32
    }
    %scan3A_7 = arith.constant 626 : i32
    %mul3A_8 = arith.constant 626 : i32
    %mul3A_9 = arith.muli %arg1, %mul3A_8 : i32
    "tpu.region"() ({
      %run_scoped3A = tpu.sem_alloc : memref<!tpu.dma_semaphore, #tpu.memory_space<semaphore_mem>>
      %dma_start3A = arith.constant 0 : i32
      %dma_start3A_50 = tpu.memref_slice %arg11[%mul3A_9, %dma_start3A] : memref<10016x32xf32, #tpu.memory_space<vmem_shared>> -> memref<626x32xf32, #tpu.memory_space<vmem_shared>>
      %dma_start3A_51 = arith.constant 0 : i32
      %dma_start3A_52 = tpu.memref_slice %arg11[%mul3A_9, %dma_start3A_51] : memref<10016x32xf32, #tpu.memory_space<vmem_shared>> -> memref<626x32xf32, #tpu.memory_space<vmem_shared>>
      tpu.enqueue_dma source(%arg10 : memref<626x32xf32, #tpu.memory_space<vmem>>) target(%dma_start3A_52 : memref<626x32xf32, #tpu.memory_space<vmem_shared>>) target_semaphore(%run_scoped3A : memref<!tpu.dma_semaphore, #tpu.memory_space<semaphore_mem>>)
      %dma_wait3A = arith.constant 0 : i32
      %dma_wait3A_53 = tpu.memref_slice %arg11[%mul3A_9, %dma_wait3A] : memref<10016x32xf32, #tpu.memory_space<vmem_shared>> -> memref<626x32xf32, #tpu.memory_space<vmem_shared>>
      %dma_wait3A_54 = arith.constant 0 : i32
      %dma_wait3A_55 = tpu.memref_slice %arg11[%mul3A_9, %dma_wait3A_54] : memref<10016x32xf32, #tpu.memory_space<vmem_shared>> -> memref<626x32xf32, #tpu.memory_space<vmem_shared>>
      tpu.wait_dma2 semaphore(%run_scoped3A : memref<!tpu.dma_semaphore, #tpu.memory_space<semaphore_mem>>) src(%arg10 : memref<626x32xf32, #tpu.memory_space<vmem>>) dst(%dma_wait3A_55 : memref<626x32xf32, #tpu.memory_space<vmem_shared>>)
      tpu.yield
    }) : () -> ()
    %broadcast_in_dim3A_10 = arith.constant 1.000000e+00 : f32
    %broadcast_in_dim3A_11 = vector.broadcast %broadcast_in_dim3A_10 : f32 to vector<16xf32>
    %scan3A_12 = arith.constant 0 : i32
    %scan3A_13 = arith.constant 0 : i32
    %scan3A_14 = arith.constant 128 : i32
    %scan3A_15 = arith.addi %scan3A_13, %scan3A_14 : i32
    %scan3A_16 = arith.constant 1 : i32
    %scan3A_17 = scf.for %scan3A_50 = %scan3A_13 to %scan3A_15 step %scan3A_16 iter_args(%scan3A_51 = %scan3A_12) -> (i32)  : i32 {
      %swap3A = arith.index_cast %scan3A_50 : i32 to index
      %swap3A_52 = arith.constant 0 : index
      %swap3A_53 = tpu.vector_load %arg13[%swap3A, %swap3A_52] {strides = array<i32>} : memref<128x16xf32, #tpu.memory_space<vmem>>, vector<1x16xf32>,
      %swap3A_54 = vector.shape_cast %swap3A_53 : vector<1x16xf32> to vector<16xf32>
      %swap3A_55 = vector.shape_cast %broadcast_in_dim3A_11 : vector<16xf32> to vector<1x16xf32>
      tpu.vector_store %arg13[%swap3A, %swap3A_52], %swap3A_55 {strides = array<i32>} : memref<128x16xf32, #tpu.memory_space<vmem>>, vector<1x16xf32>,
      %scan3A_56 = arith.constant 0 : i32
      scf.yield %scan3A_56 : i32
    }
    %scan3A_18 = arith.constant 128 : i32
    %broadcast_in_dim3A_19 = arith.constant 0.000000e+00 : f32
    %broadcast_in_dim3A_20 = vector.broadcast %broadcast_in_dim3A_19 : f32 to vector<16xf32>
    %scan3A_21 = arith.constant 0 : i32
    %scan3A_22 = arith.constant 0 : i32
    %scan3A_23 = arith.constant 626 : i32
    %scan3A_24 = arith.addi %scan3A_22, %scan3A_23 : i32
    %scan3A_25 = arith.constant 1 : i32
    %scan3A_26 = scf.for %scan3A_50 = %scan3A_22 to %scan3A_24 step %scan3A_25 iter_args(%scan3A_51 = %scan3A_21) -> (i32)  : i32 {
      %swap3A = arith.index_cast %scan3A_50 : i32 to index
      %swap3A_52 = arith.constant 0 : index
      %swap3A_53 = tpu.vector_load %arg14[%swap3A, %swap3A_52] {strides = array<i32>} : memref<626x16xf32, #tpu.memory_space<vmem>>, vector<1x16xf32>,
      %swap3A_54 = vector.shape_cast %swap3A_53 : vector<1x16xf32> to vector<16xf32>
      %swap3A_55 = vector.shape_cast %broadcast_in_dim3A_20 : vector<16xf32> to vector<1x16xf32>
      tpu.vector_store %arg14[%swap3A, %swap3A_52], %swap3A_55 {strides = array<i32>} : memref<626x16xf32, #tpu.memory_space<vmem>>, vector<1x16xf32>,
      %scan3A_56 = arith.constant 0 : i32
      scf.yield %scan3A_56 : i32
    }
    %scan3A_27 = arith.constant 626 : i32
    %mul3A_28 = arith.constant 626 : i32
    %mul3A_29 = arith.muli %arg1, %mul3A_28 : i32
    "tpu.region"() ({
      %run_scoped3A = tpu.sem_alloc : memref<!tpu.dma_semaphore, #tpu.memory_space<semaphore_mem>>
      %dma_start3A = arith.constant 0 : i32
      %dma_start3A_50 = tpu.memref_slice %arg15[%mul3A_29, %dma_start3A] : memref<10016x16xf32, #tpu.memory_space<vmem_shared>> -> memref<626x16xf32, #tpu.memory_space<vmem_shared>>
      %dma_start3A_51 = arith.constant 0 : i32
      %dma_start3A_52 = tpu.memref_slice %arg15[%mul3A_29, %dma_start3A_51] : memref<10016x16xf32, #tpu.memory_space<vmem_shared>> -> memref<626x16xf32, #tpu.memory_space<vmem_shared>>
      tpu.enqueue_dma source(%arg14 : memref<626x16xf32, #tpu.memory_space<vmem>>) target(%dma_start3A_52 : memref<626x16xf32, #tpu.memory_space<vmem_shared>>) target_semaphore(%run_scoped3A : memref<!tpu.dma_semaphore, #tpu.memory_space<semaphore_mem>>)
      %dma_wait3A = arith.constant 0 : i32
      %dma_wait3A_53 = tpu.memref_slice %arg15[%mul3A_29, %dma_wait3A] : memref<10016x16xf32, #tpu.memory_space<vmem_shared>> -> memref<626x16xf32, #tpu.memory_space<vmem_shared>>
      %dma_wait3A_54 = arith.constant 0 : i32
      %dma_wait3A_55 = tpu.memref_slice %arg15[%mul3A_29, %dma_wait3A_54] : memref<10016x16xf32, #tpu.memory_space<vmem_shared>> -> memref<626x16xf32, #tpu.memory_space<vmem_shared>>
      tpu.wait_dma2 semaphore(%run_scoped3A : memref<!tpu.dma_semaphore, #tpu.memory_space<semaphore_mem>>) src(%arg14 : memref<626x16xf32, #tpu.memory_space<vmem>>) dst(%dma_wait3A_55 : memref<626x16xf32, #tpu.memory_space<vmem_shared>>)
      tpu.yield
    }) : () -> ()
    %mul3A_30 = arith.constant 80 : i32
    %mul3A_31 = arith.muli %add3A, %mul3A_30 : i32
    "tpu.region"() ({
      %run_scoped3A = tpu.sem_alloc : memref<!tpu.dma_semaphore, #tpu.memory_space<semaphore_mem>>
      %dma_start3A = arith.constant 0 : i32
      %dma_start3A_50 = tpu.memref_slice %arg3[%mul3A_31, %dma_start3A] : memref<2560x128xi32, #tpu.memory_space<hbm>> -> memref<80x128xi32, #tpu.memory_space<hbm>>
      %dma_start3A_51 = arith.constant 0 : i32
      %dma_start3A_52 = tpu.memref_slice %arg3[%mul3A_31, %dma_start3A_51] : memref<2560x128xi32, #tpu.memory_space<hbm>> -> memref<80x128xi32, #tpu.memory_space<hbm>>
      tpu.enqueue_dma source(%dma_start3A_52 : memref<80x128xi32, #tpu.memory_space<hbm>>) target(%arg7 : memref<80x128xi32, #tpu.memory_space<vmem>>) target_semaphore(%run_scoped3A : memref<!tpu.dma_semaphore, #tpu.memory_space<semaphore_mem>>)
      %dma_wait3A = arith.constant 0 : i32
      %dma_wait3A_53 = tpu.memref_slice %arg3[%mul3A_31, %dma_wait3A] : memref<2560x128xi32, #tpu.memory_space<hbm>> -> memref<80x128xi32, #tpu.memory_space<hbm>>
      %dma_wait3A_54 = arith.constant 0 : i32
      %dma_wait3A_55 = tpu.memref_slice %arg3[%mul3A_31, %dma_wait3A_54] : memref<2560x128xi32, #tpu.memory_space<hbm>> -> memref<80x128xi32, #tpu.memory_space<hbm>>
      tpu.wait_dma2 semaphore(%run_scoped3A : memref<!tpu.dma_semaphore, #tpu.memory_space<semaphore_mem>>) src(%dma_wait3A_55 : memref<80x128xi32, #tpu.memory_space<hbm>>) dst(%arg7 : memref<80x128xi32, #tpu.memory_space<vmem>>)
      tpu.yield
    }) : () -> ()
    %mul3A_32 = arith.constant 80 : i32
    %mul3A_33 = arith.muli %add3A, %mul3A_32 : i32
    "tpu.region"() ({
      %run_scoped3A = tpu.sem_alloc : memref<!tpu.dma_semaphore, #tpu.memory_space<semaphore_mem>>
      %dma_start3A = arith.constant 0 : i32
      %dma_start3A_50 = tpu.memref_slice %arg4[%mul3A_33, %dma_start3A] : memref<2560x128xi32, #tpu.memory_space<hbm>> -> memref<80x128xi32, #tpu.memory_space<hbm>>
      %dma_start3A_51 = arith.constant 0 : i32
      %dma_start3A_52 = tpu.memref_slice %arg4[%mul3A_33, %dma_start3A_51] : memref<2560x128xi32, #tpu.memory_space<hbm>> -> memref<80x128xi32, #tpu.memory_space<hbm>>
      tpu.enqueue_dma source(%dma_start3A_52 : memref<80x128xi32, #tpu.memory_space<hbm>>) target(%arg8 : memref<80x128xi32, #tpu.memory_space<vmem>>) target_semaphore(%run_scoped3A : memref<!tpu.dma_semaphore, #tpu.memory_space<semaphore_mem>>)
      %dma_wait3A = arith.constant 0 : i32
      %dma_wait3A_53 = tpu.memref_slice %arg4[%mul3A_33, %dma_wait3A] : memref<2560x128xi32, #tpu.memory_space<hbm>> -> memref<80x128xi32, #tpu.memory_space<hbm>>
      %dma_wait3A_54 = arith.constant 0 : i32
      %dma_wait3A_55 = tpu.memref_slice %arg4[%mul3A_33, %dma_wait3A_54] : memref<2560x128xi32, #tpu.memory_space<hbm>> -> memref<80x128xi32, #tpu.memory_space<hbm>>
      tpu.wait_dma2 semaphore(%run_scoped3A : memref<!tpu.dma_semaphore, #tpu.memory_space<semaphore_mem>>) src(%dma_wait3A_55 : memref<80x128xi32, #tpu.memory_space<hbm>>) dst(%arg8 : memref<80x128xi32, #tpu.memory_space<vmem>>)
      tpu.yield
    }) : () -> ()
    %barrier3A = arith.constant 0 : index
    tpu.barrier barrier_id(%barrier3A)
    %scan3A_34 = arith.constant 0 : i32
    %scan3A_35 = arith.constant 0 : i32
    %scan3A_36 = arith.constant 80 : i32
    %scan3A_37 = arith.addi %scan3A_35, %scan3A_36 : i32
    %scan3A_38 = arith.constant 1 : i32
    %scan3A_39 = scf.for %scan3A_50 = %scan3A_35 to %scan3A_37 step %scan3A_38 iter_args(%scan3A_51 = %scan3A_34) -> (i32)  : i32 {
      %dma_start3A = arith.constant 0 : i32
      %dma_start3A_52 = tpu.memref_slice %arg7[%scan3A_50, %dma_start3A] : memref<80x128xi32, #tpu.memory_space<vmem>> -> memref<1x128xi32, #tpu.memory_space<vmem>>
      %dma_start3A_53 = tpu.memref_squeeze %dma_start3A_52 : memref<1x128xi32, #tpu.memory_space<vmem>> -> memref<128xi32, #tpu.memory_space<vmem>>
      %dma_start3A_54 = arith.constant 0 : i32
      %dma_start3A_55 = arith.constant 0 : i32
      %dma_start3A_56 = tpu.memref_slice %arg2[%dma_start3A_54, %dma_start3A_55] : memref<10016x32xf32, #tpu.memory_space<hbm>> -> memref<10016x32xf32, #tpu.memory_space<hbm>>
      tpu.enqueue_indirect_dma source(%dma_start3A_56 : memref<10016x32xf32, #tpu.memory_space<hbm>>) target(%arg9 : memref<128x32xf32, #tpu.memory_space<vmem>>) offsets(%dma_start3A_53 : memref<128xi32, #tpu.memory_space<vmem>>) semaphore(%arg12 : memref<!tpu.dma_semaphore, #tpu.memory_space<semaphore_mem>>)
      %dma_wait3A = arith.constant 0 : i32
      %dma_wait3A_57 = tpu.memref_slice %arg7[%scan3A_50, %dma_wait3A] : memref<80x128xi32, #tpu.memory_space<vmem>> -> memref<1x128xi32, #tpu.memory_space<vmem>>
      %dma_wait3A_58 = tpu.memref_squeeze %dma_wait3A_57 : memref<1x128xi32, #tpu.memory_space<vmem>> -> memref<128xi32, #tpu.memory_space<vmem>>
      %dma_wait3A_59 = arith.constant 0 : i32
      %dma_wait3A_60 = arith.constant 0 : i32
      %dma_wait3A_61 = tpu.memref_slice %arg2[%dma_wait3A_59, %dma_wait3A_60] : memref<10016x32xf32, #tpu.memory_space<hbm>> -> memref<10016x32xf32, #tpu.memory_space<hbm>>
      tpu.wait_indirect_dma semaphore(%arg12 : memref<!tpu.dma_semaphore, #tpu.memory_space<semaphore_mem>>) src(%dma_wait3A_61 : memref<10016x32xf32, #tpu.memory_space<hbm>>) dst(%arg9 : memref<128x32xf32, #tpu.memory_space<vmem>>)
      "tpu.region"() ({
        %run_scoped3A = tpu.sem_alloc : memref<!tpu.dma_semaphore, #tpu.memory_space<semaphore_mem>>
        %dma_start3A_63 = arith.constant 0 : i32
        %dma_start3A_64 = tpu.memref_slice %arg8[%scan3A_50, %dma_start3A_63] : memref<80x128xi32, #tpu.memory_space<vmem>> -> memref<1x128xi32, #tpu.memory_space<vmem>>
        %dma_start3A_65 = tpu.memref_squeeze %dma_start3A_64 : memref<1x128xi32, #tpu.memory_space<vmem>> -> memref<128xi32, #tpu.memory_space<vmem>>
        %dma_start3A_66 = arith.constant 0 : i32
        %dma_start3A_67 = arith.constant 0 : i32
        %dma_start3A_68 = tpu.memref_slice %arg11[%dma_start3A_66, %dma_start3A_67] : memref<10016x32xf32, #tpu.memory_space<vmem_shared>> -> memref<10016x32xf32, #tpu.memory_space<vmem_shared>>
        tpu.enqueue_indirect_dma source(%arg9 : memref<128x32xf32, #tpu.memory_space<vmem>>) target(%dma_start3A_68 : memref<10016x32xf32, #tpu.memory_space<vmem_shared>>) offsets(%dma_start3A_65 : memref<128xi32, #tpu.memory_space<vmem>>) semaphore(%run_scoped3A : memref<!tpu.dma_semaphore, #tpu.memory_space<semaphore_mem>>) {add = true}
        %dma_wait3A_69 = arith.constant 0 : i32
        %dma_wait3A_70 = tpu.memref_slice %arg8[%scan3A_50, %dma_wait3A_69] : memref<80x128xi32, #tpu.memory_space<vmem>> -> memref<1x128xi32, #tpu.memory_space<vmem>>
        %dma_wait3A_71 = tpu.memref_squeeze %dma_wait3A_70 : memref<1x128xi32, #tpu.memory_space<vmem>> -> memref<128xi32, #tpu.memory_space<vmem>>
        %dma_wait3A_72 = arith.constant 0 : i32
        %dma_wait3A_73 = arith.constant 0 : i32
        %dma_wait3A_74 = tpu.memref_slice %arg11[%dma_wait3A_72, %dma_wait3A_73] : memref<10016x32xf32, #tpu.memory_space<vmem_shared>> -> memref<10016x32xf32, #tpu.memory_space<vmem_shared>>
        tpu.wait_indirect_dma semaphore(%run_scoped3A : memref<!tpu.dma_semaphore, #tpu.memory_space<semaphore_mem>>) src(%arg9 : memref<128x32xf32, #tpu.memory_space<vmem>>) dst(%dma_wait3A_74 : memref<10016x32xf32, #tpu.memory_space<vmem_shared>>)
        tpu.yield
      }) : () -> ()
      "tpu.region"() ({
        %run_scoped3A = tpu.sem_alloc : memref<!tpu.dma_semaphore, #tpu.memory_space<semaphore_mem>>
        %dma_start3A_63 = arith.constant 0 : i32
        %dma_start3A_64 = tpu.memref_slice %arg7[%scan3A_50, %dma_start3A_63] : memref<80x128xi32, #tpu.memory_space<vmem>> -> memref<1x128xi32, #tpu.memory_space<vmem>>
        %dma_start3A_65 = tpu.memref_squeeze %dma_start3A_64 : memref<1x128xi32, #tpu.memory_space<vmem>> -> memref<128xi32, #tpu.memory_space<vmem>>
        %dma_start3A_66 = arith.constant 0 : i32
        %dma_start3A_67 = arith.constant 0 : i32
        %dma_start3A_68 = tpu.memref_slice %arg15[%dma_start3A_66, %dma_start3A_67] : memref<10016x16xf32, #tpu.memory_space<vmem_shared>> -> memref<10016x16xf32, #tpu.memory_space<vmem_shared>>
        tpu.enqueue_indirect_dma source(%arg13 : memref<128x16xf32, #tpu.memory_space<vmem>>) target(%dma_start3A_68 : memref<10016x16xf32, #tpu.memory_space<vmem_shared>>) offsets(%dma_start3A_65 : memref<128xi32, #tpu.memory_space<vmem>>) semaphore(%run_scoped3A : memref<!tpu.dma_semaphore, #tpu.memory_space<semaphore_mem>>) {add = true}
        %dma_wait3A_69 = arith.constant 0 : i32
        %dma_wait3A_70 = tpu.memref_slice %arg7[%scan3A_50, %dma_wait3A_69] : memref<80x128xi32, #tpu.memory_space<vmem>> -> memref<1x128xi32, #tpu.memory_space<vmem>>
        %dma_wait3A_71 = tpu.memref_squeeze %dma_wait3A_70 : memref<1x128xi32, #tpu.memory_space<vmem>> -> memref<128xi32, #tpu.memory_space<vmem>>
        %dma_wait3A_72 = arith.constant 0 : i32
        %dma_wait3A_73 = arith.constant 0 : i32
        %dma_wait3A_74 = tpu.memref_slice %arg15[%dma_wait3A_72, %dma_wait3A_73] : memref<10016x16xf32, #tpu.memory_space<vmem_shared>> -> memref<10016x16xf32, #tpu.memory_space<vmem_shared>>
        tpu.wait_indirect_dma semaphore(%run_scoped3A : memref<!tpu.dma_semaphore, #tpu.memory_space<semaphore_mem>>) src(%arg13 : memref<128x16xf32, #tpu.memory_space<vmem>>) dst(%dma_wait3A_74 : memref<10016x16xf32, #tpu.memory_space<vmem_shared>>)
        tpu.yield
      }) : () -> ()
      %scan3A_62 = arith.constant 0 : i32
      scf.yield %scan3A_62 : i32
    }
    %scan3A_40 = arith.constant 80 : i32
    %barrier3A_41 = arith.constant 0 : index
    tpu.barrier barrier_id(%barrier3A_41)
    %mul3A_42 = arith.constant 626 : i32
    %mul3A_43 = arith.muli %arg1, %mul3A_42 : i32
    "tpu.region"() ({
      %run_scoped3A = tpu.sem_alloc : memref<!tpu.dma_semaphore, #tpu.memory_space<semaphore_mem>>
      %dma_start3A = arith.constant 0 : i32
      %dma_start3A_50 = tpu.memref_slice %arg11[%mul3A_43, %dma_start3A] : memref<10016x32xf32, #tpu.memory_space<vmem_shared>> -> memref<626x32xf32, #tpu.memory_space<vmem_shared>>
      %dma_start3A_51 = arith.constant 0 : i32
      %dma_start3A_52 = tpu.memref_slice %arg11[%mul3A_43, %dma_start3A_51] : memref<10016x32xf32, #tpu.memory_space<vmem_shared>> -> memref<626x32xf32, #tpu.memory_space<vmem_shared>>
      tpu.enqueue_dma source(%dma_start3A_52 : memref<626x32xf32, #tpu.memory_space<vmem_shared>>) target(%arg10 : memref<626x32xf32, #tpu.memory_space<vmem>>) target_semaphore(%run_scoped3A : memref<!tpu.dma_semaphore, #tpu.memory_space<semaphore_mem>>)
      %dma_wait3A = arith.constant 0 : i32
      %dma_wait3A_53 = tpu.memref_slice %arg11[%mul3A_43, %dma_wait3A] : memref<10016x32xf32, #tpu.memory_space<vmem_shared>> -> memref<626x32xf32, #tpu.memory_space<vmem_shared>>
      %dma_wait3A_54 = arith.constant 0 : i32
      %dma_wait3A_55 = tpu.memref_slice %arg11[%mul3A_43, %dma_wait3A_54] : memref<10016x32xf32, #tpu.memory_space<vmem_shared>> -> memref<626x32xf32, #tpu.memory_space<vmem_shared>>
      tpu.wait_dma2 semaphore(%run_scoped3A : memref<!tpu.dma_semaphore, #tpu.memory_space<semaphore_mem>>) src(%dma_wait3A_55 : memref<626x32xf32, #tpu.memory_space<vmem_shared>>) dst(%arg10 : memref<626x32xf32, #tpu.memory_space<vmem>>)
      tpu.yield
    }) : () -> ()
    %mul3A_44 = arith.constant 626 : i32
    %mul3A_45 = arith.muli %arg1, %mul3A_44 : i32
    "tpu.region"() ({
      %run_scoped3A = tpu.sem_alloc : memref<!tpu.dma_semaphore, #tpu.memory_space<semaphore_mem>>
      %dma_start3A = arith.constant 0 : i32
      %dma_start3A_50 = arith.constant 0 : i32
      %dma_start3A_51 = tpu.memref_slice %arg5[%arg0, %dma_start3A, %dma_start3A_50] : memref<2x10016x32xf32, #tpu.memory_space<hbm>> -> memref<1x10016x32xf32, #tpu.memory_space<hbm>>
      %dma_start3A_52 = tpu.memref_squeeze %dma_start3A_51 : memref<1x10016x32xf32, #tpu.memory_space<hbm>> -> memref<10016x32xf32, #tpu.memory_space<hbm>>
      %dma_start3A_53 = arith.constant 0 : i32
      %dma_start3A_54 = tpu.memref_slice %dma_start3A_52[%mul3A_45, %dma_start3A_53] : memref<10016x32xf32, #tpu.memory_space<hbm>> -> memref<626x32xf32, #tpu.memory_space<hbm>>
      %dma_start3A_55 = arith.constant 0 : i32
      %dma_start3A_56 = arith.constant 0 : i32
      %dma_start3A_57 = tpu.memref_slice %arg5[%arg0, %dma_start3A_55, %dma_start3A_56] : memref<2x10016x32xf32, #tpu.memory_space<hbm>> -> memref<1x10016x32xf32, #tpu.memory_space<hbm>>
      %dma_start3A_58 = tpu.memref_squeeze %dma_start3A_57 : memref<1x10016x32xf32, #tpu.memory_space<hbm>> -> memref<10016x32xf32, #tpu.memory_space<hbm>>
      %dma_start3A_59 = arith.constant 0 : i32
      %dma_start3A_60 = tpu.memref_slice %dma_start3A_58[%mul3A_45, %dma_start3A_59] : memref<10016x32xf32, #tpu.memory_space<hbm>> -> memref<626x32xf32, #tpu.memory_space<hbm>>
      tpu.enqueue_dma source(%arg10 : memref<626x32xf32, #tpu.memory_space<vmem>>) target(%dma_start3A_60 : memref<626x32xf32, #tpu.memory_space<hbm>>) target_semaphore(%run_scoped3A : memref<!tpu.dma_semaphore, #tpu.memory_space<semaphore_mem>>)
      %dma_wait3A = arith.constant 0 : i32
      %dma_wait3A_61 = arith.constant 0 : i32
      %dma_wait3A_62 = tpu.memref_slice %arg5[%arg0, %dma_wait3A, %dma_wait3A_61] : memref<2x10016x32xf32, #tpu.memory_space<hbm>> -> memref<1x10016x32xf32, #tpu.memory_space<hbm>>
      %dma_wait3A_63 = tpu.memref_squeeze %dma_wait3A_62 : memref<1x10016x32xf32, #tpu.memory_space<hbm>> -> memref<10016x32xf32, #tpu.memory_space<hbm>>
      %dma_wait3A_64 = arith.constant 0 : i32
      %dma_wait3A_65 = tpu.memref_slice %dma_wait3A_63[%mul3A_45, %dma_wait3A_64] : memref<10016x32xf32, #tpu.memory_space<hbm>> -> memref<626x32xf32, #tpu.memory_space<hbm>>
      %dma_wait3A_66 = arith.constant 0 : i32
      %dma_wait3A_67 = arith.constant 0 : i32
      %dma_wait3A_68 = tpu.memref_slice %arg5[%arg0, %dma_wait3A_66, %dma_wait3A_67] : memref<2x10016x32xf32, #tpu.memory_space<hbm>> -> memref<1x10016x32xf32, #tpu.memory_space<hbm>>
      %dma_wait3A_69 = tpu.memref_squeeze %dma_wait3A_68 : memref<1x10016x32xf32, #tpu.memory_space<hbm>> -> memref<10016x32xf32, #tpu.memory_space<hbm>>
      %dma_wait3A_70 = arith.constant 0 : i32
      %dma_wait3A_71 = tpu.memref_slice %dma_wait3A_69[%mul3A_45, %dma_wait3A_70] : memref<10016x32xf32, #tpu.memory_space<hbm>> -> memref<626x32xf32, #tpu.memory_space<hbm>>
      tpu.wait_dma2 semaphore(%run_scoped3A : memref<!tpu.dma_semaphore, #tpu.memory_space<semaphore_mem>>) src(%arg10 : memref<626x32xf32, #tpu.memory_space<vmem>>) dst(%dma_wait3A_71 : memref<626x32xf32, #tpu.memory_space<hbm>>)
      tpu.yield
    }) : () -> ()
    %mul3A_46 = arith.constant 626 : i32
    %mul3A_47 = arith.muli %arg1, %mul3A_46 : i32
    "tpu.region"() ({
      %run_scoped3A = tpu.sem_alloc : memref<!tpu.dma_semaphore, #tpu.memory_space<semaphore_mem>>
      %dma_start3A = arith.constant 0 : i32
      %dma_start3A_50 = tpu.memref_slice %arg15[%mul3A_47, %dma_start3A] : memref<10016x16xf32, #tpu.memory_space<vmem_shared>> -> memref<626x16xf32, #tpu.memory_space<vmem_shared>>
      %dma_start3A_51 = arith.constant 0 : i32
      %dma_start3A_52 = tpu.memref_slice %arg15[%mul3A_47, %dma_start3A_51] : memref<10016x16xf32, #tpu.memory_space<vmem_shared>> -> memref<626x16xf32, #tpu.memory_space<vmem_shared>>
      tpu.enqueue_dma source(%dma_start3A_52 : memref<626x16xf32, #tpu.memory_space<vmem_shared>>) target(%arg14 : memref<626x16xf32, #tpu.memory_space<vmem>>) target_semaphore(%run_scoped3A : memref<!tpu.dma_semaphore, #tpu.memory_space<semaphore_mem>>)
      %dma_wait3A = arith.constant 0 : i32
      %dma_wait3A_53 = tpu.memref_slice %arg15[%mul3A_47, %dma_wait3A] : memref<10016x16xf32, #tpu.memory_space<vmem_shared>> -> memref<626x16xf32, #tpu.memory_space<vmem_shared>>
      %dma_wait3A_54 = arith.constant 0 : i32
      %dma_wait3A_55 = tpu.memref_slice %arg15[%mul3A_47, %dma_wait3A_54] : memref<10016x16xf32, #tpu.memory_space<vmem_shared>> -> memref<626x16xf32, #tpu.memory_space<vmem_shared>>
      tpu.wait_dma2 semaphore(%run_scoped3A : memref<!tpu.dma_semaphore, #tpu.memory_space<semaphore_mem>>) src(%dma_wait3A_55 : memref<626x16xf32, #tpu.memory_space<vmem_shared>>) dst(%arg14 : memref<626x16xf32, #tpu.memory_space<vmem>>)
      tpu.yield
    }) : () -> ()
    %mul3A_48 = arith.constant 626 : i32
    %mul3A_49 = arith.muli %arg1, %mul3A_48 : i32
    "tpu.region"() ({
      %run_scoped3A = tpu.sem_alloc : memref<!tpu.dma_semaphore, #tpu.memory_space<semaphore_mem>>
      %dma_start3A = arith.constant 0 : i32
      %dma_start3A_50 = arith.constant 0 : i32
      %dma_start3A_51 = tpu.memref_slice %arg6[%arg0, %dma_start3A, %dma_start3A_50] : memref<2x10016x16xf32, #tpu.memory_space<hbm>> -> memref<1x10016x16xf32, #tpu.memory_space<hbm>>
      %dma_start3A_52 = tpu.memref_squeeze %dma_start3A_51 : memref<1x10016x16xf32, #tpu.memory_space<hbm>> -> memref<10016x16xf32, #tpu.memory_space<hbm>>
      %dma_start3A_53 = arith.constant 0 : i32
      %dma_start3A_54 = tpu.memref_slice %dma_start3A_52[%mul3A_49, %dma_start3A_53] : memref<10016x16xf32, #tpu.memory_space<hbm>> -> memref<626x16xf32, #tpu.memory_space<hbm>>
      %dma_start3A_55 = arith.constant 0 : i32
      %dma_start3A_56 = arith.constant 0 : i32
      %dma_start3A_57 = tpu.memref_slice %arg6[%arg0, %dma_start3A_55, %dma_start3A_56] : memref<2x10016x16xf32, #tpu.memory_space<hbm>> -> memref<1x10016x16xf32, #tpu.memory_space<hbm>>
      %dma_start3A_58 = tpu.memref_squeeze %dma_start3A_57 : memref<1x10016x16xf32, #tpu.memory_space<hbm>> -> memref<10016x16xf32, #tpu.memory_space<hbm>>
      %dma_start3A_59 = arith.constant 0 : i32
      %dma_start3A_60 = tpu.memref_slice %dma_start3A_58[%mul3A_49, %dma_start3A_59] : memref<10016x16xf32, #tpu.memory_space<hbm>> -> memref<626x16xf32, #tpu.memory_space<hbm>>
      tpu.enqueue_dma source(%arg14 : memref<626x16xf32, #tpu.memory_space<vmem>>) target(%dma_start3A_60 : memref<626x16xf32, #tpu.memory_space<hbm>>) target_semaphore(%run_scoped3A : memref<!tpu.dma_semaphore, #tpu.memory_space<semaphore_mem>>)
      %dma_wait3A = arith.constant 0 : i32
      %dma_wait3A_61 = arith.constant 0 : i32
      %dma_wait3A_62 = tpu.memref_slice %arg6[%arg0, %dma_wait3A, %dma_wait3A_61] : memref<2x10016x16xf32, #tpu.memory_space<hbm>> -> memref<1x10016x16xf32, #tpu.memory_space<hbm>>
      %dma_wait3A_63 = tpu.memref_squeeze %dma_wait3A_62 : memref<1x10016x16xf32, #tpu.memory_space<hbm>> -> memref<10016x16xf32, #tpu.memory_space<hbm>>
      %dma_wait3A_64 = arith.constant 0 : i32
      %dma_wait3A_65 = tpu.memref_slice %dma_wait3A_63[%mul3A_49, %dma_wait3A_64] : memref<10016x16xf32, #tpu.memory_space<hbm>> -> memref<626x16xf32, #tpu.memory_space<hbm>>
      %dma_wait3A_66 = arith.constant 0 : i32
      %dma_wait3A_67 = arith.constant 0 : i32
      %dma_wait3A_68 = tpu.memref_slice %arg6[%arg0, %dma_wait3A_66, %dma_wait3A_67] : memref<2x10016x16xf32, #tpu.memory_space<hbm>> -> memref<1x10016x16xf32, #tpu.memory_space<hbm>>
      %dma_wait3A_69 = tpu.memref_squeeze %dma_wait3A_68 : memref<1x10016x16xf32, #tpu.memory_space<hbm>> -> memref<10016x16xf32, #tpu.memory_space<hbm>>
      %dma_wait3A_70 = arith.constant 0 : i32
      %dma_wait3A_71 = tpu.memref_slice %dma_wait3A_69[%mul3A_49, %dma_wait3A_70] : memref<10016x16xf32, #tpu.memory_space<hbm>> -> memref<626x16xf32, #tpu.memory_space<hbm>>
      tpu.wait_dma2 semaphore(%run_scoped3A : memref<!tpu.dma_semaphore, #tpu.memory_space<semaphore_mem>>) src(%arg14 : memref<626x16xf32, #tpu.memory_space<vmem>>) dst(%dma_wait3A_71 : memref<626x16xf32, #tpu.memory_space<hbm>>)
      tpu.yield
    }) : () -> ()
    return
  }
}

#map = affine_map<(d0, d1) -> (0, 0)>
#map1 = affine_map<(d0, d1) -> (0, 0, 0)>
module attributes {stable_mosaic.version = 14 : i64} {
  func.func @_sc_scatter(%arg0: i32, %arg1: i32, %arg2: memref<10016x32xf32, #tpu.memory_space<hbm>>, %arg3: memref<2560x128xi32, #tpu.memory_space<hbm>>, %arg4: memref<2560x128xi32, #tpu.memory_space<hbm>>, %arg5: memref<2x10016x32xf32, #tpu.memory_space<hbm>>, %arg6: memref<80x128xi32, #tpu.memory_space<vmem>>, %arg7: memref<80x128xi32, #tpu.memory_space<vmem>>, %arg8: memref<128x32xf32, #tpu.memory_space<vmem>>, %arg9: memref<626x32xf32, #tpu.memory_space<vmem>>, %arg10: memref<10016x32xf32, #tpu.memory_space<vmem_shared>>, %arg11: memref<!tpu.dma_semaphore, #tpu.memory_space<semaphore_mem>>) attributes {dimension_semantics = [#tpu.dimension_semantics<core_parallel>, #tpu.dimension_semantics<subcore_parallel>], iteration_bounds = array<i64: 2, 16>, scalar_prefetch = 0 : i64, scratch_operands = 6 : i64, tpu.core_type = #tpu.core_type<sc_vector_subcore>, window_params = [{transform_indices = #map}, {transform_indices = #map}, {transform_indices = #map}, {transform_indices = #map1}]} {
    %mul3A = arith.constant 2 : i32
    %mul3A_0 = arith.muli %arg1, %mul3A : i32
    %add3A = arith.addi %mul3A_0, %arg0 : i32
    %broadcast_in_dim3A = arith.constant 0.000000e+00 : f32
    %broadcast_in_dim3A_1 = vector.broadcast %broadcast_in_dim3A : f32 to vector<16xf32>
    %scan3A = arith.constant 0 : i32
    %scan3A_2 = arith.constant 0 : i32
    %scan3A_3 = arith.constant 626 : i32
    %scan3A_4 = arith.addi %scan3A_2, %scan3A_3 : i32
    %scan3A_5 = arith.constant 1 : i32
    %scan3A_6 = scf.for %scan3A_26 = %scan3A_2 to %scan3A_4 step %scan3A_5 iter_args(%scan3A_27 = %scan3A) -> (i32)  : i32 {
      %swap3A = arith.index_cast %scan3A_26 : i32 to index
      %swap3A_28 = arith.constant 0 : index
      %swap3A_29 = tpu.vector_load %arg9[%swap3A, %swap3A_28] {strides = array<i32>} : memref<626x32xf32, #tpu.memory_space<vmem>>, vector<1x16xf32>,
      %swap3A_30 = vector.shape_cast %swap3A_29 : vector<1x16xf32> to vector<16xf32>
      %swap3A_31 = vector.shape_cast %broadcast_in_dim3A_1 : vector<16xf32> to vector<1x16xf32>
      tpu.vector_store %arg9[%swap3A, %swap3A_28], %swap3A_31 {strides = array<i32>} : memref<626x32xf32, #tpu.memory_space<vmem>>, vector<1x16xf32>,
      %swap3A_32 = arith.index_cast %scan3A_26 : i32 to index
      %swap3A_33 = arith.constant 16 : index
      %swap3A_34 = tpu.vector_load %arg9[%swap3A_32, %swap3A_33] {strides = array<i32>} : memref<626x32xf32, #tpu.memory_space<vmem>>, vector<1x16xf32>,
      %swap3A_35 = vector.shape_cast %swap3A_34 : vector<1x16xf32> to vector<16xf32>
      %swap3A_36 = vector.shape_cast %broadcast_in_dim3A_1 : vector<16xf32> to vector<1x16xf32>
      tpu.vector_store %arg9[%swap3A_32, %swap3A_33], %swap3A_36 {strides = array<i32>} : memref<626x32xf32, #tpu.memory_space<vmem>>, vector<1x16xf32>,
      %scan3A_37 = arith.constant 0 : i32
      scf.yield %scan3A_37 : i32
    }
    %scan3A_7 = arith.constant 626 : i32
    %mul3A_8 = arith.constant 626 : i32
    %mul3A_9 = arith.muli %arg1, %mul3A_8 : i32
    "tpu.region"() ({
      %run_scoped3A = tpu.sem_alloc : memref<!tpu.dma_semaphore, #tpu.memory_space<semaphore_mem>>
      %dma_start3A = arith.constant 0 : i32
      %dma_start3A_26 = tpu.memref_slice %arg10[%mul3A_9, %dma_start3A] : memref<10016x32xf32, #tpu.memory_space<vmem_shared>> -> memref<626x32xf32, #tpu.memory_space<vmem_shared>>
      %dma_start3A_27 = arith.constant 0 : i32
      %dma_start3A_28 = tpu.memref_slice %arg10[%mul3A_9, %dma_start3A_27] : memref<10016x32xf32, #tpu.memory_space<vmem_shared>> -> memref<626x32xf32, #tpu.memory_space<vmem_shared>>
      tpu.enqueue_dma source(%arg9 : memref<626x32xf32, #tpu.memory_space<vmem>>) target(%dma_start3A_28 : memref<626x32xf32, #tpu.memory_space<vmem_shared>>) target_semaphore(%run_scoped3A : memref<!tpu.dma_semaphore, #tpu.memory_space<semaphore_mem>>)
      %dma_wait3A = arith.constant 0 : i32
      %dma_wait3A_29 = tpu.memref_slice %arg10[%mul3A_9, %dma_wait3A] : memref<10016x32xf32, #tpu.memory_space<vmem_shared>> -> memref<626x32xf32, #tpu.memory_space<vmem_shared>>
      %dma_wait3A_30 = arith.constant 0 : i32
      %dma_wait3A_31 = tpu.memref_slice %arg10[%mul3A_9, %dma_wait3A_30] : memref<10016x32xf32, #tpu.memory_space<vmem_shared>> -> memref<626x32xf32, #tpu.memory_space<vmem_shared>>
      tpu.wait_dma2 semaphore(%run_scoped3A : memref<!tpu.dma_semaphore, #tpu.memory_space<semaphore_mem>>) src(%arg9 : memref<626x32xf32, #tpu.memory_space<vmem>>) dst(%dma_wait3A_31 : memref<626x32xf32, #tpu.memory_space<vmem_shared>>)
      tpu.yield
    }) : () -> ()
    %mul3A_10 = arith.constant 80 : i32
    %mul3A_11 = arith.muli %add3A, %mul3A_10 : i32
    "tpu.region"() ({
      %run_scoped3A = tpu.sem_alloc : memref<!tpu.dma_semaphore, #tpu.memory_space<semaphore_mem>>
      %dma_start3A = arith.constant 0 : i32
      %dma_start3A_26 = tpu.memref_slice %arg3[%mul3A_11, %dma_start3A] : memref<2560x128xi32, #tpu.memory_space<hbm>> -> memref<80x128xi32, #tpu.memory_space<hbm>>
      %dma_start3A_27 = arith.constant 0 : i32
      %dma_start3A_28 = tpu.memref_slice %arg3[%mul3A_11, %dma_start3A_27] : memref<2560x128xi32, #tpu.memory_space<hbm>> -> memref<80x128xi32, #tpu.memory_space<hbm>>
      tpu.enqueue_dma source(%dma_start3A_28 : memref<80x128xi32, #tpu.memory_space<hbm>>) target(%arg6 : memref<80x128xi32, #tpu.memory_space<vmem>>) target_semaphore(%run_scoped3A : memref<!tpu.dma_semaphore, #tpu.memory_space<semaphore_mem>>)
      %dma_wait3A = arith.constant 0 : i32
      %dma_wait3A_29 = tpu.memref_slice %arg3[%mul3A_11, %dma_wait3A] : memref<2560x128xi32, #tpu.memory_space<hbm>> -> memref<80x128xi32, #tpu.memory_space<hbm>>
      %dma_wait3A_30 = arith.constant 0 : i32
      %dma_wait3A_31 = tpu.memref_slice %arg3[%mul3A_11, %dma_wait3A_30] : memref<2560x128xi32, #tpu.memory_space<hbm>> -> memref<80x128xi32, #tpu.memory_space<hbm>>
      tpu.wait_dma2 semaphore(%run_scoped3A : memref<!tpu.dma_semaphore, #tpu.memory_space<semaphore_mem>>) src(%dma_wait3A_31 : memref<80x128xi32, #tpu.memory_space<hbm>>) dst(%arg6 : memref<80x128xi32, #tpu.memory_space<vmem>>)
      tpu.yield
    }) : () -> ()
    %mul3A_12 = arith.constant 80 : i32
    %mul3A_13 = arith.muli %add3A, %mul3A_12 : i32
    "tpu.region"() ({
      %run_scoped3A = tpu.sem_alloc : memref<!tpu.dma_semaphore, #tpu.memory_space<semaphore_mem>>
      %dma_start3A = arith.constant 0 : i32
      %dma_start3A_26 = tpu.memref_slice %arg4[%mul3A_13, %dma_start3A] : memref<2560x128xi32, #tpu.memory_space<hbm>> -> memref<80x128xi32, #tpu.memory_space<hbm>>
      %dma_start3A_27 = arith.constant 0 : i32
      %dma_start3A_28 = tpu.memref_slice %arg4[%mul3A_13, %dma_start3A_27] : memref<2560x128xi32, #tpu.memory_space<hbm>> -> memref<80x128xi32, #tpu.memory_space<hbm>>
      tpu.enqueue_dma source(%dma_start3A_28 : memref<80x128xi32, #tpu.memory_space<hbm>>) target(%arg7 : memref<80x128xi32, #tpu.memory_space<vmem>>) target_semaphore(%run_scoped3A : memref<!tpu.dma_semaphore, #tpu.memory_space<semaphore_mem>>)
      %dma_wait3A = arith.constant 0 : i32
      %dma_wait3A_29 = tpu.memref_slice %arg4[%mul3A_13, %dma_wait3A] : memref<2560x128xi32, #tpu.memory_space<hbm>> -> memref<80x128xi32, #tpu.memory_space<hbm>>
      %dma_wait3A_30 = arith.constant 0 : i32
      %dma_wait3A_31 = tpu.memref_slice %arg4[%mul3A_13, %dma_wait3A_30] : memref<2560x128xi32, #tpu.memory_space<hbm>> -> memref<80x128xi32, #tpu.memory_space<hbm>>
      tpu.wait_dma2 semaphore(%run_scoped3A : memref<!tpu.dma_semaphore, #tpu.memory_space<semaphore_mem>>) src(%dma_wait3A_31 : memref<80x128xi32, #tpu.memory_space<hbm>>) dst(%arg7 : memref<80x128xi32, #tpu.memory_space<vmem>>)
      tpu.yield
    }) : () -> ()
    %barrier3A = arith.constant 0 : index
    tpu.barrier barrier_id(%barrier3A)
    %scan3A_14 = arith.constant 0 : i32
    %scan3A_15 = arith.constant 0 : i32
    %scan3A_16 = arith.constant 80 : i32
    %scan3A_17 = arith.addi %scan3A_15, %scan3A_16 : i32
    %scan3A_18 = arith.constant 1 : i32
    %scan3A_19 = scf.for %scan3A_26 = %scan3A_15 to %scan3A_17 step %scan3A_18 iter_args(%scan3A_27 = %scan3A_14) -> (i32)  : i32 {
      %dma_start3A = arith.constant 0 : i32
      %dma_start3A_28 = tpu.memref_slice %arg6[%scan3A_26, %dma_start3A] : memref<80x128xi32, #tpu.memory_space<vmem>> -> memref<1x128xi32, #tpu.memory_space<vmem>>
      %dma_start3A_29 = tpu.memref_squeeze %dma_start3A_28 : memref<1x128xi32, #tpu.memory_space<vmem>> -> memref<128xi32, #tpu.memory_space<vmem>>
      %dma_start3A_30 = arith.constant 0 : i32
      %dma_start3A_31 = arith.constant 0 : i32
      %dma_start3A_32 = tpu.memref_slice %arg2[%dma_start3A_30, %dma_start3A_31] : memref<10016x32xf32, #tpu.memory_space<hbm>> -> memref<10016x32xf32, #tpu.memory_space<hbm>>
      tpu.enqueue_indirect_dma source(%dma_start3A_32 : memref<10016x32xf32, #tpu.memory_space<hbm>>) target(%arg8 : memref<128x32xf32, #tpu.memory_space<vmem>>) offsets(%dma_start3A_29 : memref<128xi32, #tpu.memory_space<vmem>>) semaphore(%arg11 : memref<!tpu.dma_semaphore, #tpu.memory_space<semaphore_mem>>)
      %dma_wait3A = arith.constant 0 : i32
      %dma_wait3A_33 = tpu.memref_slice %arg6[%scan3A_26, %dma_wait3A] : memref<80x128xi32, #tpu.memory_space<vmem>> -> memref<1x128xi32, #tpu.memory_space<vmem>>
      %dma_wait3A_34 = tpu.memref_squeeze %dma_wait3A_33 : memref<1x128xi32, #tpu.memory_space<vmem>> -> memref<128xi32, #tpu.memory_space<vmem>>
      %dma_wait3A_35 = arith.constant 0 : i32
      %dma_wait3A_36 = arith.constant 0 : i32
      %dma_wait3A_37 = tpu.memref_slice %arg2[%dma_wait3A_35, %dma_wait3A_36] : memref<10016x32xf32, #tpu.memory_space<hbm>> -> memref<10016x32xf32, #tpu.memory_space<hbm>>
      tpu.wait_indirect_dma semaphore(%arg11 : memref<!tpu.dma_semaphore, #tpu.memory_space<semaphore_mem>>) src(%dma_wait3A_37 : memref<10016x32xf32, #tpu.memory_space<hbm>>) dst(%arg8 : memref<128x32xf32, #tpu.memory_space<vmem>>)
      "tpu.region"() ({
        %run_scoped3A = tpu.sem_alloc : memref<!tpu.dma_semaphore, #tpu.memory_space<semaphore_mem>>
        %dma_start3A_39 = arith.constant 0 : i32
        %dma_start3A_40 = tpu.memref_slice %arg7[%scan3A_26, %dma_start3A_39] : memref<80x128xi32, #tpu.memory_space<vmem>> -> memref<1x128xi32, #tpu.memory_space<vmem>>
        %dma_start3A_41 = tpu.memref_squeeze %dma_start3A_40 : memref<1x128xi32, #tpu.memory_space<vmem>> -> memref<128xi32, #tpu.memory_space<vmem>>
        %dma_start3A_42 = arith.constant 0 : i32
        %dma_start3A_43 = arith.constant 0 : i32
        %dma_start3A_44 = tpu.memref_slice %arg10[%dma_start3A_42, %dma_start3A_43] : memref<10016x32xf32, #tpu.memory_space<vmem_shared>> -> memref<10016x32xf32, #tpu.memory_space<vmem_shared>>
        tpu.enqueue_indirect_dma source(%arg8 : memref<128x32xf32, #tpu.memory_space<vmem>>) target(%dma_start3A_44 : memref<10016x32xf32, #tpu.memory_space<vmem_shared>>) offsets(%dma_start3A_41 : memref<128xi32, #tpu.memory_space<vmem>>) semaphore(%run_scoped3A : memref<!tpu.dma_semaphore, #tpu.memory_space<semaphore_mem>>) {add = true}
        %dma_wait3A_45 = arith.constant 0 : i32
        %dma_wait3A_46 = tpu.memref_slice %arg7[%scan3A_26, %dma_wait3A_45] : memref<80x128xi32, #tpu.memory_space<vmem>> -> memref<1x128xi32, #tpu.memory_space<vmem>>
        %dma_wait3A_47 = tpu.memref_squeeze %dma_wait3A_46 : memref<1x128xi32, #tpu.memory_space<vmem>> -> memref<128xi32, #tpu.memory_space<vmem>>
        %dma_wait3A_48 = arith.constant 0 : i32
        %dma_wait3A_49 = arith.constant 0 : i32
        %dma_wait3A_50 = tpu.memref_slice %arg10[%dma_wait3A_48, %dma_wait3A_49] : memref<10016x32xf32, #tpu.memory_space<vmem_shared>> -> memref<10016x32xf32, #tpu.memory_space<vmem_shared>>
        tpu.wait_indirect_dma semaphore(%run_scoped3A : memref<!tpu.dma_semaphore, #tpu.memory_space<semaphore_mem>>) src(%arg8 : memref<128x32xf32, #tpu.memory_space<vmem>>) dst(%dma_wait3A_50 : memref<10016x32xf32, #tpu.memory_space<vmem_shared>>)
        tpu.yield
      }) : () -> ()
      %scan3A_38 = arith.constant 0 : i32
      scf.yield %scan3A_38 : i32
    }
    %scan3A_20 = arith.constant 80 : i32
    %barrier3A_21 = arith.constant 0 : index
    tpu.barrier barrier_id(%barrier3A_21)
    %mul3A_22 = arith.constant 626 : i32
    %mul3A_23 = arith.muli %arg1, %mul3A_22 : i32
    "tpu.region"() ({
      %run_scoped3A = tpu.sem_alloc : memref<!tpu.dma_semaphore, #tpu.memory_space<semaphore_mem>>
      %dma_start3A = arith.constant 0 : i32
      %dma_start3A_26 = tpu.memref_slice %arg10[%mul3A_23, %dma_start3A] : memref<10016x32xf32, #tpu.memory_space<vmem_shared>> -> memref<626x32xf32, #tpu.memory_space<vmem_shared>>
      %dma_start3A_27 = arith.constant 0 : i32
      %dma_start3A_28 = tpu.memref_slice %arg10[%mul3A_23, %dma_start3A_27] : memref<10016x32xf32, #tpu.memory_space<vmem_shared>> -> memref<626x32xf32, #tpu.memory_space<vmem_shared>>
      tpu.enqueue_dma source(%dma_start3A_28 : memref<626x32xf32, #tpu.memory_space<vmem_shared>>) target(%arg9 : memref<626x32xf32, #tpu.memory_space<vmem>>) target_semaphore(%run_scoped3A : memref<!tpu.dma_semaphore, #tpu.memory_space<semaphore_mem>>)
      %dma_wait3A = arith.constant 0 : i32
      %dma_wait3A_29 = tpu.memref_slice %arg10[%mul3A_23, %dma_wait3A] : memref<10016x32xf32, #tpu.memory_space<vmem_shared>> -> memref<626x32xf32, #tpu.memory_space<vmem_shared>>
      %dma_wait3A_30 = arith.constant 0 : i32
      %dma_wait3A_31 = tpu.memref_slice %arg10[%mul3A_23, %dma_wait3A_30] : memref<10016x32xf32, #tpu.memory_space<vmem_shared>> -> memref<626x32xf32, #tpu.memory_space<vmem_shared>>
      tpu.wait_dma2 semaphore(%run_scoped3A : memref<!tpu.dma_semaphore, #tpu.memory_space<semaphore_mem>>) src(%dma_wait3A_31 : memref<626x32xf32, #tpu.memory_space<vmem_shared>>) dst(%arg9 : memref<626x32xf32, #tpu.memory_space<vmem>>)
      tpu.yield
    }) : () -> ()
    %mul3A_24 = arith.constant 626 : i32
    %mul3A_25 = arith.muli %arg1, %mul3A_24 : i32
    "tpu.region"() ({
      %run_scoped3A = tpu.sem_alloc : memref<!tpu.dma_semaphore, #tpu.memory_space<semaphore_mem>>
      %dma_start3A = arith.constant 0 : i32
      %dma_start3A_26 = arith.constant 0 : i32
      %dma_start3A_27 = tpu.memref_slice %arg5[%arg0, %dma_start3A, %dma_start3A_26] : memref<2x10016x32xf32, #tpu.memory_space<hbm>> -> memref<1x10016x32xf32, #tpu.memory_space<hbm>>
      %dma_start3A_28 = tpu.memref_squeeze %dma_start3A_27 : memref<1x10016x32xf32, #tpu.memory_space<hbm>> -> memref<10016x32xf32, #tpu.memory_space<hbm>>
      %dma_start3A_29 = arith.constant 0 : i32
      %dma_start3A_30 = tpu.memref_slice %dma_start3A_28[%mul3A_25, %dma_start3A_29] : memref<10016x32xf32, #tpu.memory_space<hbm>> -> memref<626x32xf32, #tpu.memory_space<hbm>>
      %dma_start3A_31 = arith.constant 0 : i32
      %dma_start3A_32 = arith.constant 0 : i32
      %dma_start3A_33 = tpu.memref_slice %arg5[%arg0, %dma_start3A_31, %dma_start3A_32] : memref<2x10016x32xf32, #tpu.memory_space<hbm>> -> memref<1x10016x32xf32, #tpu.memory_space<hbm>>
      %dma_start3A_34 = tpu.memref_squeeze %dma_start3A_33 : memref<1x10016x32xf32, #tpu.memory_space<hbm>> -> memref<10016x32xf32, #tpu.memory_space<hbm>>
      %dma_start3A_35 = arith.constant 0 : i32
      %dma_start3A_36 = tpu.memref_slice %dma_start3A_34[%mul3A_25, %dma_start3A_35] : memref<10016x32xf32, #tpu.memory_space<hbm>> -> memref<626x32xf32, #tpu.memory_space<hbm>>
      tpu.enqueue_dma source(%arg9 : memref<626x32xf32, #tpu.memory_space<vmem>>) target(%dma_start3A_36 : memref<626x32xf32, #tpu.memory_space<hbm>>) target_semaphore(%run_scoped3A : memref<!tpu.dma_semaphore, #tpu.memory_space<semaphore_mem>>)
      %dma_wait3A = arith.constant 0 : i32
      %dma_wait3A_37 = arith.constant 0 : i32
      %dma_wait3A_38 = tpu.memref_slice %arg5[%arg0, %dma_wait3A, %dma_wait3A_37] : memref<2x10016x32xf32, #tpu.memory_space<hbm>> -> memref<1x10016x32xf32, #tpu.memory_space<hbm>>
      %dma_wait3A_39 = tpu.memref_squeeze %dma_wait3A_38 : memref<1x10016x32xf32, #tpu.memory_space<hbm>> -> memref<10016x32xf32, #tpu.memory_space<hbm>>
      %dma_wait3A_40 = arith.constant 0 : i32
      %dma_wait3A_41 = tpu.memref_slice %dma_wait3A_39[%mul3A_25, %dma_wait3A_40] : memref<10016x32xf32, #tpu.memory_space<hbm>> -> memref<626x32xf32, #tpu.memory_space<hbm>>
      %dma_wait3A_42 = arith.constant 0 : i32
      %dma_wait3A_43 = arith.constant 0 : i32
      %dma_wait3A_44 = tpu.memref_slice %arg5[%arg0, %dma_wait3A_42, %dma_wait3A_43] : memref<2x10016x32xf32, #tpu.memory_space<hbm>> -> memref<1x10016x32xf32, #tpu.memory_space<hbm>>
      %dma_wait3A_45 = tpu.memref_squeeze %dma_wait3A_44 : memref<1x10016x32xf32, #tpu.memory_space<hbm>> -> memref<10016x32xf32, #tpu.memory_space<hbm>>
      %dma_wait3A_46 = arith.constant 0 : i32
      %dma_wait3A_47 = tpu.memref_slice %dma_wait3A_45[%mul3A_25, %dma_wait3A_46] : memref<10016x32xf32, #tpu.memory_space<hbm>> -> memref<626x32xf32, #tpu.memory_space<hbm>>
      tpu.wait_dma2 semaphore(%run_scoped3A : memref<!tpu.dma_semaphore, #tpu.memory_space<semaphore_mem>>) src(%arg9 : memref<626x32xf32, #tpu.memory_space<vmem>>) dst(%dma_wait3A_47 : memref<626x32xf32, #tpu.memory_space<hbm>>)
      tpu.yield
    }) : () -> ()
    return
  }
}

#map = affine_map<(d0, d1) -> (0, 0)>
#map1 = affine_map<(d0, d1) -> (0, 0, 0)>
module attributes {stable_mosaic.version = 14 : i64} {
  func.func @_sc_scatter(%arg0: i32, %arg1: i32, %arg2: memref<10016x32xf32, #tpu.memory_space<hbm>>, %arg3: memref<2560x128xi32, #tpu.memory_space<hbm>>, %arg4: memref<2560x128xi32, #tpu.memory_space<hbm>>, %arg5: memref<2x10016x32xf32, #tpu.memory_space<hbm>>, %arg6: memref<80x128xi32, #tpu.memory_space<vmem>>, %arg7: memref<80x128xi32, #tpu.memory_space<vmem>>, %arg8: memref<128x32xf32, #tpu.memory_space<vmem>>, %arg9: memref<626x32xf32, #tpu.memory_space<vmem>>, %arg10: memref<10016x32xf32, #tpu.memory_space<vmem_shared>>, %arg11: memref<!tpu.dma_semaphore, #tpu.memory_space<semaphore_mem>>) attributes {dimension_semantics = [#tpu.dimension_semantics<core_parallel>, #tpu.dimension_semantics<subcore_parallel>], iteration_bounds = array<i64: 2, 16>, scalar_prefetch = 0 : i64, scratch_operands = 6 : i64, tpu.core_type = #tpu.core_type<sc_vector_subcore>, window_params = [{transform_indices = #map}, {transform_indices = #map}, {transform_indices = #map}, {transform_indices = #map1}]} {
    %mul3A = arith.constant 2 : i32
    %mul3A_0 = arith.muli %arg1, %mul3A : i32
    %add3A = arith.addi %mul3A_0, %arg0 : i32
    %broadcast_in_dim3A = arith.constant 0.000000e+00 : f32
    %broadcast_in_dim3A_1 = vector.broadcast %broadcast_in_dim3A : f32 to vector<16xf32>
    %scan3A = arith.constant 0 : i32
    %scan3A_2 = arith.constant 0 : i32
    %scan3A_3 = arith.constant 626 : i32
    %scan3A_4 = arith.addi %scan3A_2, %scan3A_3 : i32
    %scan3A_5 = arith.constant 1 : i32
    %scan3A_6 = scf.for %scan3A_26 = %scan3A_2 to %scan3A_4 step %scan3A_5 iter_args(%scan3A_27 = %scan3A) -> (i32)  : i32 {
      %swap3A = arith.index_cast %scan3A_26 : i32 to index
      %swap3A_28 = arith.constant 0 : index
      %swap3A_29 = tpu.vector_load %arg9[%swap3A, %swap3A_28] {strides = array<i32>} : memref<626x32xf32, #tpu.memory_space<vmem>>, vector<1x16xf32>,
      %swap3A_30 = vector.shape_cast %swap3A_29 : vector<1x16xf32> to vector<16xf32>
      %swap3A_31 = vector.shape_cast %broadcast_in_dim3A_1 : vector<16xf32> to vector<1x16xf32>
      tpu.vector_store %arg9[%swap3A, %swap3A_28], %swap3A_31 {strides = array<i32>} : memref<626x32xf32, #tpu.memory_space<vmem>>, vector<1x16xf32>,
      %swap3A_32 = arith.index_cast %scan3A_26 : i32 to index
      %swap3A_33 = arith.constant 16 : index
      %swap3A_34 = tpu.vector_load %arg9[%swap3A_32, %swap3A_33] {strides = array<i32>} : memref<626x32xf32, #tpu.memory_space<vmem>>, vector<1x16xf32>,
      %swap3A_35 = vector.shape_cast %swap3A_34 : vector<1x16xf32> to vector<16xf32>
      %swap3A_36 = vector.shape_cast %broadcast_in_dim3A_1 : vector<16xf32> to vector<1x16xf32>
      tpu.vector_store %arg9[%swap3A_32, %swap3A_33], %swap3A_36 {strides = array<i32>} : memref<626x32xf32, #tpu.memory_space<vmem>>, vector<1x16xf32>,
      %scan3A_37 = arith.constant 0 : i32
      scf.yield %scan3A_37 : i32
    }
    %scan3A_7 = arith.constant 626 : i32
    %mul3A_8 = arith.constant 626 : i32
    %mul3A_9 = arith.muli %arg1, %mul3A_8 : i32
    "tpu.region"() ({
      %run_scoped3A = tpu.sem_alloc : memref<!tpu.dma_semaphore, #tpu.memory_space<semaphore_mem>>
      %dma_start3A = arith.constant 0 : i32
      %dma_start3A_26 = tpu.memref_slice %arg10[%mul3A_9, %dma_start3A] : memref<10016x32xf32, #tpu.memory_space<vmem_shared>> -> memref<626x32xf32, #tpu.memory_space<vmem_shared>>
      %dma_start3A_27 = arith.constant 0 : i32
      %dma_start3A_28 = tpu.memref_slice %arg10[%mul3A_9, %dma_start3A_27] : memref<10016x32xf32, #tpu.memory_space<vmem_shared>> -> memref<626x32xf32, #tpu.memory_space<vmem_shared>>
      tpu.enqueue_dma source(%arg9 : memref<626x32xf32, #tpu.memory_space<vmem>>) target(%dma_start3A_28 : memref<626x32xf32, #tpu.memory_space<vmem_shared>>) target_semaphore(%run_scoped3A : memref<!tpu.dma_semaphore, #tpu.memory_space<semaphore_mem>>)
      %dma_wait3A = arith.constant 0 : i32
      %dma_wait3A_29 = tpu.memref_slice %arg10[%mul3A_9, %dma_wait3A] : memref<10016x32xf32, #tpu.memory_space<vmem_shared>> -> memref<626x32xf32, #tpu.memory_space<vmem_shared>>
      %dma_wait3A_30 = arith.constant 0 : i32
      %dma_wait3A_31 = tpu.memref_slice %arg10[%mul3A_9, %dma_wait3A_30] : memref<10016x32xf32, #tpu.memory_space<vmem_shared>> -> memref<626x32xf32, #tpu.memory_space<vmem_shared>>
      tpu.wait_dma2 semaphore(%run_scoped3A : memref<!tpu.dma_semaphore, #tpu.memory_space<semaphore_mem>>) src(%arg9 : memref<626x32xf32, #tpu.memory_space<vmem>>) dst(%dma_wait3A_31 : memref<626x32xf32, #tpu.memory_space<vmem_shared>>)
      tpu.yield
    }) : () -> ()
    %mul3A_10 = arith.constant 80 : i32
    %mul3A_11 = arith.muli %add3A, %mul3A_10 : i32
    "tpu.region"() ({
      %run_scoped3A = tpu.sem_alloc : memref<!tpu.dma_semaphore, #tpu.memory_space<semaphore_mem>>
      %dma_start3A = arith.constant 0 : i32
      %dma_start3A_26 = tpu.memref_slice %arg3[%mul3A_11, %dma_start3A] : memref<2560x128xi32, #tpu.memory_space<hbm>> -> memref<80x128xi32, #tpu.memory_space<hbm>>
      %dma_start3A_27 = arith.constant 0 : i32
      %dma_start3A_28 = tpu.memref_slice %arg3[%mul3A_11, %dma_start3A_27] : memref<2560x128xi32, #tpu.memory_space<hbm>> -> memref<80x128xi32, #tpu.memory_space<hbm>>
      tpu.enqueue_dma source(%dma_start3A_28 : memref<80x128xi32, #tpu.memory_space<hbm>>) target(%arg6 : memref<80x128xi32, #tpu.memory_space<vmem>>) target_semaphore(%run_scoped3A : memref<!tpu.dma_semaphore, #tpu.memory_space<semaphore_mem>>)
      %dma_wait3A = arith.constant 0 : i32
      %dma_wait3A_29 = tpu.memref_slice %arg3[%mul3A_11, %dma_wait3A] : memref<2560x128xi32, #tpu.memory_space<hbm>> -> memref<80x128xi32, #tpu.memory_space<hbm>>
      %dma_wait3A_30 = arith.constant 0 : i32
      %dma_wait3A_31 = tpu.memref_slice %arg3[%mul3A_11, %dma_wait3A_30] : memref<2560x128xi32, #tpu.memory_space<hbm>> -> memref<80x128xi32, #tpu.memory_space<hbm>>
      tpu.wait_dma2 semaphore(%run_scoped3A : memref<!tpu.dma_semaphore, #tpu.memory_space<semaphore_mem>>) src(%dma_wait3A_31 : memref<80x128xi32, #tpu.memory_space<hbm>>) dst(%arg6 : memref<80x128xi32, #tpu.memory_space<vmem>>)
      tpu.yield
    }) : () -> ()
    %mul3A_12 = arith.constant 80 : i32
    %mul3A_13 = arith.muli %add3A, %mul3A_12 : i32
    "tpu.region"() ({
      %run_scoped3A = tpu.sem_alloc : memref<!tpu.dma_semaphore, #tpu.memory_space<semaphore_mem>>
      %dma_start3A = arith.constant 0 : i32
      %dma_start3A_26 = tpu.memref_slice %arg4[%mul3A_13, %dma_start3A] : memref<2560x128xi32, #tpu.memory_space<hbm>> -> memref<80x128xi32, #tpu.memory_space<hbm>>
      %dma_start3A_27 = arith.constant 0 : i32
      %dma_start3A_28 = tpu.memref_slice %arg4[%mul3A_13, %dma_start3A_27] : memref<2560x128xi32, #tpu.memory_space<hbm>> -> memref<80x128xi32, #tpu.memory_space<hbm>>
      tpu.enqueue_dma source(%dma_start3A_28 : memref<80x128xi32, #tpu.memory_space<hbm>>) target(%arg7 : memref<80x128xi32, #tpu.memory_space<vmem>>) target_semaphore(%run_scoped3A : memref<!tpu.dma_semaphore, #tpu.memory_space<semaphore_mem>>)
      %dma_wait3A = arith.constant 0 : i32
      %dma_wait3A_29 = tpu.memref_slice %arg4[%mul3A_13, %dma_wait3A] : memref<2560x128xi32, #tpu.memory_space<hbm>> -> memref<80x128xi32, #tpu.memory_space<hbm>>
      %dma_wait3A_30 = arith.constant 0 : i32
      %dma_wait3A_31 = tpu.memref_slice %arg4[%mul3A_13, %dma_wait3A_30] : memref<2560x128xi32, #tpu.memory_space<hbm>> -> memref<80x128xi32, #tpu.memory_space<hbm>>
      tpu.wait_dma2 semaphore(%run_scoped3A : memref<!tpu.dma_semaphore, #tpu.memory_space<semaphore_mem>>) src(%dma_wait3A_31 : memref<80x128xi32, #tpu.memory_space<hbm>>) dst(%arg7 : memref<80x128xi32, #tpu.memory_space<vmem>>)
      tpu.yield
    }) : () -> ()
    %barrier3A = arith.constant 0 : index
    tpu.barrier barrier_id(%barrier3A)
    %scan3A_14 = arith.constant 0 : i32
    %scan3A_15 = arith.constant 0 : i32
    %scan3A_16 = arith.constant 80 : i32
    %scan3A_17 = arith.addi %scan3A_15, %scan3A_16 : i32
    %scan3A_18 = arith.constant 1 : i32
    %scan3A_19 = scf.for %scan3A_26 = %scan3A_15 to %scan3A_17 step %scan3A_18 iter_args(%scan3A_27 = %scan3A_14) -> (i32)  : i32 {
      %dma_start3A = arith.constant 0 : i32
      %dma_start3A_28 = tpu.memref_slice %arg6[%scan3A_26, %dma_start3A] : memref<80x128xi32, #tpu.memory_space<vmem>> -> memref<1x128xi32, #tpu.memory_space<vmem>>
      %dma_start3A_29 = tpu.memref_squeeze %dma_start3A_28 : memref<1x128xi32, #tpu.memory_space<vmem>> -> memref<128xi32, #tpu.memory_space<vmem>>
      %dma_start3A_30 = arith.constant 0 : i32
      %dma_start3A_31 = arith.constant 0 : i32
      %dma_start3A_32 = tpu.memref_slice %arg2[%dma_start3A_30, %dma_start3A_31] : memref<10016x32xf32, #tpu.memory_space<hbm>> -> memref<10016x32xf32, #tpu.memory_space<hbm>>
      tpu.enqueue_indirect_dma source(%dma_start3A_32 : memref<10016x32xf32, #tpu.memory_space<hbm>>) target(%arg8 : memref<128x32xf32, #tpu.memory_space<vmem>>) offsets(%dma_start3A_29 : memref<128xi32, #tpu.memory_space<vmem>>) semaphore(%arg11 : memref<!tpu.dma_semaphore, #tpu.memory_space<semaphore_mem>>)
      %dma_wait3A = arith.constant 0 : i32
      %dma_wait3A_33 = tpu.memref_slice %arg6[%scan3A_26, %dma_wait3A] : memref<80x128xi32, #tpu.memory_space<vmem>> -> memref<1x128xi32, #tpu.memory_space<vmem>>
      %dma_wait3A_34 = tpu.memref_squeeze %dma_wait3A_33 : memref<1x128xi32, #tpu.memory_space<vmem>> -> memref<128xi32, #tpu.memory_space<vmem>>
      %dma_wait3A_35 = arith.constant 0 : i32
      %dma_wait3A_36 = arith.constant 0 : i32
      %dma_wait3A_37 = tpu.memref_slice %arg2[%dma_wait3A_35, %dma_wait3A_36] : memref<10016x32xf32, #tpu.memory_space<hbm>> -> memref<10016x32xf32, #tpu.memory_space<hbm>>
      tpu.wait_indirect_dma semaphore(%arg11 : memref<!tpu.dma_semaphore, #tpu.memory_space<semaphore_mem>>) src(%dma_wait3A_37 : memref<10016x32xf32, #tpu.memory_space<hbm>>) dst(%arg8 : memref<128x32xf32, #tpu.memory_space<vmem>>)
      "tpu.region"() ({
        %run_scoped3A = tpu.sem_alloc : memref<!tpu.dma_semaphore, #tpu.memory_space<semaphore_mem>>
        %dma_start3A_39 = arith.constant 0 : i32
        %dma_start3A_40 = tpu.memref_slice %arg7[%scan3A_26, %dma_start3A_39] : memref<80x128xi32, #tpu.memory_space<vmem>> -> memref<1x128xi32, #tpu.memory_space<vmem>>
        %dma_start3A_41 = tpu.memref_squeeze %dma_start3A_40 : memref<1x128xi32, #tpu.memory_space<vmem>> -> memref<128xi32, #tpu.memory_space<vmem>>
        %dma_start3A_42 = arith.constant 0 : i32
        %dma_start3A_43 = arith.constant 0 : i32
        %dma_start3A_44 = tpu.memref_slice %arg10[%dma_start3A_42, %dma_start3A_43] : memref<10016x32xf32, #tpu.memory_space<vmem_shared>> -> memref<10016x32xf32, #tpu.memory_space<vmem_shared>>
        tpu.enqueue_indirect_dma source(%arg8 : memref<128x32xf32, #tpu.memory_space<vmem>>) target(%dma_start3A_44 : memref<10016x32xf32, #tpu.memory_space<vmem_shared>>) offsets(%dma_start3A_41 : memref<128xi32, #tpu.memory_space<vmem>>) semaphore(%run_scoped3A : memref<!tpu.dma_semaphore, #tpu.memory_space<semaphore_mem>>) {add = true}
        %dma_wait3A_45 = arith.constant 0 : i32
        %dma_wait3A_46 = tpu.memref_slice %arg7[%scan3A_26, %dma_wait3A_45] : memref<80x128xi32, #tpu.memory_space<vmem>> -> memref<1x128xi32, #tpu.memory_space<vmem>>
        %dma_wait3A_47 = tpu.memref_squeeze %dma_wait3A_46 : memref<1x128xi32, #tpu.memory_space<vmem>> -> memref<128xi32, #tpu.memory_space<vmem>>
        %dma_wait3A_48 = arith.constant 0 : i32
        %dma_wait3A_49 = arith.constant 0 : i32
        %dma_wait3A_50 = tpu.memref_slice %arg10[%dma_wait3A_48, %dma_wait3A_49] : memref<10016x32xf32, #tpu.memory_space<vmem_shared>> -> memref<10016x32xf32, #tpu.memory_space<vmem_shared>>
        tpu.wait_indirect_dma semaphore(%run_scoped3A : memref<!tpu.dma_semaphore, #tpu.memory_space<semaphore_mem>>) src(%arg8 : memref<128x32xf32, #tpu.memory_space<vmem>>) dst(%dma_wait3A_50 : memref<10016x32xf32, #tpu.memory_space<vmem_shared>>)
        tpu.yield
      }) : () -> ()
      %scan3A_38 = arith.constant 0 : i32
      scf.yield %scan3A_38 : i32
    }
    %scan3A_20 = arith.constant 80 : i32
    %barrier3A_21 = arith.constant 0 : index
    tpu.barrier barrier_id(%barrier3A_21)
    %mul3A_22 = arith.constant 626 : i32
    %mul3A_23 = arith.muli %arg1, %mul3A_22 : i32
    "tpu.region"() ({
      %run_scoped3A = tpu.sem_alloc : memref<!tpu.dma_semaphore, #tpu.memory_space<semaphore_mem>>
      %dma_start3A = arith.constant 0 : i32
      %dma_start3A_26 = tpu.memref_slice %arg10[%mul3A_23, %dma_start3A] : memref<10016x32xf32, #tpu.memory_space<vmem_shared>> -> memref<626x32xf32, #tpu.memory_space<vmem_shared>>
      %dma_start3A_27 = arith.constant 0 : i32
      %dma_start3A_28 = tpu.memref_slice %arg10[%mul3A_23, %dma_start3A_27] : memref<10016x32xf32, #tpu.memory_space<vmem_shared>> -> memref<626x32xf32, #tpu.memory_space<vmem_shared>>
      tpu.enqueue_dma source(%dma_start3A_28 : memref<626x32xf32, #tpu.memory_space<vmem_shared>>) target(%arg9 : memref<626x32xf32, #tpu.memory_space<vmem>>) target_semaphore(%run_scoped3A : memref<!tpu.dma_semaphore, #tpu.memory_space<semaphore_mem>>)
      %dma_wait3A = arith.constant 0 : i32
      %dma_wait3A_29 = tpu.memref_slice %arg10[%mul3A_23, %dma_wait3A] : memref<10016x32xf32, #tpu.memory_space<vmem_shared>> -> memref<626x32xf32, #tpu.memory_space<vmem_shared>>
      %dma_wait3A_30 = arith.constant 0 : i32
      %dma_wait3A_31 = tpu.memref_slice %arg10[%mul3A_23, %dma_wait3A_30] : memref<10016x32xf32, #tpu.memory_space<vmem_shared>> -> memref<626x32xf32, #tpu.memory_space<vmem_shared>>
      tpu.wait_dma2 semaphore(%run_scoped3A : memref<!tpu.dma_semaphore, #tpu.memory_space<semaphore_mem>>) src(%dma_wait3A_31 : memref<626x32xf32, #tpu.memory_space<vmem_shared>>) dst(%arg9 : memref<626x32xf32, #tpu.memory_space<vmem>>)
      tpu.yield
    }) : () -> ()
    %mul3A_24 = arith.constant 626 : i32
    %mul3A_25 = arith.muli %arg1, %mul3A_24 : i32
    "tpu.region"() ({
      %run_scoped3A = tpu.sem_alloc : memref<!tpu.dma_semaphore, #tpu.memory_space<semaphore_mem>>
      %dma_start3A = arith.constant 0 : i32
      %dma_start3A_26 = arith.constant 0 : i32
      %dma_start3A_27 = tpu.memref_slice %arg5[%arg0, %dma_start3A, %dma_start3A_26] : memref<2x10016x32xf32, #tpu.memory_space<hbm>> -> memref<1x10016x32xf32, #tpu.memory_space<hbm>>
      %dma_start3A_28 = tpu.memref_squeeze %dma_start3A_27 : memref<1x10016x32xf32, #tpu.memory_space<hbm>> -> memref<10016x32xf32, #tpu.memory_space<hbm>>
      %dma_start3A_29 = arith.constant 0 : i32
      %dma_start3A_30 = tpu.memref_slice %dma_start3A_28[%mul3A_25, %dma_start3A_29] : memref<10016x32xf32, #tpu.memory_space<hbm>> -> memref<626x32xf32, #tpu.memory_space<hbm>>
      %dma_start3A_31 = arith.constant 0 : i32
      %dma_start3A_32 = arith.constant 0 : i32
      %dma_start3A_33 = tpu.memref_slice %arg5[%arg0, %dma_start3A_31, %dma_start3A_32] : memref<2x10016x32xf32, #tpu.memory_space<hbm>> -> memref<1x10016x32xf32, #tpu.memory_space<hbm>>
      %dma_start3A_34 = tpu.memref_squeeze %dma_start3A_33 : memref<1x10016x32xf32, #tpu.memory_space<hbm>> -> memref<10016x32xf32, #tpu.memory_space<hbm>>
      %dma_start3A_35 = arith.constant 0 : i32
      %dma_start3A_36 = tpu.memref_slice %dma_start3A_34[%mul3A_25, %dma_start3A_35] : memref<10016x32xf32, #tpu.memory_space<hbm>> -> memref<626x32xf32, #tpu.memory_space<hbm>>
      tpu.enqueue_dma source(%arg9 : memref<626x32xf32, #tpu.memory_space<vmem>>) target(%dma_start3A_36 : memref<626x32xf32, #tpu.memory_space<hbm>>) target_semaphore(%run_scoped3A : memref<!tpu.dma_semaphore, #tpu.memory_space<semaphore_mem>>)
      %dma_wait3A = arith.constant 0 : i32
      %dma_wait3A_37 = arith.constant 0 : i32
      %dma_wait3A_38 = tpu.memref_slice %arg5[%arg0, %dma_wait3A, %dma_wait3A_37] : memref<2x10016x32xf32, #tpu.memory_space<hbm>> -> memref<1x10016x32xf32, #tpu.memory_space<hbm>>
      %dma_wait3A_39 = tpu.memref_squeeze %dma_wait3A_38 : memref<1x10016x32xf32, #tpu.memory_space<hbm>> -> memref<10016x32xf32, #tpu.memory_space<hbm>>
      %dma_wait3A_40 = arith.constant 0 : i32
      %dma_wait3A_41 = tpu.memref_slice %dma_wait3A_39[%mul3A_25, %dma_wait3A_40] : memref<10016x32xf32, #tpu.memory_space<hbm>> -> memref<626x32xf32, #tpu.memory_space<hbm>>
      %dma_wait3A_42 = arith.constant 0 : i32
      %dma_wait3A_43 = arith.constant 0 : i32
      %dma_wait3A_44 = tpu.memref_slice %arg5[%arg0, %dma_wait3A_42, %dma_wait3A_43] : memref<2x10016x32xf32, #tpu.memory_space<hbm>> -> memref<1x10016x32xf32, #tpu.memory_space<hbm>>
      %dma_wait3A_45 = tpu.memref_squeeze %dma_wait3A_44 : memref<1x10016x32xf32, #tpu.memory_space<hbm>> -> memref<10016x32xf32, #tpu.memory_space<hbm>>
      %dma_wait3A_46 = arith.constant 0 : i32
      %dma_wait3A_47 = tpu.memref_slice %dma_wait3A_45[%mul3A_25, %dma_wait3A_46] : memref<10016x32xf32, #tpu.memory_space<hbm>> -> memref<626x32xf32, #tpu.memory_space<hbm>>
      tpu.wait_dma2 semaphore(%run_scoped3A : memref<!tpu.dma_semaphore, #tpu.memory_space<semaphore_mem>>) src(%arg9 : memref<626x32xf32, #tpu.memory_space<vmem>>) dst(%dma_wait3A_47 : memref<626x32xf32, #tpu.memory_space<hbm>>)
      tpu.yield
    }) : () -> ()
    return
  }
}

#map = affine_map<(d0, d1) -> (0, 0)>
#map1 = affine_map<(d0, d1) -> (0, 0, 0)>
module attributes {stable_mosaic.version = 14 : i64} {
  func.func @_sc_scatter(%arg0: i32, %arg1: i32, %arg2: memref<10016x32xf32, #tpu.memory_space<hbm>>, %arg3: memref<2560x128xi32, #tpu.memory_space<hbm>>, %arg4: memref<2560x128xi32, #tpu.memory_space<hbm>>, %arg5: memref<2x10016x32xf32, #tpu.memory_space<hbm>>, %arg6: memref<80x128xi32, #tpu.memory_space<vmem>>, %arg7: memref<80x128xi32, #tpu.memory_space<vmem>>, %arg8: memref<128x32xf32, #tpu.memory_space<vmem>>, %arg9: memref<626x32xf32, #tpu.memory_space<vmem>>, %arg10: memref<10016x32xf32, #tpu.memory_space<vmem_shared>>, %arg11: memref<!tpu.dma_semaphore, #tpu.memory_space<semaphore_mem>>) attributes {dimension_semantics = [#tpu.dimension_semantics<core_parallel>, #tpu.dimension_semantics<subcore_parallel>], iteration_bounds = array<i64: 2, 16>, scalar_prefetch = 0 : i64, scratch_operands = 6 : i64, tpu.core_type = #tpu.core_type<sc_vector_subcore>, window_params = [{transform_indices = #map}, {transform_indices = #map}, {transform_indices = #map}, {transform_indices = #map1}]} {
    %mul3A = arith.constant 2 : i32
    %mul3A_0 = arith.muli %arg1, %mul3A : i32
    %add3A = arith.addi %mul3A_0, %arg0 : i32
    %broadcast_in_dim3A = arith.constant 0.000000e+00 : f32
    %broadcast_in_dim3A_1 = vector.broadcast %broadcast_in_dim3A : f32 to vector<16xf32>
    %scan3A = arith.constant 0 : i32
    %scan3A_2 = arith.constant 0 : i32
    %scan3A_3 = arith.constant 626 : i32
    %scan3A_4 = arith.addi %scan3A_2, %scan3A_3 : i32
    %scan3A_5 = arith.constant 1 : i32
    %scan3A_6 = scf.for %scan3A_26 = %scan3A_2 to %scan3A_4 step %scan3A_5 iter_args(%scan3A_27 = %scan3A) -> (i32)  : i32 {
      %swap3A = arith.index_cast %scan3A_26 : i32 to index
      %swap3A_28 = arith.constant 0 : index
      %swap3A_29 = tpu.vector_load %arg9[%swap3A, %swap3A_28] {strides = array<i32>} : memref<626x32xf32, #tpu.memory_space<vmem>>, vector<1x16xf32>,
      %swap3A_30 = vector.shape_cast %swap3A_29 : vector<1x16xf32> to vector<16xf32>
      %swap3A_31 = vector.shape_cast %broadcast_in_dim3A_1 : vector<16xf32> to vector<1x16xf32>
      tpu.vector_store %arg9[%swap3A, %swap3A_28], %swap3A_31 {strides = array<i32>} : memref<626x32xf32, #tpu.memory_space<vmem>>, vector<1x16xf32>,
      %swap3A_32 = arith.index_cast %scan3A_26 : i32 to index
      %swap3A_33 = arith.constant 16 : index
      %swap3A_34 = tpu.vector_load %arg9[%swap3A_32, %swap3A_33] {strides = array<i32>} : memref<626x32xf32, #tpu.memory_space<vmem>>, vector<1x16xf32>,
      %swap3A_35 = vector.shape_cast %swap3A_34 : vector<1x16xf32> to vector<16xf32>
      %swap3A_36 = vector.shape_cast %broadcast_in_dim3A_1 : vector<16xf32> to vector<1x16xf32>
      tpu.vector_store %arg9[%swap3A_32, %swap3A_33], %swap3A_36 {strides = array<i32>} : memref<626x32xf32, #tpu.memory_space<vmem>>, vector<1x16xf32>,
      %scan3A_37 = arith.constant 0 : i32
      scf.yield %scan3A_37 : i32
    }
    %scan3A_7 = arith.constant 626 : i32
    %mul3A_8 = arith.constant 626 : i32
    %mul3A_9 = arith.muli %arg1, %mul3A_8 : i32
    "tpu.region"() ({
      %run_scoped3A = tpu.sem_alloc : memref<!tpu.dma_semaphore, #tpu.memory_space<semaphore_mem>>
      %dma_start3A = arith.constant 0 : i32
      %dma_start3A_26 = tpu.memref_slice %arg10[%mul3A_9, %dma_start3A] : memref<10016x32xf32, #tpu.memory_space<vmem_shared>> -> memref<626x32xf32, #tpu.memory_space<vmem_shared>>
      %dma_start3A_27 = arith.constant 0 : i32
      %dma_start3A_28 = tpu.memref_slice %arg10[%mul3A_9, %dma_start3A_27] : memref<10016x32xf32, #tpu.memory_space<vmem_shared>> -> memref<626x32xf32, #tpu.memory_space<vmem_shared>>
      tpu.enqueue_dma source(%arg9 : memref<626x32xf32, #tpu.memory_space<vmem>>) target(%dma_start3A_28 : memref<626x32xf32, #tpu.memory_space<vmem_shared>>) target_semaphore(%run_scoped3A : memref<!tpu.dma_semaphore, #tpu.memory_space<semaphore_mem>>)
      %dma_wait3A = arith.constant 0 : i32
      %dma_wait3A_29 = tpu.memref_slice %arg10[%mul3A_9, %dma_wait3A] : memref<10016x32xf32, #tpu.memory_space<vmem_shared>> -> memref<626x32xf32, #tpu.memory_space<vmem_shared>>
      %dma_wait3A_30 = arith.constant 0 : i32
      %dma_wait3A_31 = tpu.memref_slice %arg10[%mul3A_9, %dma_wait3A_30] : memref<10016x32xf32, #tpu.memory_space<vmem_shared>> -> memref<626x32xf32, #tpu.memory_space<vmem_shared>>
      tpu.wait_dma2 semaphore(%run_scoped3A : memref<!tpu.dma_semaphore, #tpu.memory_space<semaphore_mem>>) src(%arg9 : memref<626x32xf32, #tpu.memory_space<vmem>>) dst(%dma_wait3A_31 : memref<626x32xf32, #tpu.memory_space<vmem_shared>>)
      tpu.yield
    }) : () -> ()
    %mul3A_10 = arith.constant 80 : i32
    %mul3A_11 = arith.muli %add3A, %mul3A_10 : i32
    "tpu.region"() ({
      %run_scoped3A = tpu.sem_alloc : memref<!tpu.dma_semaphore, #tpu.memory_space<semaphore_mem>>
      %dma_start3A = arith.constant 0 : i32
      %dma_start3A_26 = tpu.memref_slice %arg3[%mul3A_11, %dma_start3A] : memref<2560x128xi32, #tpu.memory_space<hbm>> -> memref<80x128xi32, #tpu.memory_space<hbm>>
      %dma_start3A_27 = arith.constant 0 : i32
      %dma_start3A_28 = tpu.memref_slice %arg3[%mul3A_11, %dma_start3A_27] : memref<2560x128xi32, #tpu.memory_space<hbm>> -> memref<80x128xi32, #tpu.memory_space<hbm>>
      tpu.enqueue_dma source(%dma_start3A_28 : memref<80x128xi32, #tpu.memory_space<hbm>>) target(%arg6 : memref<80x128xi32, #tpu.memory_space<vmem>>) target_semaphore(%run_scoped3A : memref<!tpu.dma_semaphore, #tpu.memory_space<semaphore_mem>>)
      %dma_wait3A = arith.constant 0 : i32
      %dma_wait3A_29 = tpu.memref_slice %arg3[%mul3A_11, %dma_wait3A] : memref<2560x128xi32, #tpu.memory_space<hbm>> -> memref<80x128xi32, #tpu.memory_space<hbm>>
      %dma_wait3A_30 = arith.constant 0 : i32
      %dma_wait3A_31 = tpu.memref_slice %arg3[%mul3A_11, %dma_wait3A_30] : memref<2560x128xi32, #tpu.memory_space<hbm>> -> memref<80x128xi32, #tpu.memory_space<hbm>>
      tpu.wait_dma2 semaphore(%run_scoped3A : memref<!tpu.dma_semaphore, #tpu.memory_space<semaphore_mem>>) src(%dma_wait3A_31 : memref<80x128xi32, #tpu.memory_space<hbm>>) dst(%arg6 : memref<80x128xi32, #tpu.memory_space<vmem>>)
      tpu.yield
    }) : () -> ()
    %mul3A_12 = arith.constant 80 : i32
    %mul3A_13 = arith.muli %add3A, %mul3A_12 : i32
    "tpu.region"() ({
      %run_scoped3A = tpu.sem_alloc : memref<!tpu.dma_semaphore, #tpu.memory_space<semaphore_mem>>
      %dma_start3A = arith.constant 0 : i32
      %dma_start3A_26 = tpu.memref_slice %arg4[%mul3A_13, %dma_start3A] : memref<2560x128xi32, #tpu.memory_space<hbm>> -> memref<80x128xi32, #tpu.memory_space<hbm>>
      %dma_start3A_27 = arith.constant 0 : i32
      %dma_start3A_28 = tpu.memref_slice %arg4[%mul3A_13, %dma_start3A_27] : memref<2560x128xi32, #tpu.memory_space<hbm>> -> memref<80x128xi32, #tpu.memory_space<hbm>>
      tpu.enqueue_dma source(%dma_start3A_28 : memref<80x128xi32, #tpu.memory_space<hbm>>) target(%arg7 : memref<80x128xi32, #tpu.memory_space<vmem>>) target_semaphore(%run_scoped3A : memref<!tpu.dma_semaphore, #tpu.memory_space<semaphore_mem>>)
      %dma_wait3A = arith.constant 0 : i32
      %dma_wait3A_29 = tpu.memref_slice %arg4[%mul3A_13, %dma_wait3A] : memref<2560x128xi32, #tpu.memory_space<hbm>> -> memref<80x128xi32, #tpu.memory_space<hbm>>
      %dma_wait3A_30 = arith.constant 0 : i32
      %dma_wait3A_31 = tpu.memref_slice %arg4[%mul3A_13, %dma_wait3A_30] : memref<2560x128xi32, #tpu.memory_space<hbm>> -> memref<80x128xi32, #tpu.memory_space<hbm>>
      tpu.wait_dma2 semaphore(%run_scoped3A : memref<!tpu.dma_semaphore, #tpu.memory_space<semaphore_mem>>) src(%dma_wait3A_31 : memref<80x128xi32, #tpu.memory_space<hbm>>) dst(%arg7 : memref<80x128xi32, #tpu.memory_space<vmem>>)
      tpu.yield
    }) : () -> ()
    %barrier3A = arith.constant 0 : index
    tpu.barrier barrier_id(%barrier3A)
    %scan3A_14 = arith.constant 0 : i32
    %scan3A_15 = arith.constant 0 : i32
    %scan3A_16 = arith.constant 80 : i32
    %scan3A_17 = arith.addi %scan3A_15, %scan3A_16 : i32
    %scan3A_18 = arith.constant 1 : i32
    %scan3A_19 = scf.for %scan3A_26 = %scan3A_15 to %scan3A_17 step %scan3A_18 iter_args(%scan3A_27 = %scan3A_14) -> (i32)  : i32 {
      %dma_start3A = arith.constant 0 : i32
      %dma_start3A_28 = tpu.memref_slice %arg6[%scan3A_26, %dma_start3A] : memref<80x128xi32, #tpu.memory_space<vmem>> -> memref<1x128xi32, #tpu.memory_space<vmem>>
      %dma_start3A_29 = tpu.memref_squeeze %dma_start3A_28 : memref<1x128xi32, #tpu.memory_space<vmem>> -> memref<128xi32, #tpu.memory_space<vmem>>
      %dma_start3A_30 = arith.constant 0 : i32
      %dma_start3A_31 = arith.constant 0 : i32
      %dma_start3A_32 = tpu.memref_slice %arg2[%dma_start3A_30, %dma_start3A_31] : memref<10016x32xf32, #tpu.memory_space<hbm>> -> memref<10016x32xf32, #tpu.memory_space<hbm>>
      tpu.enqueue_indirect_dma source(%dma_start3A_32 : memref<10016x32xf32, #tpu.memory_space<hbm>>) target(%arg8 : memref<128x32xf32, #tpu.memory_space<vmem>>) offsets(%dma_start3A_29 : memref<128xi32, #tpu.memory_space<vmem>>) semaphore(%arg11 : memref<!tpu.dma_semaphore, #tpu.memory_space<semaphore_mem>>)
      %dma_wait3A = arith.constant 0 : i32
      %dma_wait3A_33 = tpu.memref_slice %arg6[%scan3A_26, %dma_wait3A] : memref<80x128xi32, #tpu.memory_space<vmem>> -> memref<1x128xi32, #tpu.memory_space<vmem>>
      %dma_wait3A_34 = tpu.memref_squeeze %dma_wait3A_33 : memref<1x128xi32, #tpu.memory_space<vmem>> -> memref<128xi32, #tpu.memory_space<vmem>>
      %dma_wait3A_35 = arith.constant 0 : i32
      %dma_wait3A_36 = arith.constant 0 : i32
      %dma_wait3A_37 = tpu.memref_slice %arg2[%dma_wait3A_35, %dma_wait3A_36] : memref<10016x32xf32, #tpu.memory_space<hbm>> -> memref<10016x32xf32, #tpu.memory_space<hbm>>
      tpu.wait_indirect_dma semaphore(%arg11 : memref<!tpu.dma_semaphore, #tpu.memory_space<semaphore_mem>>) src(%dma_wait3A_37 : memref<10016x32xf32, #tpu.memory_space<hbm>>) dst(%arg8 : memref<128x32xf32, #tpu.memory_space<vmem>>)
      "tpu.region"() ({
        %run_scoped3A = tpu.sem_alloc : memref<!tpu.dma_semaphore, #tpu.memory_space<semaphore_mem>>
        %dma_start3A_39 = arith.constant 0 : i32
        %dma_start3A_40 = tpu.memref_slice %arg7[%scan3A_26, %dma_start3A_39] : memref<80x128xi32, #tpu.memory_space<vmem>> -> memref<1x128xi32, #tpu.memory_space<vmem>>
        %dma_start3A_41 = tpu.memref_squeeze %dma_start3A_40 : memref<1x128xi32, #tpu.memory_space<vmem>> -> memref<128xi32, #tpu.memory_space<vmem>>
        %dma_start3A_42 = arith.constant 0 : i32
        %dma_start3A_43 = arith.constant 0 : i32
        %dma_start3A_44 = tpu.memref_slice %arg10[%dma_start3A_42, %dma_start3A_43] : memref<10016x32xf32, #tpu.memory_space<vmem_shared>> -> memref<10016x32xf32, #tpu.memory_space<vmem_shared>>
        tpu.enqueue_indirect_dma source(%arg8 : memref<128x32xf32, #tpu.memory_space<vmem>>) target(%dma_start3A_44 : memref<10016x32xf32, #tpu.memory_space<vmem_shared>>) offsets(%dma_start3A_41 : memref<128xi32, #tpu.memory_space<vmem>>) semaphore(%run_scoped3A : memref<!tpu.dma_semaphore, #tpu.memory_space<semaphore_mem>>) {add = true}
        %dma_wait3A_45 = arith.constant 0 : i32
        %dma_wait3A_46 = tpu.memref_slice %arg7[%scan3A_26, %dma_wait3A_45] : memref<80x128xi32, #tpu.memory_space<vmem>> -> memref<1x128xi32, #tpu.memory_space<vmem>>
        %dma_wait3A_47 = tpu.memref_squeeze %dma_wait3A_46 : memref<1x128xi32, #tpu.memory_space<vmem>> -> memref<128xi32, #tpu.memory_space<vmem>>
        %dma_wait3A_48 = arith.constant 0 : i32
        %dma_wait3A_49 = arith.constant 0 : i32
        %dma_wait3A_50 = tpu.memref_slice %arg10[%dma_wait3A_48, %dma_wait3A_49] : memref<10016x32xf32, #tpu.memory_space<vmem_shared>> -> memref<10016x32xf32, #tpu.memory_space<vmem_shared>>
        tpu.wait_indirect_dma semaphore(%run_scoped3A : memref<!tpu.dma_semaphore, #tpu.memory_space<semaphore_mem>>) src(%arg8 : memref<128x32xf32, #tpu.memory_space<vmem>>) dst(%dma_wait3A_50 : memref<10016x32xf32, #tpu.memory_space<vmem_shared>>)
        tpu.yield
      }) : () -> ()
      %scan3A_38 = arith.constant 0 : i32
      scf.yield %scan3A_38 : i32
    }
    %scan3A_20 = arith.constant 80 : i32
    %barrier3A_21 = arith.constant 0 : index
    tpu.barrier barrier_id(%barrier3A_21)
    %mul3A_22 = arith.constant 626 : i32
    %mul3A_23 = arith.muli %arg1, %mul3A_22 : i32
    "tpu.region"() ({
      %run_scoped3A = tpu.sem_alloc : memref<!tpu.dma_semaphore, #tpu.memory_space<semaphore_mem>>
      %dma_start3A = arith.constant 0 : i32
      %dma_start3A_26 = tpu.memref_slice %arg10[%mul3A_23, %dma_start3A] : memref<10016x32xf32, #tpu.memory_space<vmem_shared>> -> memref<626x32xf32, #tpu.memory_space<vmem_shared>>
      %dma_start3A_27 = arith.constant 0 : i32
      %dma_start3A_28 = tpu.memref_slice %arg10[%mul3A_23, %dma_start3A_27] : memref<10016x32xf32, #tpu.memory_space<vmem_shared>> -> memref<626x32xf32, #tpu.memory_space<vmem_shared>>
      tpu.enqueue_dma source(%dma_start3A_28 : memref<626x32xf32, #tpu.memory_space<vmem_shared>>) target(%arg9 : memref<626x32xf32, #tpu.memory_space<vmem>>) target_semaphore(%run_scoped3A : memref<!tpu.dma_semaphore, #tpu.memory_space<semaphore_mem>>)
      %dma_wait3A = arith.constant 0 : i32
      %dma_wait3A_29 = tpu.memref_slice %arg10[%mul3A_23, %dma_wait3A] : memref<10016x32xf32, #tpu.memory_space<vmem_shared>> -> memref<626x32xf32, #tpu.memory_space<vmem_shared>>
      %dma_wait3A_30 = arith.constant 0 : i32
      %dma_wait3A_31 = tpu.memref_slice %arg10[%mul3A_23, %dma_wait3A_30] : memref<10016x32xf32, #tpu.memory_space<vmem_shared>> -> memref<626x32xf32, #tpu.memory_space<vmem_shared>>
      tpu.wait_dma2 semaphore(%run_scoped3A : memref<!tpu.dma_semaphore, #tpu.memory_space<semaphore_mem>>) src(%dma_wait3A_31 : memref<626x32xf32, #tpu.memory_space<vmem_shared>>) dst(%arg9 : memref<626x32xf32, #tpu.memory_space<vmem>>)
      tpu.yield
    }) : () -> ()
    %mul3A_24 = arith.constant 626 : i32
    %mul3A_25 = arith.muli %arg1, %mul3A_24 : i32
    "tpu.region"() ({
      %run_scoped3A = tpu.sem_alloc : memref<!tpu.dma_semaphore, #tpu.memory_space<semaphore_mem>>
      %dma_start3A = arith.constant 0 : i32
      %dma_start3A_26 = arith.constant 0 : i32
      %dma_start3A_27 = tpu.memref_slice %arg5[%arg0, %dma_start3A, %dma_start3A_26] : memref<2x10016x32xf32, #tpu.memory_space<hbm>> -> memref<1x10016x32xf32, #tpu.memory_space<hbm>>
      %dma_start3A_28 = tpu.memref_squeeze %dma_start3A_27 : memref<1x10016x32xf32, #tpu.memory_space<hbm>> -> memref<10016x32xf32, #tpu.memory_space<hbm>>
      %dma_start3A_29 = arith.constant 0 : i32
      %dma_start3A_30 = tpu.memref_slice %dma_start3A_28[%mul3A_25, %dma_start3A_29] : memref<10016x32xf32, #tpu.memory_space<hbm>> -> memref<626x32xf32, #tpu.memory_space<hbm>>
      %dma_start3A_31 = arith.constant 0 : i32
      %dma_start3A_32 = arith.constant 0 : i32
      %dma_start3A_33 = tpu.memref_slice %arg5[%arg0, %dma_start3A_31, %dma_start3A_32] : memref<2x10016x32xf32, #tpu.memory_space<hbm>> -> memref<1x10016x32xf32, #tpu.memory_space<hbm>>
      %dma_start3A_34 = tpu.memref_squeeze %dma_start3A_33 : memref<1x10016x32xf32, #tpu.memory_space<hbm>> -> memref<10016x32xf32, #tpu.memory_space<hbm>>
      %dma_start3A_35 = arith.constant 0 : i32
      %dma_start3A_36 = tpu.memref_slice %dma_start3A_34[%mul3A_25, %dma_start3A_35] : memref<10016x32xf32, #tpu.memory_space<hbm>> -> memref<626x32xf32, #tpu.memory_space<hbm>>
      tpu.enqueue_dma source(%arg9 : memref<626x32xf32, #tpu.memory_space<vmem>>) target(%dma_start3A_36 : memref<626x32xf32, #tpu.memory_space<hbm>>) target_semaphore(%run_scoped3A : memref<!tpu.dma_semaphore, #tpu.memory_space<semaphore_mem>>)
      %dma_wait3A = arith.constant 0 : i32
      %dma_wait3A_37 = arith.constant 0 : i32
      %dma_wait3A_38 = tpu.memref_slice %arg5[%arg0, %dma_wait3A, %dma_wait3A_37] : memref<2x10016x32xf32, #tpu.memory_space<hbm>> -> memref<1x10016x32xf32, #tpu.memory_space<hbm>>
      %dma_wait3A_39 = tpu.memref_squeeze %dma_wait3A_38 : memref<1x10016x32xf32, #tpu.memory_space<hbm>> -> memref<10016x32xf32, #tpu.memory_space<hbm>>
      %dma_wait3A_40 = arith.constant 0 : i32
      %dma_wait3A_41 = tpu.memref_slice %dma_wait3A_39[%mul3A_25, %dma_wait3A_40] : memref<10016x32xf32, #tpu.memory_space<hbm>> -> memref<626x32xf32, #tpu.memory_space<hbm>>
      %dma_wait3A_42 = arith.constant 0 : i32
      %dma_wait3A_43 = arith.constant 0 : i32
      %dma_wait3A_44 = tpu.memref_slice %arg5[%arg0, %dma_wait3A_42, %dma_wait3A_43] : memref<2x10016x32xf32, #tpu.memory_space<hbm>> -> memref<1x10016x32xf32, #tpu.memory_space<hbm>>
      %dma_wait3A_45 = tpu.memref_squeeze %dma_wait3A_44 : memref<1x10016x32xf32, #tpu.memory_space<hbm>> -> memref<10016x32xf32, #tpu.memory_space<hbm>>
      %dma_wait3A_46 = arith.constant 0 : i32
      %dma_wait3A_47 = tpu.memref_slice %dma_wait3A_45[%mul3A_25, %dma_wait3A_46] : memref<10016x32xf32, #tpu.memory_space<hbm>> -> memref<626x32xf32, #tpu.memory_space<hbm>>
      tpu.wait_dma2 semaphore(%run_scoped3A : memref<!tpu.dma_semaphore, #tpu.memory_space<semaphore_mem>>) src(%arg9 : memref<626x32xf32, #tpu.memory_space<vmem>>) dst(%dma_wait3A_47 : memref<626x32xf32, #tpu.memory_space<hbm>>)
      tpu.yield
    }) : () -> ()
    return
  }
}

#map = affine_map<(d0, d1) -> (0, 0)>
#map1 = affine_map<(d0, d1) -> (0, 0, 0)>
module attributes {stable_mosaic.version = 14 : i64} {
  func.func @_sc_scatter(%arg0: i32, %arg1: i32, %arg2: memref<10016x32xf32, #tpu.memory_space<hbm>>, %arg3: memref<2560x128xi32, #tpu.memory_space<hbm>>, %arg4: memref<2560x128xi32, #tpu.memory_space<hbm>>, %arg5: memref<2x10016x32xf32, #tpu.memory_space<hbm>>, %arg6: memref<80x128xi32, #tpu.memory_space<vmem>>, %arg7: memref<80x128xi32, #tpu.memory_space<vmem>>, %arg8: memref<128x32xf32, #tpu.memory_space<vmem>>, %arg9: memref<626x32xf32, #tpu.memory_space<vmem>>, %arg10: memref<10016x32xf32, #tpu.memory_space<vmem_shared>>, %arg11: memref<!tpu.dma_semaphore, #tpu.memory_space<semaphore_mem>>) attributes {dimension_semantics = [#tpu.dimension_semantics<core_parallel>, #tpu.dimension_semantics<subcore_parallel>], iteration_bounds = array<i64: 2, 16>, scalar_prefetch = 0 : i64, scratch_operands = 6 : i64, tpu.core_type = #tpu.core_type<sc_vector_subcore>, window_params = [{transform_indices = #map}, {transform_indices = #map}, {transform_indices = #map}, {transform_indices = #map1}]} {
    %mul3A = arith.constant 2 : i32
    %mul3A_0 = arith.muli %arg1, %mul3A : i32
    %add3A = arith.addi %mul3A_0, %arg0 : i32
    %broadcast_in_dim3A = arith.constant 0.000000e+00 : f32
    %broadcast_in_dim3A_1 = vector.broadcast %broadcast_in_dim3A : f32 to vector<16xf32>
    %scan3A = arith.constant 0 : i32
    %scan3A_2 = arith.constant 0 : i32
    %scan3A_3 = arith.constant 626 : i32
    %scan3A_4 = arith.addi %scan3A_2, %scan3A_3 : i32
    %scan3A_5 = arith.constant 1 : i32
    %scan3A_6 = scf.for %scan3A_26 = %scan3A_2 to %scan3A_4 step %scan3A_5 iter_args(%scan3A_27 = %scan3A) -> (i32)  : i32 {
      %swap3A = arith.index_cast %scan3A_26 : i32 to index
      %swap3A_28 = arith.constant 0 : index
      %swap3A_29 = tpu.vector_load %arg9[%swap3A, %swap3A_28] {strides = array<i32>} : memref<626x32xf32, #tpu.memory_space<vmem>>, vector<1x16xf32>,
      %swap3A_30 = vector.shape_cast %swap3A_29 : vector<1x16xf32> to vector<16xf32>
      %swap3A_31 = vector.shape_cast %broadcast_in_dim3A_1 : vector<16xf32> to vector<1x16xf32>
      tpu.vector_store %arg9[%swap3A, %swap3A_28], %swap3A_31 {strides = array<i32>} : memref<626x32xf32, #tpu.memory_space<vmem>>, vector<1x16xf32>,
      %swap3A_32 = arith.index_cast %scan3A_26 : i32 to index
      %swap3A_33 = arith.constant 16 : index
      %swap3A_34 = tpu.vector_load %arg9[%swap3A_32, %swap3A_33] {strides = array<i32>} : memref<626x32xf32, #tpu.memory_space<vmem>>, vector<1x16xf32>,
      %swap3A_35 = vector.shape_cast %swap3A_34 : vector<1x16xf32> to vector<16xf32>
      %swap3A_36 = vector.shape_cast %broadcast_in_dim3A_1 : vector<16xf32> to vector<1x16xf32>
      tpu.vector_store %arg9[%swap3A_32, %swap3A_33], %swap3A_36 {strides = array<i32>} : memref<626x32xf32, #tpu.memory_space<vmem>>, vector<1x16xf32>,
      %scan3A_37 = arith.constant 0 : i32
      scf.yield %scan3A_37 : i32
    }
    %scan3A_7 = arith.constant 626 : i32
    %mul3A_8 = arith.constant 626 : i32
    %mul3A_9 = arith.muli %arg1, %mul3A_8 : i32
    "tpu.region"() ({
      %run_scoped3A = tpu.sem_alloc : memref<!tpu.dma_semaphore, #tpu.memory_space<semaphore_mem>>
      %dma_start3A = arith.constant 0 : i32
      %dma_start3A_26 = tpu.memref_slice %arg10[%mul3A_9, %dma_start3A] : memref<10016x32xf32, #tpu.memory_space<vmem_shared>> -> memref<626x32xf32, #tpu.memory_space<vmem_shared>>
      %dma_start3A_27 = arith.constant 0 : i32
      %dma_start3A_28 = tpu.memref_slice %arg10[%mul3A_9, %dma_start3A_27] : memref<10016x32xf32, #tpu.memory_space<vmem_shared>> -> memref<626x32xf32, #tpu.memory_space<vmem_shared>>
      tpu.enqueue_dma source(%arg9 : memref<626x32xf32, #tpu.memory_space<vmem>>) target(%dma_start3A_28 : memref<626x32xf32, #tpu.memory_space<vmem_shared>>) target_semaphore(%run_scoped3A : memref<!tpu.dma_semaphore, #tpu.memory_space<semaphore_mem>>)
      %dma_wait3A = arith.constant 0 : i32
      %dma_wait3A_29 = tpu.memref_slice %arg10[%mul3A_9, %dma_wait3A] : memref<10016x32xf32, #tpu.memory_space<vmem_shared>> -> memref<626x32xf32, #tpu.memory_space<vmem_shared>>
      %dma_wait3A_30 = arith.constant 0 : i32
      %dma_wait3A_31 = tpu.memref_slice %arg10[%mul3A_9, %dma_wait3A_30] : memref<10016x32xf32, #tpu.memory_space<vmem_shared>> -> memref<626x32xf32, #tpu.memory_space<vmem_shared>>
      tpu.wait_dma2 semaphore(%run_scoped3A : memref<!tpu.dma_semaphore, #tpu.memory_space<semaphore_mem>>) src(%arg9 : memref<626x32xf32, #tpu.memory_space<vmem>>) dst(%dma_wait3A_31 : memref<626x32xf32, #tpu.memory_space<vmem_shared>>)
      tpu.yield
    }) : () -> ()
    %mul3A_10 = arith.constant 80 : i32
    %mul3A_11 = arith.muli %add3A, %mul3A_10 : i32
    "tpu.region"() ({
      %run_scoped3A = tpu.sem_alloc : memref<!tpu.dma_semaphore, #tpu.memory_space<semaphore_mem>>
      %dma_start3A = arith.constant 0 : i32
      %dma_start3A_26 = tpu.memref_slice %arg3[%mul3A_11, %dma_start3A] : memref<2560x128xi32, #tpu.memory_space<hbm>> -> memref<80x128xi32, #tpu.memory_space<hbm>>
      %dma_start3A_27 = arith.constant 0 : i32
      %dma_start3A_28 = tpu.memref_slice %arg3[%mul3A_11, %dma_start3A_27] : memref<2560x128xi32, #tpu.memory_space<hbm>> -> memref<80x128xi32, #tpu.memory_space<hbm>>
      tpu.enqueue_dma source(%dma_start3A_28 : memref<80x128xi32, #tpu.memory_space<hbm>>) target(%arg6 : memref<80x128xi32, #tpu.memory_space<vmem>>) target_semaphore(%run_scoped3A : memref<!tpu.dma_semaphore, #tpu.memory_space<semaphore_mem>>)
      %dma_wait3A = arith.constant 0 : i32
      %dma_wait3A_29 = tpu.memref_slice %arg3[%mul3A_11, %dma_wait3A] : memref<2560x128xi32, #tpu.memory_space<hbm>> -> memref<80x128xi32, #tpu.memory_space<hbm>>
      %dma_wait3A_30 = arith.constant 0 : i32
      %dma_wait3A_31 = tpu.memref_slice %arg3[%mul3A_11, %dma_wait3A_30] : memref<2560x128xi32, #tpu.memory_space<hbm>> -> memref<80x128xi32, #tpu.memory_space<hbm>>
      tpu.wait_dma2 semaphore(%run_scoped3A : memref<!tpu.dma_semaphore, #tpu.memory_space<semaphore_mem>>) src(%dma_wait3A_31 : memref<80x128xi32, #tpu.memory_space<hbm>>) dst(%arg6 : memref<80x128xi32, #tpu.memory_space<vmem>>)
      tpu.yield
    }) : () -> ()
    %mul3A_12 = arith.constant 80 : i32
    %mul3A_13 = arith.muli %add3A, %mul3A_12 : i32
    "tpu.region"() ({
      %run_scoped3A = tpu.sem_alloc : memref<!tpu.dma_semaphore, #tpu.memory_space<semaphore_mem>>
      %dma_start3A = arith.constant 0 : i32
      %dma_start3A_26 = tpu.memref_slice %arg4[%mul3A_13, %dma_start3A] : memref<2560x128xi32, #tpu.memory_space<hbm>> -> memref<80x128xi32, #tpu.memory_space<hbm>>
      %dma_start3A_27 = arith.constant 0 : i32
      %dma_start3A_28 = tpu.memref_slice %arg4[%mul3A_13, %dma_start3A_27] : memref<2560x128xi32, #tpu.memory_space<hbm>> -> memref<80x128xi32, #tpu.memory_space<hbm>>
      tpu.enqueue_dma source(%dma_start3A_28 : memref<80x128xi32, #tpu.memory_space<hbm>>) target(%arg7 : memref<80x128xi32, #tpu.memory_space<vmem>>) target_semaphore(%run_scoped3A : memref<!tpu.dma_semaphore, #tpu.memory_space<semaphore_mem>>)
      %dma_wait3A = arith.constant 0 : i32
      %dma_wait3A_29 = tpu.memref_slice %arg4[%mul3A_13, %dma_wait3A] : memref<2560x128xi32, #tpu.memory_space<hbm>> -> memref<80x128xi32, #tpu.memory_space<hbm>>
      %dma_wait3A_30 = arith.constant 0 : i32
      %dma_wait3A_31 = tpu.memref_slice %arg4[%mul3A_13, %dma_wait3A_30] : memref<2560x128xi32, #tpu.memory_space<hbm>> -> memref<80x128xi32, #tpu.memory_space<hbm>>
      tpu.wait_dma2 semaphore(%run_scoped3A : memref<!tpu.dma_semaphore, #tpu.memory_space<semaphore_mem>>) src(%dma_wait3A_31 : memref<80x128xi32, #tpu.memory_space<hbm>>) dst(%arg7 : memref<80x128xi32, #tpu.memory_space<vmem>>)
      tpu.yield
    }) : () -> ()
    %barrier3A = arith.constant 0 : index
    tpu.barrier barrier_id(%barrier3A)
    %scan3A_14 = arith.constant 0 : i32
    %scan3A_15 = arith.constant 0 : i32
    %scan3A_16 = arith.constant 80 : i32
    %scan3A_17 = arith.addi %scan3A_15, %scan3A_16 : i32
    %scan3A_18 = arith.constant 1 : i32
    %scan3A_19 = scf.for %scan3A_26 = %scan3A_15 to %scan3A_17 step %scan3A_18 iter_args(%scan3A_27 = %scan3A_14) -> (i32)  : i32 {
      %dma_start3A = arith.constant 0 : i32
      %dma_start3A_28 = tpu.memref_slice %arg6[%scan3A_26, %dma_start3A] : memref<80x128xi32, #tpu.memory_space<vmem>> -> memref<1x128xi32, #tpu.memory_space<vmem>>
      %dma_start3A_29 = tpu.memref_squeeze %dma_start3A_28 : memref<1x128xi32, #tpu.memory_space<vmem>> -> memref<128xi32, #tpu.memory_space<vmem>>
      %dma_start3A_30 = arith.constant 0 : i32
      %dma_start3A_31 = arith.constant 0 : i32
      %dma_start3A_32 = tpu.memref_slice %arg2[%dma_start3A_30, %dma_start3A_31] : memref<10016x32xf32, #tpu.memory_space<hbm>> -> memref<10016x32xf32, #tpu.memory_space<hbm>>
      tpu.enqueue_indirect_dma source(%dma_start3A_32 : memref<10016x32xf32, #tpu.memory_space<hbm>>) target(%arg8 : memref<128x32xf32, #tpu.memory_space<vmem>>) offsets(%dma_start3A_29 : memref<128xi32, #tpu.memory_space<vmem>>) semaphore(%arg11 : memref<!tpu.dma_semaphore, #tpu.memory_space<semaphore_mem>>)
      %dma_wait3A = arith.constant 0 : i32
      %dma_wait3A_33 = tpu.memref_slice %arg6[%scan3A_26, %dma_wait3A] : memref<80x128xi32, #tpu.memory_space<vmem>> -> memref<1x128xi32, #tpu.memory_space<vmem>>
      %dma_wait3A_34 = tpu.memref_squeeze %dma_wait3A_33 : memref<1x128xi32, #tpu.memory_space<vmem>> -> memref<128xi32, #tpu.memory_space<vmem>>
      %dma_wait3A_35 = arith.constant 0 : i32
      %dma_wait3A_36 = arith.constant 0 : i32
      %dma_wait3A_37 = tpu.memref_slice %arg2[%dma_wait3A_35, %dma_wait3A_36] : memref<10016x32xf32, #tpu.memory_space<hbm>> -> memref<10016x32xf32, #tpu.memory_space<hbm>>
      tpu.wait_indirect_dma semaphore(%arg11 : memref<!tpu.dma_semaphore, #tpu.memory_space<semaphore_mem>>) src(%dma_wait3A_37 : memref<10016x32xf32, #tpu.memory_space<hbm>>) dst(%arg8 : memref<128x32xf32, #tpu.memory_space<vmem>>)
      "tpu.region"() ({
        %run_scoped3A = tpu.sem_alloc : memref<!tpu.dma_semaphore, #tpu.memory_space<semaphore_mem>>
        %dma_start3A_39 = arith.constant 0 : i32
        %dma_start3A_40 = tpu.memref_slice %arg7[%scan3A_26, %dma_start3A_39] : memref<80x128xi32, #tpu.memory_space<vmem>> -> memref<1x128xi32, #tpu.memory_space<vmem>>
        %dma_start3A_41 = tpu.memref_squeeze %dma_start3A_40 : memref<1x128xi32, #tpu.memory_space<vmem>> -> memref<128xi32, #tpu.memory_space<vmem>>
        %dma_start3A_42 = arith.constant 0 : i32
        %dma_start3A_43 = arith.constant 0 : i32
        %dma_start3A_44 = tpu.memref_slice %arg10[%dma_start3A_42, %dma_start3A_43] : memref<10016x32xf32, #tpu.memory_space<vmem_shared>> -> memref<10016x32xf32, #tpu.memory_space<vmem_shared>>
        tpu.enqueue_indirect_dma source(%arg8 : memref<128x32xf32, #tpu.memory_space<vmem>>) target(%dma_start3A_44 : memref<10016x32xf32, #tpu.memory_space<vmem_shared>>) offsets(%dma_start3A_41 : memref<128xi32, #tpu.memory_space<vmem>>) semaphore(%run_scoped3A : memref<!tpu.dma_semaphore, #tpu.memory_space<semaphore_mem>>) {add = true}
        %dma_wait3A_45 = arith.constant 0 : i32
        %dma_wait3A_46 = tpu.memref_slice %arg7[%scan3A_26, %dma_wait3A_45] : memref<80x128xi32, #tpu.memory_space<vmem>> -> memref<1x128xi32, #tpu.memory_space<vmem>>
        %dma_wait3A_47 = tpu.memref_squeeze %dma_wait3A_46 : memref<1x128xi32, #tpu.memory_space<vmem>> -> memref<128xi32, #tpu.memory_space<vmem>>
        %dma_wait3A_48 = arith.constant 0 : i32
        %dma_wait3A_49 = arith.constant 0 : i32
        %dma_wait3A_50 = tpu.memref_slice %arg10[%dma_wait3A_48, %dma_wait3A_49] : memref<10016x32xf32, #tpu.memory_space<vmem_shared>> -> memref<10016x32xf32, #tpu.memory_space<vmem_shared>>
        tpu.wait_indirect_dma semaphore(%run_scoped3A : memref<!tpu.dma_semaphore, #tpu.memory_space<semaphore_mem>>) src(%arg8 : memref<128x32xf32, #tpu.memory_space<vmem>>) dst(%dma_wait3A_50 : memref<10016x32xf32, #tpu.memory_space<vmem_shared>>)
        tpu.yield
      }) : () -> ()
      %scan3A_38 = arith.constant 0 : i32
      scf.yield %scan3A_38 : i32
    }
    %scan3A_20 = arith.constant 80 : i32
    %barrier3A_21 = arith.constant 0 : index
    tpu.barrier barrier_id(%barrier3A_21)
    %mul3A_22 = arith.constant 626 : i32
    %mul3A_23 = arith.muli %arg1, %mul3A_22 : i32
    "tpu.region"() ({
      %run_scoped3A = tpu.sem_alloc : memref<!tpu.dma_semaphore, #tpu.memory_space<semaphore_mem>>
      %dma_start3A = arith.constant 0 : i32
      %dma_start3A_26 = tpu.memref_slice %arg10[%mul3A_23, %dma_start3A] : memref<10016x32xf32, #tpu.memory_space<vmem_shared>> -> memref<626x32xf32, #tpu.memory_space<vmem_shared>>
      %dma_start3A_27 = arith.constant 0 : i32
      %dma_start3A_28 = tpu.memref_slice %arg10[%mul3A_23, %dma_start3A_27] : memref<10016x32xf32, #tpu.memory_space<vmem_shared>> -> memref<626x32xf32, #tpu.memory_space<vmem_shared>>
      tpu.enqueue_dma source(%dma_start3A_28 : memref<626x32xf32, #tpu.memory_space<vmem_shared>>) target(%arg9 : memref<626x32xf32, #tpu.memory_space<vmem>>) target_semaphore(%run_scoped3A : memref<!tpu.dma_semaphore, #tpu.memory_space<semaphore_mem>>)
      %dma_wait3A = arith.constant 0 : i32
      %dma_wait3A_29 = tpu.memref_slice %arg10[%mul3A_23, %dma_wait3A] : memref<10016x32xf32, #tpu.memory_space<vmem_shared>> -> memref<626x32xf32, #tpu.memory_space<vmem_shared>>
      %dma_wait3A_30 = arith.constant 0 : i32
      %dma_wait3A_31 = tpu.memref_slice %arg10[%mul3A_23, %dma_wait3A_30] : memref<10016x32xf32, #tpu.memory_space<vmem_shared>> -> memref<626x32xf32, #tpu.memory_space<vmem_shared>>
      tpu.wait_dma2 semaphore(%run_scoped3A : memref<!tpu.dma_semaphore, #tpu.memory_space<semaphore_mem>>) src(%dma_wait3A_31 : memref<626x32xf32, #tpu.memory_space<vmem_shared>>) dst(%arg9 : memref<626x32xf32, #tpu.memory_space<vmem>>)
      tpu.yield
    }) : () -> ()
    %mul3A_24 = arith.constant 626 : i32
    %mul3A_25 = arith.muli %arg1, %mul3A_24 : i32
    "tpu.region"() ({
      %run_scoped3A = tpu.sem_alloc : memref<!tpu.dma_semaphore, #tpu.memory_space<semaphore_mem>>
      %dma_start3A = arith.constant 0 : i32
      %dma_start3A_26 = arith.constant 0 : i32
      %dma_start3A_27 = tpu.memref_slice %arg5[%arg0, %dma_start3A, %dma_start3A_26] : memref<2x10016x32xf32, #tpu.memory_space<hbm>> -> memref<1x10016x32xf32, #tpu.memory_space<hbm>>
      %dma_start3A_28 = tpu.memref_squeeze %dma_start3A_27 : memref<1x10016x32xf32, #tpu.memory_space<hbm>> -> memref<10016x32xf32, #tpu.memory_space<hbm>>
      %dma_start3A_29 = arith.constant 0 : i32
      %dma_start3A_30 = tpu.memref_slice %dma_start3A_28[%mul3A_25, %dma_start3A_29] : memref<10016x32xf32, #tpu.memory_space<hbm>> -> memref<626x32xf32, #tpu.memory_space<hbm>>
      %dma_start3A_31 = arith.constant 0 : i32
      %dma_start3A_32 = arith.constant 0 : i32
      %dma_start3A_33 = tpu.memref_slice %arg5[%arg0, %dma_start3A_31, %dma_start3A_32] : memref<2x10016x32xf32, #tpu.memory_space<hbm>> -> memref<1x10016x32xf32, #tpu.memory_space<hbm>>
      %dma_start3A_34 = tpu.memref_squeeze %dma_start3A_33 : memref<1x10016x32xf32, #tpu.memory_space<hbm>> -> memref<10016x32xf32, #tpu.memory_space<hbm>>
      %dma_start3A_35 = arith.constant 0 : i32
      %dma_start3A_36 = tpu.memref_slice %dma_start3A_34[%mul3A_25, %dma_start3A_35] : memref<10016x32xf32, #tpu.memory_space<hbm>> -> memref<626x32xf32, #tpu.memory_space<hbm>>
      tpu.enqueue_dma source(%arg9 : memref<626x32xf32, #tpu.memory_space<vmem>>) target(%dma_start3A_36 : memref<626x32xf32, #tpu.memory_space<hbm>>) target_semaphore(%run_scoped3A : memref<!tpu.dma_semaphore, #tpu.memory_space<semaphore_mem>>)
      %dma_wait3A = arith.constant 0 : i32
      %dma_wait3A_37 = arith.constant 0 : i32
      %dma_wait3A_38 = tpu.memref_slice %arg5[%arg0, %dma_wait3A, %dma_wait3A_37] : memref<2x10016x32xf32, #tpu.memory_space<hbm>> -> memref<1x10016x32xf32, #tpu.memory_space<hbm>>
      %dma_wait3A_39 = tpu.memref_squeeze %dma_wait3A_38 : memref<1x10016x32xf32, #tpu.memory_space<hbm>> -> memref<10016x32xf32, #tpu.memory_space<hbm>>
      %dma_wait3A_40 = arith.constant 0 : i32
      %dma_wait3A_41 = tpu.memref_slice %dma_wait3A_39[%mul3A_25, %dma_wait3A_40] : memref<10016x32xf32, #tpu.memory_space<hbm>> -> memref<626x32xf32, #tpu.memory_space<hbm>>
      %dma_wait3A_42 = arith.constant 0 : i32
      %dma_wait3A_43 = arith.constant 0 : i32
      %dma_wait3A_44 = tpu.memref_slice %arg5[%arg0, %dma_wait3A_42, %dma_wait3A_43] : memref<2x10016x32xf32, #tpu.memory_space<hbm>> -> memref<1x10016x32xf32, #tpu.memory_space<hbm>>
      %dma_wait3A_45 = tpu.memref_squeeze %dma_wait3A_44 : memref<1x10016x32xf32, #tpu.memory_space<hbm>> -> memref<10016x32xf32, #tpu.memory_space<hbm>>
      %dma_wait3A_46 = arith.constant 0 : i32
      %dma_wait3A_47 = tpu.memref_slice %dma_wait3A_45[%mul3A_25, %dma_wait3A_46] : memref<10016x32xf32, #tpu.memory_space<hbm>> -> memref<626x32xf32, #tpu.memory_space<hbm>>
      tpu.wait_dma2 semaphore(%run_scoped3A : memref<!tpu.dma_semaphore, #tpu.memory_space<semaphore_mem>>) src(%arg9 : memref<626x32xf32, #tpu.memory_space<vmem>>) dst(%dma_wait3A_47 : memref<626x32xf32, #tpu.memory_space<hbm>>)
      tpu.yield
    }) : () -> ()
    return
  }
}

#map = affine_map<(d0, d1) -> (0, 0)>
module attributes {stable_mosaic.version = 14 : i64} {
  func.func @_sc_poolgather(%arg0: i32, %arg1: i32, %arg2: memref<10016x144xf32, #tpu.memory_space<hbm>>, %arg3: memref<64x80xi32, #tpu.memory_space<hbm>>, %arg4: memref<5120x144xf32, #tpu.memory_space<hbm>>, %arg5: memref<1x80xi32, #tpu.memory_space<vmem>>, %arg6: memref<80x144xf32, #tpu.memory_space<vmem>>, %arg7: memref<!tpu.dma_semaphore, #tpu.memory_space<semaphore_mem>>) attributes {dimension_semantics = [#tpu.dimension_semantics<core_parallel>, #tpu.dimension_semantics<subcore_parallel>], iteration_bounds = array<i64: 2, 16>, scalar_prefetch = 0 : i64, scratch_operands = 3 : i64, tpu.core_type = #tpu.core_type<sc_vector_subcore>, window_params = [{transform_indices = #map}, {transform_indices = #map}, {transform_indices = #map}]} {
    %mul3A = arith.constant 2 : i32
    %mul3A_0 = arith.muli %arg1, %mul3A : i32
    %add3A = arith.addi %mul3A_0, %arg0 : i32
    %scan3A = arith.constant 0 : i32
    %scan3A_1 = arith.constant 0 : i32
    %scan3A_2 = arith.constant 2 : i32
    %scan3A_3 = arith.addi %scan3A_1, %scan3A_2 : i32
    %scan3A_4 = arith.constant 1 : i32
    %scan3A_5 = scf.for %scan3A_7 = %scan3A_1 to %scan3A_3 step %scan3A_4 iter_args(%scan3A_8 = %scan3A) -> (i32)  : i32 {
      %mul3A_9 = arith.constant 2 : i32
      %mul3A_10 = arith.muli %add3A, %mul3A_9 : i32
      %add3A_11 = arith.addi %mul3A_10, %scan3A_7 : i32
      "tpu.region"() ({
        %run_scoped3A = tpu.sem_alloc : memref<!tpu.dma_semaphore, #tpu.memory_space<semaphore_mem>>
        %dma_start3A_27 = arith.constant 0 : i32
        %dma_start3A_28 = tpu.memref_slice %arg3[%add3A_11, %dma_start3A_27] : memref<64x80xi32, #tpu.memory_space<hbm>> -> memref<1x80xi32, #tpu.memory_space<hbm>>
        %dma_start3A_29 = arith.constant 0 : i32
        %dma_start3A_30 = tpu.memref_slice %arg3[%add3A_11, %dma_start3A_29] : memref<64x80xi32, #tpu.memory_space<hbm>> -> memref<1x80xi32, #tpu.memory_space<hbm>>
        tpu.enqueue_dma source(%dma_start3A_30 : memref<1x80xi32, #tpu.memory_space<hbm>>) target(%arg5 : memref<1x80xi32, #tpu.memory_space<vmem>>) target_semaphore(%run_scoped3A : memref<!tpu.dma_semaphore, #tpu.memory_space<semaphore_mem>>)
        %dma_wait3A_31 = arith.constant 0 : i32
        %dma_wait3A_32 = tpu.memref_slice %arg3[%add3A_11, %dma_wait3A_31] : memref<64x80xi32, #tpu.memory_space<hbm>> -> memref<1x80xi32, #tpu.memory_space<hbm>>
        %dma_wait3A_33 = arith.constant 0 : i32
        %dma_wait3A_34 = tpu.memref_slice %arg3[%add3A_11, %dma_wait3A_33] : memref<64x80xi32, #tpu.memory_space<hbm>> -> memref<1x80xi32, #tpu.memory_space<hbm>>
        tpu.wait_dma2 semaphore(%run_scoped3A : memref<!tpu.dma_semaphore, #tpu.memory_space<semaphore_mem>>) src(%dma_wait3A_34 : memref<1x80xi32, #tpu.memory_space<hbm>>) dst(%arg5 : memref<1x80xi32, #tpu.memory_space<vmem>>)
        tpu.yield
      }) : () -> ()
      %dma_start3A = arith.constant 0 : i32
      %dma_start3A_12 = arith.constant 0 : i32
      %dma_start3A_13 = tpu.memref_slice %arg5[%dma_start3A, %dma_start3A_12] : memref<1x80xi32, #tpu.memory_space<vmem>> -> memref<1x80xi32, #tpu.memory_space<vmem>>
      %dma_start3A_14 = tpu.memref_squeeze %dma_start3A_13 : memref<1x80xi32, #tpu.memory_space<vmem>> -> memref<80xi32, #tpu.memory_space<vmem>>
      %dma_start3A_15 = arith.constant 0 : i32
      %dma_start3A_16 = arith.constant 0 : i32
      %dma_start3A_17 = tpu.memref_slice %arg2[%dma_start3A_15, %dma_start3A_16] : memref<10016x144xf32, #tpu.memory_space<hbm>> -> memref<10016x144xf32, #tpu.memory_space<hbm>>
      tpu.enqueue_indirect_dma source(%dma_start3A_17 : memref<10016x144xf32, #tpu.memory_space<hbm>>) target(%arg6 : memref<80x144xf32, #tpu.memory_space<vmem>>) offsets(%dma_start3A_14 : memref<80xi32, #tpu.memory_space<vmem>>) semaphore(%arg7 : memref<!tpu.dma_semaphore, #tpu.memory_space<semaphore_mem>>)
      %dma_wait3A = arith.constant 0 : i32
      %dma_wait3A_18 = arith.constant 0 : i32
      %dma_wait3A_19 = tpu.memref_slice %arg5[%dma_wait3A, %dma_wait3A_18] : memref<1x80xi32, #tpu.memory_space<vmem>> -> memref<1x80xi32, #tpu.memory_space<vmem>>
      %dma_wait3A_20 = tpu.memref_squeeze %dma_wait3A_19 : memref<1x80xi32, #tpu.memory_space<vmem>> -> memref<80xi32, #tpu.memory_space<vmem>>
      %dma_wait3A_21 = arith.constant 0 : i32
      %dma_wait3A_22 = arith.constant 0 : i32
      %dma_wait3A_23 = tpu.memref_slice %arg2[%dma_wait3A_21, %dma_wait3A_22] : memref<10016x144xf32, #tpu.memory_space<hbm>> -> memref<10016x144xf32, #tpu.memory_space<hbm>>
      tpu.wait_indirect_dma semaphore(%arg7 : memref<!tpu.dma_semaphore, #tpu.memory_space<semaphore_mem>>) src(%dma_wait3A_23 : memref<10016x144xf32, #tpu.memory_space<hbm>>) dst(%arg6 : memref<80x144xf32, #tpu.memory_space<vmem>>)
      %mul3A_24 = arith.constant 80 : i32
      %mul3A_25 = arith.muli %add3A_11, %mul3A_24 : i32
      "tpu.region"() ({
        %run_scoped3A = tpu.sem_alloc : memref<!tpu.dma_semaphore, #tpu.memory_space<semaphore_mem>>
        %dma_start3A_27 = arith.constant 0 : i32
        %dma_start3A_28 = tpu.memref_slice %arg4[%mul3A_25, %dma_start3A_27] : memref<5120x144xf32, #tpu.memory_space<hbm>> -> memref<80x144xf32, #tpu.memory_space<hbm>>
        %dma_start3A_29 = arith.constant 0 : i32
        %dma_start3A_30 = tpu.memref_slice %arg4[%mul3A_25, %dma_start3A_29] : memref<5120x144xf32, #tpu.memory_space<hbm>> -> memref<80x144xf32, #tpu.memory_space<hbm>>
        tpu.enqueue_dma source(%arg6 : memref<80x144xf32, #tpu.memory_space<vmem>>) target(%dma_start3A_30 : memref<80x144xf32, #tpu.memory_space<hbm>>) target_semaphore(%run_scoped3A : memref<!tpu.dma_semaphore, #tpu.memory_space<semaphore_mem>>)
        %dma_wait3A_31 = arith.constant 0 : i32
        %dma_wait3A_32 = tpu.memref_slice %arg4[%mul3A_25, %dma_wait3A_31] : memref<5120x144xf32, #tpu.memory_space<hbm>> -> memref<80x144xf32, #tpu.memory_space<hbm>>
        %dma_wait3A_33 = arith.constant 0 : i32
        %dma_wait3A_34 = tpu.memref_slice %arg4[%mul3A_25, %dma_wait3A_33] : memref<5120x144xf32, #tpu.memory_space<hbm>> -> memref<80x144xf32, #tpu.memory_space<hbm>>
        tpu.wait_dma2 semaphore(%run_scoped3A : memref<!tpu.dma_semaphore, #tpu.memory_space<semaphore_mem>>) src(%arg6 : memref<80x144xf32, #tpu.memory_space<vmem>>) dst(%dma_wait3A_34 : memref<80x144xf32, #tpu.memory_space<hbm>>)
        tpu.yield
      }) : () -> ()
      %scan3A_26 = arith.constant 0 : i32
      scf.yield %scan3A_26 : i32
    }
    %scan3A_6 = arith.constant 2 : i32
    return
  }
}

module attributes {stable_mosaic.version = 14 : i64} {
  func.func @_tc0_body(%arg0: memref<10016x128xf32, #tpu.memory_space<vmem>>, %arg1: memref<128x32xf32, #tpu.memory_space<vmem>>, %arg2: memref<1x32xf32, #tpu.memory_space<vmem>>, %arg3: memref<10016x32xf32, #tpu.memory_space<vmem>>) attributes {dimension_semantics = [], scalar_prefetch = 0 : i64, scratch_operands = 0 : i64, tpu.core_type = #tpu.core_type<tc>} {
    %get3A = arith.constant 0 : index
    %get3A_0 = arith.constant 0 : index
    %get3A_1 = vector.load %arg0[%get3A, %get3A_0] : memref<10016x128xf32, #tpu.memory_space<vmem>>, vector<10016x128xf32>
    %get3A_2 = arith.constant 0 : index
    %get3A_3 = arith.constant 0 : index
    %get3A_4 = vector.load %arg1[%get3A_2, %get3A_3] : memref<128x32xf32, #tpu.memory_space<vmem>>, vector<128x32xf32>
    %dot_general3A = arith.constant dense<0.000000e+00> : vector<10016x32xf32>
    %dot_general3A_5 = tpu.matmul %get3A_1, %get3A_4, %dot_general3A {dimension_numbers = #tpu.dot_dimension_numbers<[1], [0], [0], [1], [0, 0, 1, 1], [], []>, transpose_lhs_hint = false} : vector<10016x128xf32>, vector<128x32xf32>, vector<10016x32xf32> -> vector<10016x32xf32>
    %get3A_6 = arith.constant 0 : index
    %get3A_7 = arith.constant 0 : index
    %get3A_8 = vector.load %arg2[%get3A_6, %get3A_7] : memref<1x32xf32, #tpu.memory_space<vmem>>, vector<1x32xf32>
    %add3A = vector.broadcast %get3A_8 : vector<1x32xf32> to vector<10016x32xf32>
    %add3A_9 = arith.addf %dot_general3A_5, %add3A : vector<10016x32xf32>
    %swap3A = arith.constant 0 : index
    %swap3A_10 = arith.constant 0 : index
    %swap3A_11 = vector.load %arg3[%swap3A, %swap3A_10] : memref<10016x32xf32, #tpu.memory_space<vmem>>, vector<10016x32xf32>
    tpu.vector_store %arg3[%swap3A, %swap3A_10], %add3A_9 {strides = array<i32>} : memref<10016x32xf32, #tpu.memory_space<vmem>>, vector<10016x32xf32>,
    return
  }
}

module attributes {stable_mosaic.version = 14 : i64} {
  func.func @_tc_mid1_body(%arg0: memref<2x10016x32xf32, #tpu.memory_space<vmem>>, %arg1: memref<2x10016x16xf32, #tpu.memory_space<vmem>>, %arg2: memref<10016x32xf32, #tpu.memory_space<vmem>>, %arg3: memref<32x32xf32, #tpu.memory_space<vmem>>, %arg4: memref<1x32xf32, #tpu.memory_space<vmem>>, %arg5: memref<10016x1xf32, #tpu.memory_space<vmem>>, %arg6: memref<10016x32xf32, #tpu.memory_space<vmem>>, %arg7: memref<10016x32xf32, #tpu.memory_space<vmem>>) attributes {dimension_semantics = [], scalar_prefetch = 0 : i64, scratch_operands = 0 : i64, tpu.core_type = #tpu.core_type<tc>} {
    %get3A = arith.constant 0 : index
    %get3A_0 = arith.constant 0 : index
    %get3A_1 = arith.constant 0 : index
    %get3A_2 = vector.load %arg1[%get3A, %get3A_0, %get3A_1] : memref<2x10016x16xf32, #tpu.memory_space<vmem>>, vector<1x10016x1xf32>
    %get3A_3 = vector.shape_cast %get3A_2 : vector<1x10016x1xf32> to vector<10016x1xf32>
    %get3A_4 = arith.constant 1 : index
    %get3A_5 = arith.constant 0 : index
    %get3A_6 = arith.constant 0 : index
    %get3A_7 = vector.load %arg1[%get3A_4, %get3A_5, %get3A_6] : memref<2x10016x16xf32, #tpu.memory_space<vmem>>, vector<1x10016x1xf32>
    %get3A_8 = vector.shape_cast %get3A_7 : vector<1x10016x1xf32> to vector<10016x1xf32>
    %add3A = arith.addf %get3A_3, %get3A_8 : vector<10016x1xf32>
    %add3A_9 = arith.constant 1.000000e+00 : f32
    %add3A_10 = vector.broadcast %add3A_9 : f32 to vector<10016x1xf32>
    %add3A_11 = arith.addf %add3A, %add3A_10 : vector<10016x1xf32>
    %div3A = arith.constant 1.000000e+00 : f32
    %div3A_12 = vector.broadcast %div3A : f32 to vector<10016x1xf32>
    %div3A_13 = arith.divf %div3A_12, %add3A_11 : vector<10016x1xf32>
    %swap3A = arith.constant 0 : index
    %swap3A_14 = arith.constant 0 : index
    %swap3A_15 = vector.load %arg5[%swap3A, %swap3A_14] : memref<10016x1xf32, #tpu.memory_space<vmem>>, vector<10016x1xf32>
    tpu.vector_store %arg5[%swap3A, %swap3A_14], %div3A_13 {strides = array<i32>} : memref<10016x1xf32, #tpu.memory_space<vmem>>, vector<10016x1xf32>,
    %get3A_16 = arith.constant 0 : index
    %get3A_17 = arith.constant 0 : index
    %get3A_18 = arith.constant 0 : index
    %get3A_19 = vector.load %arg0[%get3A_16, %get3A_17, %get3A_18] : memref<2x10016x32xf32, #tpu.memory_space<vmem>>, vector<1x10016x32xf32>
    %get3A_20 = vector.shape_cast %get3A_19 : vector<1x10016x32xf32> to vector<10016x32xf32>
    %get3A_21 = arith.constant 1 : index
    %get3A_22 = arith.constant 0 : index
    %get3A_23 = arith.constant 0 : index
    %get3A_24 = vector.load %arg0[%get3A_21, %get3A_22, %get3A_23] : memref<2x10016x32xf32, #tpu.memory_space<vmem>>, vector<1x10016x32xf32>
    %get3A_25 = vector.shape_cast %get3A_24 : vector<1x10016x32xf32> to vector<10016x32xf32>
    %add3A_26 = arith.addf %get3A_20, %get3A_25 : vector<10016x32xf32>
    %get3A_27 = arith.constant 0 : index
    %get3A_28 = arith.constant 0 : index
    %get3A_29 = vector.load %arg2[%get3A_27, %get3A_28] : memref<10016x32xf32, #tpu.memory_space<vmem>>, vector<10016x32xf32>
    %add3A_30 = arith.addf %add3A_26, %get3A_29 : vector<10016x32xf32>
    %mul3A = vector.broadcast %div3A_13 : vector<10016x1xf32> to vector<10016x32xf32>
    %mul3A_31 = arith.mulf %add3A_30, %mul3A : vector<10016x32xf32>
    %tanh3A = math.tanh %mul3A_31 : vector<10016x32xf32>
    %swap3A_32 = arith.constant 0 : index
    %swap3A_33 = arith.constant 0 : index
    %swap3A_34 = vector.load %arg6[%swap3A_32, %swap3A_33] : memref<10016x32xf32, #tpu.memory_space<vmem>>, vector<10016x32xf32>
    tpu.vector_store %arg6[%swap3A_32, %swap3A_33], %tanh3A {strides = array<i32>} : memref<10016x32xf32, #tpu.memory_space<vmem>>, vector<10016x32xf32>,
    %get3A_35 = arith.constant 0 : index
    %get3A_36 = arith.constant 0 : index
    %get3A_37 = vector.load %arg3[%get3A_35, %get3A_36] : memref<32x32xf32, #tpu.memory_space<vmem>>, vector<32x32xf32>
    %dot_general3A = arith.constant dense<0.000000e+00> : vector<10016x32xf32>
    %dot_general3A_38 = tpu.matmul %tanh3A, %get3A_37, %dot_general3A {dimension_numbers = #tpu.dot_dimension_numbers<[1], [0], [0], [1], [0, 0, 1, 1], [], []>, transpose_lhs_hint = false} : vector<10016x32xf32>, vector<32x32xf32>, vector<10016x32xf32> -> vector<10016x32xf32>
    %get3A_39 = arith.constant 0 : index
    %get3A_40 = arith.constant 0 : index
    %get3A_41 = vector.load %arg4[%get3A_39, %get3A_40] : memref<1x32xf32, #tpu.memory_space<vmem>>, vector<1x32xf32>
    %add3A_42 = vector.broadcast %get3A_41 : vector<1x32xf32> to vector<10016x32xf32>
    %add3A_43 = arith.addf %dot_general3A_38, %add3A_42 : vector<10016x32xf32>
    %swap3A_44 = arith.constant 0 : index
    %swap3A_45 = arith.constant 0 : index
    %swap3A_46 = vector.load %arg7[%swap3A_44, %swap3A_45] : memref<10016x32xf32, #tpu.memory_space<vmem>>, vector<10016x32xf32>
    tpu.vector_store %arg7[%swap3A_44, %swap3A_45], %add3A_43 {strides = array<i32>} : memref<10016x32xf32, #tpu.memory_space<vmem>>, vector<10016x32xf32>,
    return
  }
}

module attributes {stable_mosaic.version = 14 : i64} {
  func.func @_tc_mid_body(%arg0: memref<2x10016x32xf32, #tpu.memory_space<vmem>>, %arg1: memref<10016x32xf32, #tpu.memory_space<vmem>>, %arg2: memref<10016x1xf32, #tpu.memory_space<vmem>>, %arg3: memref<32x32xf32, #tpu.memory_space<vmem>>, %arg4: memref<1x32xf32, #tpu.memory_space<vmem>>, %arg5: memref<10016x32xf32, #tpu.memory_space<vmem>>, %arg6: memref<10016x32xf32, #tpu.memory_space<vmem>>) attributes {dimension_semantics = [], scalar_prefetch = 0 : i64, scratch_operands = 0 : i64, tpu.core_type = #tpu.core_type<tc>} {
    %get3A = arith.constant 0 : index
    %get3A_0 = arith.constant 0 : index
    %get3A_1 = arith.constant 0 : index
    %get3A_2 = vector.load %arg0[%get3A, %get3A_0, %get3A_1] : memref<2x10016x32xf32, #tpu.memory_space<vmem>>, vector<1x10016x32xf32>
    %get3A_3 = vector.shape_cast %get3A_2 : vector<1x10016x32xf32> to vector<10016x32xf32>
    %get3A_4 = arith.constant 1 : index
    %get3A_5 = arith.constant 0 : index
    %get3A_6 = arith.constant 0 : index
    %get3A_7 = vector.load %arg0[%get3A_4, %get3A_5, %get3A_6] : memref<2x10016x32xf32, #tpu.memory_space<vmem>>, vector<1x10016x32xf32>
    %get3A_8 = vector.shape_cast %get3A_7 : vector<1x10016x32xf32> to vector<10016x32xf32>
    %add3A = arith.addf %get3A_3, %get3A_8 : vector<10016x32xf32>
    %get3A_9 = arith.constant 0 : index
    %get3A_10 = arith.constant 0 : index
    %get3A_11 = vector.load %arg1[%get3A_9, %get3A_10] : memref<10016x32xf32, #tpu.memory_space<vmem>>, vector<10016x32xf32>
    %add3A_12 = arith.addf %add3A, %get3A_11 : vector<10016x32xf32>
    %get3A_13 = arith.constant 0 : index
    %get3A_14 = arith.constant 0 : index
    %get3A_15 = vector.load %arg2[%get3A_13, %get3A_14] : memref<10016x1xf32, #tpu.memory_space<vmem>>, vector<10016x1xf32>
    %mul3A = vector.broadcast %get3A_15 : vector<10016x1xf32> to vector<10016x32xf32>
    %mul3A_16 = arith.mulf %add3A_12, %mul3A : vector<10016x32xf32>
    %tanh3A = math.tanh %mul3A_16 : vector<10016x32xf32>
    %swap3A = arith.constant 0 : index
    %swap3A_17 = arith.constant 0 : index
    %swap3A_18 = vector.load %arg5[%swap3A, %swap3A_17] : memref<10016x32xf32, #tpu.memory_space<vmem>>, vector<10016x32xf32>
    tpu.vector_store %arg5[%swap3A, %swap3A_17], %tanh3A {strides = array<i32>} : memref<10016x32xf32, #tpu.memory_space<vmem>>, vector<10016x32xf32>,
    %get3A_19 = arith.constant 0 : index
    %get3A_20 = arith.constant 0 : index
    %get3A_21 = vector.load %arg3[%get3A_19, %get3A_20] : memref<32x32xf32, #tpu.memory_space<vmem>>, vector<32x32xf32>
    %dot_general3A = arith.constant dense<0.000000e+00> : vector<10016x32xf32>
    %dot_general3A_22 = tpu.matmul %tanh3A, %get3A_21, %dot_general3A {dimension_numbers = #tpu.dot_dimension_numbers<[1], [0], [0], [1], [0, 0, 1, 1], [], []>, transpose_lhs_hint = false} : vector<10016x32xf32>, vector<32x32xf32>, vector<10016x32xf32> -> vector<10016x32xf32>
    %get3A_23 = arith.constant 0 : index
    %get3A_24 = arith.constant 0 : index
    %get3A_25 = vector.load %arg4[%get3A_23, %get3A_24] : memref<1x32xf32, #tpu.memory_space<vmem>>, vector<1x32xf32>
    %add3A_26 = vector.broadcast %get3A_25 : vector<1x32xf32> to vector<10016x32xf32>
    %add3A_27 = arith.addf %dot_general3A_22, %add3A_26 : vector<10016x32xf32>
    %swap3A_28 = arith.constant 0 : index
    %swap3A_29 = arith.constant 0 : index
    %swap3A_30 = vector.load %arg6[%swap3A_28, %swap3A_29] : memref<10016x32xf32, #tpu.memory_space<vmem>>, vector<10016x32xf32>
    tpu.vector_store %arg6[%swap3A_28, %swap3A_29], %add3A_27 {strides = array<i32>} : memref<10016x32xf32, #tpu.memory_space<vmem>>, vector<10016x32xf32>,
    return
  }
}

module attributes {stable_mosaic.version = 14 : i64} {
  func.func @_tc_mid3_body(%arg0: memref<2x10016x32xf32, #tpu.memory_space<vmem>>, %arg1: memref<10016x32xf32, #tpu.memory_space<vmem>>, %arg2: memref<10016x1xf32, #tpu.memory_space<vmem>>, %arg3: memref<32x1xf32, #tpu.memory_space<vmem>>, %arg4: memref<1x1xf32, #tpu.memory_space<vmem>>, %arg5: memref<10016x32xf32, #tpu.memory_space<vmem>>, %arg6: memref<10016x32xf32, #tpu.memory_space<vmem>>) attributes {dimension_semantics = [], scalar_prefetch = 0 : i64, scratch_operands = 0 : i64, tpu.core_type = #tpu.core_type<tc>} {
    %get3A = arith.constant 0 : index
    %get3A_0 = arith.constant 0 : index
    %get3A_1 = arith.constant 0 : index
    %get3A_2 = vector.load %arg0[%get3A, %get3A_0, %get3A_1] : memref<2x10016x32xf32, #tpu.memory_space<vmem>>, vector<1x10016x32xf32>
    %get3A_3 = vector.shape_cast %get3A_2 : vector<1x10016x32xf32> to vector<10016x32xf32>
    %get3A_4 = arith.constant 1 : index
    %get3A_5 = arith.constant 0 : index
    %get3A_6 = arith.constant 0 : index
    %get3A_7 = vector.load %arg0[%get3A_4, %get3A_5, %get3A_6] : memref<2x10016x32xf32, #tpu.memory_space<vmem>>, vector<1x10016x32xf32>
    %get3A_8 = vector.shape_cast %get3A_7 : vector<1x10016x32xf32> to vector<10016x32xf32>
    %add3A = arith.addf %get3A_3, %get3A_8 : vector<10016x32xf32>
    %get3A_9 = arith.constant 0 : index
    %get3A_10 = arith.constant 0 : index
    %get3A_11 = vector.load %arg1[%get3A_9, %get3A_10] : memref<10016x32xf32, #tpu.memory_space<vmem>>, vector<10016x32xf32>
    %add3A_12 = arith.addf %add3A, %get3A_11 : vector<10016x32xf32>
    %get3A_13 = arith.constant 0 : index
    %get3A_14 = arith.constant 0 : index
    %get3A_15 = vector.load %arg2[%get3A_13, %get3A_14] : memref<10016x1xf32, #tpu.memory_space<vmem>>, vector<10016x1xf32>
    %mul3A = vector.broadcast %get3A_15 : vector<10016x1xf32> to vector<10016x32xf32>
    %mul3A_16 = arith.mulf %add3A_12, %mul3A : vector<10016x32xf32>
    %tanh3A = math.tanh %mul3A_16 : vector<10016x32xf32>
    %swap3A = arith.constant 0 : index
    %swap3A_17 = arith.constant 0 : index
    %swap3A_18 = vector.load %arg5[%swap3A, %swap3A_17] : memref<10016x32xf32, #tpu.memory_space<vmem>>, vector<10016x32xf32>
    tpu.vector_store %arg5[%swap3A, %swap3A_17], %tanh3A {strides = array<i32>} : memref<10016x32xf32, #tpu.memory_space<vmem>>, vector<10016x32xf32>,
    %get3A_19 = arith.constant 0 : index
    %get3A_20 = arith.constant 0 : index
    %get3A_21 = vector.load %arg3[%get3A_19, %get3A_20] : memref<32x1xf32, #tpu.memory_space<vmem>>, vector<32x1xf32>
    %dot_general3A = arith.constant dense<0.000000e+00> : vector<10016x1xf32>
    %dot_general3A_22 = tpu.matmul %tanh3A, %get3A_21, %dot_general3A {dimension_numbers = #tpu.dot_dimension_numbers<[1], [0], [0], [1], [0, 0, 1, 1], [], []>, transpose_lhs_hint = false} : vector<10016x32xf32>, vector<32x1xf32>, vector<10016x1xf32> -> vector<10016x1xf32>
    %get3A_23 = arith.constant 0 : index
    %get3A_24 = arith.constant 0 : index
    %get3A_25 = vector.load %arg4[%get3A_23, %get3A_24] : memref<1x1xf32, #tpu.memory_space<vmem>>, vector<1x1xf32>
    %add3A_26 = vector.broadcast %get3A_25 : vector<1x1xf32> to vector<10016x1xf32>
    %add3A_27 = arith.addf %dot_general3A_22, %add3A_26 : vector<10016x1xf32>
    %broadcast_in_dim3A = arith.constant 0.000000e+00 : f32
    %broadcast_in_dim3A_28 = vector.broadcast %broadcast_in_dim3A : f32 to vector<10016x31xf32>
    %concatenate3A = tpu.concatenate %add3A_27, %broadcast_in_dim3A_28 in 1 : vector<10016x1xf32>, vector<10016x31xf32> -> vector<10016x32xf32>
    %swap3A_29 = arith.constant 0 : index
    %swap3A_30 = arith.constant 0 : index
    %swap3A_31 = vector.load %arg6[%swap3A_29, %swap3A_30] : memref<10016x32xf32, #tpu.memory_space<vmem>>, vector<10016x32xf32>
    tpu.vector_store %arg6[%swap3A_29, %swap3A_30], %concatenate3A {strides = array<i32>} : memref<10016x32xf32, #tpu.memory_space<vmem>>, vector<10016x32xf32>,
    return
  }
}

module attributes {stable_mosaic.version = 14 : i64} {
  func.func @_tc4_body(%arg0: i32, %arg1: memref<2x2504x32xf32, #tpu.memory_space<vmem>>, %arg2: memref<2504x32xf32, #tpu.memory_space<vmem>>, %arg3: memref<2504x1xf32, #tpu.memory_space<vmem>>, %arg4: memref<2504x32xf32, #tpu.memory_space<vmem>>, %arg5: memref<2504x32xf32, #tpu.memory_space<vmem>>, %arg6: memref<2504x32xf32, #tpu.memory_space<vmem>>, %arg7: memref<2504x32xf32, #tpu.memory_space<vmem>>, %arg8: memref<2504x144xf32, #tpu.memory_space<vmem>>) attributes {dimension_semantics = [#tpu.dimension_semantics<arbitrary>], iteration_bounds = array<i64: 4>, scalar_prefetch = 0 : i64, scratch_operands = 0 : i64, tpu.core_type = #tpu.core_type<tc>, window_params = [{transform_indices = @transform_0, window_bounds = array<i64: 2, 2504, 32>}, {transform_indices = @transform_1, window_bounds = array<i64: 2504, 32>}, {transform_indices = @transform_2, window_bounds = array<i64: 2504, 1>}, {transform_indices = @transform_3, window_bounds = array<i64: 2504, 32>}, {transform_indices = @transform_4, window_bounds = array<i64: 2504, 32>}, {transform_indices = @transform_5, window_bounds = array<i64: 2504, 32>}, {transform_indices = @transform_6, window_bounds = array<i64: 2504, 32>}, {transform_indices = @transform_7, window_bounds = array<i64: 2504, 144>}]} {
    %get3A = arith.constant 0 : index
    %get3A_0 = arith.constant 0 : index
    %get3A_1 = arith.constant 0 : index
    %get3A_2 = vector.load %arg1[%get3A, %get3A_0, %get3A_1] : memref<2x2504x32xf32, #tpu.memory_space<vmem>>, vector<1x2504x1xf32>
    %get3A_3 = vector.shape_cast %get3A_2 : vector<1x2504x1xf32> to vector<2504x1xf32>
    %get3A_4 = arith.constant 1 : index
    %get3A_5 = arith.constant 0 : index
    %get3A_6 = arith.constant 0 : index
    %get3A_7 = vector.load %arg1[%get3A_4, %get3A_5, %get3A_6] : memref<2x2504x32xf32, #tpu.memory_space<vmem>>, vector<1x2504x1xf32>
    %get3A_8 = vector.shape_cast %get3A_7 : vector<1x2504x1xf32> to vector<2504x1xf32>
    %add3A = arith.addf %get3A_3, %get3A_8 : vector<2504x1xf32>
    %get3A_9 = arith.constant 0 : index
    %get3A_10 = arith.constant 0 : index
    %get3A_11 = vector.load %arg2[%get3A_9, %get3A_10] : memref<2504x32xf32, #tpu.memory_space<vmem>>, vector<2504x1xf32>
    %add3A_12 = arith.addf %add3A, %get3A_11 : vector<2504x1xf32>
    %get3A_13 = arith.constant 0 : index
    %get3A_14 = arith.constant 0 : index
    %get3A_15 = vector.load %arg3[%get3A_13, %get3A_14] : memref<2504x1xf32, #tpu.memory_space<vmem>>, vector<2504x1xf32>
    %mul3A = arith.mulf %add3A_12, %get3A_15 : vector<2504x1xf32>
    %tanh3A = math.tanh %mul3A : vector<2504x1xf32>
    %get3A_16 = arith.constant 0 : index
    %get3A_17 = arith.constant 0 : index
    %get3A_18 = vector.load %arg4[%get3A_16, %get3A_17] : memref<2504x32xf32, #tpu.memory_space<vmem>>, vector<2504x32xf32>
    %get3A_19 = arith.constant 0 : index
    %get3A_20 = arith.constant 0 : index
    %get3A_21 = vector.load %arg5[%get3A_19, %get3A_20] : memref<2504x32xf32, #tpu.memory_space<vmem>>, vector<2504x32xf32>
    %get3A_22 = arith.constant 0 : index
    %get3A_23 = arith.constant 0 : index
    %get3A_24 = vector.load %arg6[%get3A_22, %get3A_23] : memref<2504x32xf32, #tpu.memory_space<vmem>>, vector<2504x32xf32>
    %get3A_25 = arith.constant 0 : index
    %get3A_26 = arith.constant 0 : index
    %get3A_27 = vector.load %arg7[%get3A_25, %get3A_26] : memref<2504x32xf32, #tpu.memory_space<vmem>>, vector<2504x32xf32>
    %broadcast_in_dim3A = arith.constant 0.000000e+00 : f32
    %broadcast_in_dim3A_28 = vector.broadcast %broadcast_in_dim3A : f32 to vector<2504x15xf32>
    %concatenate3A = tpu.concatenate %get3A_18, %get3A_21, %get3A_24, %get3A_27, %tanh3A, %broadcast_in_dim3A_28 in 1 : vector<2504x32xf32>, vector<2504x32xf32>, vector<2504x32xf32>, vector<2504x32xf32>, vector<2504x1xf32>, vector<2504x15xf32> -> vector<2504x144xf32>
    %iota3A = tpu.iota {dimensions = array<i32: 0>} : vector<2504x144xi32>
    %mul3A_29 = arith.constant 2504 : i32
    %mul3A_30 = arith.muli %arg0, %mul3A_29 : i32
    %add3A_31 = vector.broadcast %mul3A_30 : i32 to vector<2504x144xi32>
    %add3A_32 = arith.addi %iota3A, %add3A_31 : vector<2504x144xi32>
    %lt3A = arith.constant 10000 : i32
    %lt3A_33 = vector.broadcast %lt3A : i32 to vector<2504x144xi32>
    %lt3A_34 = arith.cmpi slt, %add3A_32, %lt3A_33 : vector<2504x144xi32>
    %jit3A = arith.constant 0.000000e+00 : f32
    %broadcast_in_dim3A_35 = vector.broadcast %jit3A : f32 to vector<2504x144xf32>
    %select_n3A = arith.select %lt3A_34, %concatenate3A, %broadcast_in_dim3A_35 : vector<2504x144xi1>, vector<2504x144xf32>
    %swap3A = arith.constant 0 : index
    %swap3A_36 = arith.constant 0 : index
    %swap3A_37 = vector.load %arg8[%swap3A, %swap3A_36] : memref<2504x144xf32, #tpu.memory_space<vmem>>, vector<2504x144xf32>
    tpu.vector_store %arg8[%swap3A, %swap3A_36], %select_n3A {strides = array<i32>} : memref<2504x144xf32, #tpu.memory_space<vmem>>, vector<2504x144xf32>,
    return
  }
  func.func @transform_0(%arg0: i32) -> (i32, i32, i32) {
    %c0_i32 = arith.constant 0 : i32
    %c0_i32_0 = arith.constant 0 : i32
    %c0_i32_1 = arith.constant 0 : i32
    return %c0_i32, %arg0, %c0_i32_0 : i32, i32, i32
  }
  func.func @transform_1(%arg0: i32) -> (i32, i32) {
    %c0_i32 = arith.constant 0 : i32
    %c0_i32_0 = arith.constant 0 : i32
    return %arg0, %c0_i32 : i32, i32
  }
  func.func @transform_2(%arg0: i32) -> (i32, i32) {
    %c0_i32 = arith.constant 0 : i32
    %c0_i32_0 = arith.constant 0 : i32
    return %arg0, %c0_i32 : i32, i32
  }
  func.func @transform_3(%arg0: i32) -> (i32, i32) {
    %c0_i32 = arith.constant 0 : i32
    %c0_i32_0 = arith.constant 0 : i32
    return %arg0, %c0_i32 : i32, i32
  }
  func.func @transform_4(%arg0: i32) -> (i32, i32) {
    %c0_i32 = arith.constant 0 : i32
    %c0_i32_0 = arith.constant 0 : i32
    return %arg0, %c0_i32 : i32, i32
  }
  func.func @transform_5(%arg0: i32) -> (i32, i32) {
    %c0_i32 = arith.constant 0 : i32
    %c0_i32_0 = arith.constant 0 : i32
    return %arg0, %c0_i32 : i32, i32
  }
  func.func @transform_6(%arg0: i32) -> (i32, i32) {
    %c0_i32 = arith.constant 0 : i32
    %c0_i32_0 = arith.constant 0 : i32
    return %arg0, %c0_i32 : i32, i32
  }
  func.func @transform_7(%arg0: i32) -> (i32, i32) {
    %c0_i32 = arith.constant 0 : i32
    %c0_i32_0 = arith.constant 0 : i32
    return %arg0, %c0_i32 : i32, i32
  }
}

module attributes {stable_mosaic.version = 14 : i64} {
  func.func @_rank_body(%arg0: i32, %arg1: memref<79x128xi32, #tpu.memory_space<vmem>>, %arg2: memref<79x128xf32, #tpu.memory_space<vmem>>, %arg3: memref<10112x1xi32, #tpu.memory_space<vmem>>, %arg4: memref<10112x1xf32, #tpu.memory_space<vmem>>, %arg5: memref<1x1x128xi32, #tpu.memory_space<vmem>>) attributes {dimension_semantics = [#tpu.dimension_semantics<arbitrary>], iteration_bounds = array<i64: 79>, scalar_prefetch = 0 : i64, scratch_operands = 0 : i64, tpu.core_type = #tpu.core_type<tc>, window_params = [{pipeline_mode = #tpu.pipeline_mode<synchronous>, transform_indices = @transform_0, window_bounds = array<i64: 79, 128>}, {pipeline_mode = #tpu.pipeline_mode<synchronous>, transform_indices = @transform_1, window_bounds = array<i64: 79, 128>}, {pipeline_mode = #tpu.pipeline_mode<synchronous>, transform_indices = @transform_2, window_bounds = array<i64: 10112, 1>}, {pipeline_mode = #tpu.pipeline_mode<synchronous>, transform_indices = @transform_3, window_bounds = array<i64: 10112, 1>}, {transform_indices = @transform_4, window_bounds = array<i64: 1, 1, 128>}]} {
    %get3A = arith.index_cast %arg0 : i32 to index
    %get3A_0 = arith.constant 0 : index
    %get3A_1 = vector.load %arg1[%get3A, %get3A_0] : memref<79x128xi32, #tpu.memory_space<vmem>>, vector<1x128xi32>
    %get3A_2 = arith.index_cast %arg0 : i32 to index
    %get3A_3 = arith.constant 0 : index
    %get3A_4 = vector.load %arg2[%get3A_2, %get3A_3] : memref<79x128xf32, #tpu.memory_space<vmem>>, vector<1x128xf32>
    %reduce_min3A = vector.shape_cast %get3A_1 : vector<1x128xi32> to vector<1x1x128xi32>
    %reduce_min3A_5 = arith.constant dense<2147483647> : vector<1xi32>
    %reduce_min3A_6 = vector.multi_reduction <minsi>, %reduce_min3A, %reduce_min3A_5 [1, 2] : vector<1x1x128xi32> to vector<1xi32>
    %reduce_min3A_7 = vector.shape_cast %reduce_min3A_6 : vector<1xi32> to vector<1x1x1xi32>
    %reduce_min3A_8 = vector.extract %reduce_min3A_7[0, 0, 0] : i32 from vector<1x1x1xi32>
    %reduce_max3A = vector.shape_cast %get3A_1 : vector<1x128xi32> to vector<1x1x128xi32>
    %reduce_max3A_9 = arith.constant dense<-2147483648> : vector<1xi32>
    %reduce_max3A_10 = vector.multi_reduction <maxsi>, %reduce_max3A, %reduce_max3A_9 [1, 2] : vector<1x1x128xi32> to vector<1xi32>
    %reduce_max3A_11 = vector.shape_cast %reduce_max3A_10 : vector<1xi32> to vector<1x1x1xi32>
    %reduce_max3A_12 = vector.extract %reduce_max3A_11[0, 0, 0] : i32 from vector<1x1x1xi32>
    %iota3A = tpu.iota {dimensions = array<i32: 1>} : vector<128x128xi32>
    %mul3A = arith.constant 128 : i32
    %mul3A_13 = arith.muli %arg0, %mul3A : i32
    %add3A = vector.broadcast %mul3A_13 : i32 to vector<128x128xi32>
    %add3A_14 = arith.addi %iota3A, %add3A : vector<128x128xi32>
    %broadcast_in_dim3A = arith.constant 0.000000e+00 : f32
    %broadcast_in_dim3A_15 = vector.broadcast %broadcast_in_dim3A : f32 to vector<1x128xf32>
    %scan3A = arith.constant 0 : i32
    %scan3A_16 = arith.constant 79 : i32
    %scan3A_17 = arith.addi %scan3A, %scan3A_16 : i32
    %scan3A_18 = arith.constant 1 : i32
    %scan3A_19 = scf.for %scan3A_34 = %scan3A to %scan3A_17 step %scan3A_18 iter_args(%scan3A_35 = %broadcast_in_dim3A_15) -> (vector<1x128xf32>)  : i32 {
      %get3A_36 = arith.index_cast %scan3A_34 : i32 to index
      %get3A_37 = arith.constant 0 : index
      %get3A_38 = vector.load %arg1[%get3A_36, %get3A_37] : memref<79x128xi32, #tpu.memory_space<vmem>>, vector<1x128xi32>
      %reduce_min3A_39 = vector.shape_cast %get3A_38 : vector<1x128xi32> to vector<1x1x128xi32>
      %reduce_min3A_40 = arith.constant dense<2147483647> : vector<1xi32>
      %reduce_min3A_41 = vector.multi_reduction <minsi>, %reduce_min3A_39, %reduce_min3A_40 [1, 2] : vector<1x1x128xi32> to vector<1xi32>
      %reduce_min3A_42 = vector.shape_cast %reduce_min3A_41 : vector<1xi32> to vector<1x1x1xi32>
      %reduce_min3A_43 = vector.extract %reduce_min3A_42[0, 0, 0] : i32 from vector<1x1x1xi32>
      %reduce_max3A_44 = vector.shape_cast %get3A_38 : vector<1x128xi32> to vector<1x1x128xi32>
      %reduce_max3A_45 = arith.constant dense<-2147483648> : vector<1xi32>
      %reduce_max3A_46 = vector.multi_reduction <maxsi>, %reduce_max3A_44, %reduce_max3A_45 [1, 2] : vector<1x1x128xi32> to vector<1xi32>
      %reduce_max3A_47 = vector.shape_cast %reduce_max3A_46 : vector<1xi32> to vector<1x1x1xi32>
      %reduce_max3A_48 = vector.extract %reduce_max3A_47[0, 0, 0] : i32 from vector<1x1x1xi32>
      %le3A = arith.cmpi sle, %reduce_min3A_43, %reduce_max3A_12 : i32
      %ge3A = arith.cmpi sge, %reduce_max3A_48, %reduce_min3A_8 : i32
      %and3A_49 = arith.andi %le3A, %ge3A : i1
      %convert_element_type3A_50 = arith.extui %and3A_49 : i1 to i32
      %cond3A = arith.constant 0 : i32
      %cond3A_51 = arith.cmpi ne, %convert_element_type3A_50, %cond3A : i32
      %cond3A_52 = scf.if %cond3A_51 -> (vector<1x128xf32>) {
        %mul3A_53 = arith.constant 128 : i32
        %mul3A_54 = arith.muli %scan3A_34, %mul3A_53 : i32
        %get3A_55 = arith.index_cast %mul3A_54 : i32 to index
        %get3A_56 = arith.constant 0 : index
        %get3A_57 = vector.load %arg4[%get3A_55, %get3A_56] : memref<10112x1xf32, #tpu.memory_space<vmem>>, vector<128x1xf32>
        %mul3A_58 = arith.constant 128 : i32
        %mul3A_59 = arith.muli %scan3A_34, %mul3A_58 : i32
        %get3A_60 = arith.index_cast %mul3A_59 : i32 to index
        %get3A_61 = arith.constant 0 : index
        %get3A_62 = vector.load %arg3[%get3A_60, %get3A_61] : memref<10112x1xi32, #tpu.memory_space<vmem>>, vector<128x1xi32>
        %iota3A_63 = tpu.iota {dimensions = array<i32: 0>} : vector<128x128xi32>
        %mul3A_64 = arith.constant 128 : i32
        %mul3A_65 = arith.muli %scan3A_34, %mul3A_64 : i32
        %add3A_66 = vector.broadcast %mul3A_65 : i32 to vector<128x128xi32>
        %add3A_67 = arith.addi %iota3A_63, %add3A_66 : vector<128x128xi32>
        %eq3A = vector.broadcast %get3A_62 : vector<128x1xi32> to vector<128x128xi32>
        %eq3A_68 = vector.broadcast %get3A_1 : vector<1x128xi32> to vector<128x128xi32>
        %eq3A_69 = arith.cmpi eq, %eq3A, %eq3A_68 : vector<128x128xi32>
        %gt3A = vector.broadcast %get3A_57 : vector<128x1xf32> to vector<128x128xf32>
        %gt3A_70 = vector.broadcast %get3A_4 : vector<1x128xf32> to vector<128x128xf32>
        %gt3A_71 = arith.cmpf ogt, %gt3A, %gt3A_70 : vector<128x128xf32>
        %eq3A_72 = vector.broadcast %get3A_57 : vector<128x1xf32> to vector<128x128xf32>
        %eq3A_73 = vector.broadcast %get3A_4 : vector<1x128xf32> to vector<128x128xf32>
        %eq3A_74 = arith.cmpf oeq, %eq3A_72, %eq3A_73 : vector<128x128xf32>
        %lt3A_75 = arith.cmpi slt, %add3A_67, %add3A_14 : vector<128x128xi32>
        %and3A_76 = arith.andi %eq3A_74, %lt3A_75 : vector<128x128xi1>
        %or3A = arith.ori %gt3A_71, %and3A_76 : vector<128x128xi1>
        %and3A_77 = arith.andi %eq3A_69, %or3A : vector<128x128xi1>
        %convert_element_type3A_78 = arith.extui %and3A_77 : vector<128x128xi1> to vector<128x128xi32>
        %convert_element_type3A_79 = arith.sitofp %convert_element_type3A_78 : vector<128x128xi32> to vector<128x128xf32>
        %reduce_sum3A = arith.constant dense<0.000000e+00> : vector<128xf32>
        %reduce_sum3A_80 = vector.multi_reduction <add>, %convert_element_type3A_79, %reduce_sum3A [0] : vector<128x128xf32> to vector<128xf32>
        %broadcast_in_dim3A_81 = vector.shape_cast %reduce_sum3A_80 : vector<128xf32> to vector<1x128xf32>
        %add3A_82 = arith.addf %scan3A_35, %broadcast_in_dim3A_81 : vector<1x128xf32>
        scf.yield %add3A_82 : vector<1x128xf32>
      } else {
        scf.yield %scan3A_35 : vector<1x128xf32>
      }
      scf.yield %cond3A_52 : vector<1x128xf32>
    }
    %scan3A_20 = arith.constant 79 : i32
    %convert_element_type3A = arith.fptosi %scan3A_19 : vector<1x128xf32> to vector<1x128xi32>
    %lt3A = arith.constant 64 : i32
    %lt3A_21 = vector.broadcast %lt3A : i32 to vector<1x128xi32>
    %lt3A_22 = arith.cmpi slt, %get3A_1, %lt3A_21 : vector<1x128xi32>
    %lt3A_23 = arith.constant 79 : i32
    %lt3A_24 = vector.broadcast %lt3A_23 : i32 to vector<1x128xi32>
    %lt3A_25 = arith.cmpi slt, %convert_element_type3A, %lt3A_24 : vector<1x128xi32>
    %and3A = arith.andi %lt3A_22, %lt3A_25 : vector<1x128xi1>
    %mul3A_26 = arith.constant 80 : i32
    %mul3A_27 = vector.broadcast %mul3A_26 : i32 to vector<1x128xi32>
    %mul3A_28 = arith.muli %get3A_1, %mul3A_27 : vector<1x128xi32>
    %add3A_29 = arith.addi %mul3A_28, %convert_element_type3A : vector<1x128xi32>
    %jit3A = arith.constant 5120 : i32
    %broadcast_in_dim3A_30 = vector.broadcast %jit3A : i32 to vector<1x128xi32>
    %select_n3A = arith.select %and3A, %add3A_29, %broadcast_in_dim3A_30 : vector<1x128xi1>, vector<1x128xi32>
    %reshape3A = vector.shape_cast %select_n3A : vector<1x128xi32> to vector<1x1x128xi32>
    %swap3A = arith.constant 0 : index
    %swap3A_31 = arith.constant 0 : index
    %swap3A_32 = arith.constant 0 : index
    %swap3A_33 = vector.load %arg5[%swap3A, %swap3A_31, %swap3A_32] : memref<1x1x128xi32, #tpu.memory_space<vmem>>, vector<1x1x128xi32>
    tpu.vector_store %arg5[%swap3A, %swap3A_31, %swap3A_32], %reshape3A {strides = array<i32>} : memref<1x1x128xi32, #tpu.memory_space<vmem>>, vector<1x1x128xi32>,
    return
  }
  func.func @transform_0(%arg0: i32) -> (i32, i32) {
    %c0_i32 = arith.constant 0 : i32
    %c0_i32_0 = arith.constant 0 : i32
    %c0_i32_1 = arith.constant 0 : i32
    return %c0_i32, %c0_i32_0 : i32, i32
  }
  func.func @transform_1(%arg0: i32) -> (i32, i32) {
    %c0_i32 = arith.constant 0 : i32
    %c0_i32_0 = arith.constant 0 : i32
    %c0_i32_1 = arith.constant 0 : i32
    return %c0_i32, %c0_i32_0 : i32, i32
  }
  func.func @transform_2(%arg0: i32) -> (i32, i32) {
    %c0_i32 = arith.constant 0 : i32
    %c0_i32_0 = arith.constant 0 : i32
    %c0_i32_1 = arith.constant 0 : i32
    return %c0_i32, %c0_i32_0 : i32, i32
  }
  func.func @transform_3(%arg0: i32) -> (i32, i32) {
    %c0_i32 = arith.constant 0 : i32
    %c0_i32_0 = arith.constant 0 : i32
    %c0_i32_1 = arith.constant 0 : i32
    return %c0_i32, %c0_i32_0 : i32, i32
  }
  func.func @transform_4(%arg0: i32) -> (i32, i32, i32) {
    %c0_i32 = arith.constant 0 : i32
    %c0_i32_0 = arith.constant 0 : i32
    %c0_i32_1 = arith.constant 0 : i32
    return %arg0, %c0_i32, %c0_i32_0 : i32, i32, i32
  }
}

module attributes {stable_mosaic.version = 14 : i64} {
  func.func @_nid_body(%arg0: i32, %arg1: memref<10112x1xi32, #tpu.memory_space<vmem>>, %arg2: memref<79x128xi32, #tpu.memory_space<vmem>>, %arg3: memref<1x1x512xi32, #tpu.memory_space<vmem>>) attributes {dimension_semantics = [#tpu.dimension_semantics<arbitrary>], iteration_bounds = array<i64: 10>, scalar_prefetch = 0 : i64, scratch_operands = 0 : i64, tpu.core_type = #tpu.core_type<tc>, window_params = [{pipeline_mode = #tpu.pipeline_mode<synchronous>, transform_indices = @transform_0, window_bounds = array<i64: 10112, 1>}, {pipeline_mode = #tpu.pipeline_mode<synchronous>, transform_indices = @transform_1, window_bounds = array<i64: 79, 128>}, {transform_indices = @transform_2, window_bounds = array<i64: 1, 1, 512>}]} {
    %iota3A = tpu.iota {dimensions = array<i32: 1>} : vector<1x512xi32>
    %mul3A = arith.constant 512 : i32
    %mul3A_0 = arith.muli %arg0, %mul3A : i32
    %add3A = vector.broadcast %mul3A_0 : i32 to vector<1x512xi32>
    %add3A_1 = arith.addi %iota3A, %add3A : vector<1x512xi32>
    %broadcast_in_dim3A = arith.constant -1 : i32
    %broadcast_in_dim3A_2 = vector.broadcast %broadcast_in_dim3A : i32 to vector<1x512xi32>
    %scan3A = arith.constant 0 : i32
    %scan3A_3 = arith.constant 79 : i32
    %scan3A_4 = arith.addi %scan3A, %scan3A_3 : i32
    %scan3A_5 = arith.constant 1 : i32
    %scan3A_6 = scf.for %scan3A_14 = %scan3A to %scan3A_4 step %scan3A_5 iter_args(%scan3A_15 = %broadcast_in_dim3A_2) -> (vector<1x512xi32>)  : i32 {
      %get3A = arith.index_cast %scan3A_14 : i32 to index
      %get3A_16 = arith.constant 0 : index
      %get3A_17 = vector.load %arg2[%get3A, %get3A_16] : memref<79x128xi32, #tpu.memory_space<vmem>>, vector<1x128xi32>
      %reduce_min3A = vector.shape_cast %get3A_17 : vector<1x128xi32> to vector<1x1x128xi32>
      %reduce_min3A_18 = arith.constant dense<2147483647> : vector<1xi32>
      %reduce_min3A_19 = vector.multi_reduction <minsi>, %reduce_min3A, %reduce_min3A_18 [1, 2] : vector<1x1x128xi32> to vector<1xi32>
      %reduce_min3A_20 = vector.shape_cast %reduce_min3A_19 : vector<1xi32> to vector<1x1x1xi32>
      %reduce_min3A_21 = vector.extract %reduce_min3A_20[0, 0, 0] : i32 from vector<1x1x1xi32>
      %mul3A_22 = arith.constant 80 : i32
      %mul3A_23 = arith.muli %reduce_min3A_21, %mul3A_22 : i32
      %reduce_max3A = vector.shape_cast %get3A_17 : vector<1x128xi32> to vector<1x1x128xi32>
      %reduce_max3A_24 = arith.constant dense<-2147483648> : vector<1xi32>
      %reduce_max3A_25 = vector.multi_reduction <maxsi>, %reduce_max3A, %reduce_max3A_24 [1, 2] : vector<1x1x128xi32> to vector<1xi32>
      %reduce_max3A_26 = vector.shape_cast %reduce_max3A_25 : vector<1xi32> to vector<1x1x1xi32>
      %reduce_max3A_27 = vector.extract %reduce_max3A_26[0, 0, 0] : i32 from vector<1x1x1xi32>
      %mul3A_28 = arith.constant 80 : i32
      %mul3A_29 = arith.muli %reduce_max3A_27, %mul3A_28 : i32
      %add3A_30 = arith.constant 79 : i32
      %add3A_31 = arith.addi %mul3A_29, %add3A_30 : i32
      %mul3A_32 = arith.constant 512 : i32
      %mul3A_33 = arith.muli %arg0, %mul3A_32 : i32
      %add3A_34 = arith.constant 511 : i32
      %add3A_35 = arith.addi %mul3A_33, %add3A_34 : i32
      %le3A = arith.cmpi sle, %mul3A_23, %add3A_35 : i32
      %mul3A_36 = arith.constant 512 : i32
      %mul3A_37 = arith.muli %arg0, %mul3A_36 : i32
      %ge3A = arith.cmpi sge, %add3A_31, %mul3A_37 : i32
      %and3A = arith.andi %le3A, %ge3A : i1
      %convert_element_type3A = arith.extui %and3A : i1 to i32
      %cond3A = arith.constant 0 : i32
      %cond3A_38 = arith.cmpi ne, %convert_element_type3A, %cond3A : i32
      %cond3A_39 = scf.if %cond3A_38 -> (vector<1x512xi32>) {
        %mul3A_40 = arith.constant 128 : i32
        %mul3A_41 = arith.muli %scan3A_14, %mul3A_40 : i32
        %get3A_42 = arith.index_cast %mul3A_41 : i32 to index
        %get3A_43 = arith.constant 0 : index
        %get3A_44 = vector.load %arg1[%get3A_42, %get3A_43] : memref<10112x1xi32, #tpu.memory_space<vmem>>, vector<128x1xi32>
        %iota3A_45 = tpu.iota {dimensions = array<i32: 0>} : vector<128x1xi32>
        %mul3A_46 = arith.constant 128 : i32
        %mul3A_47 = arith.muli %scan3A_14, %mul3A_46 : i32
        %add3A_48 = vector.broadcast %mul3A_47 : i32 to vector<128x1xi32>
        %add3A_49 = arith.addi %iota3A_45, %add3A_48 : vector<128x1xi32>
        %eq3A = vector.broadcast %get3A_44 : vector<128x1xi32> to vector<128x512xi32>
        %eq3A_50 = vector.broadcast %add3A_1 : vector<1x512xi32> to vector<128x512xi32>
        %eq3A_51 = arith.cmpi eq, %eq3A, %eq3A_50 : vector<128x512xi32>
        %jit3A_52 = arith.constant -1 : i32
        %broadcast_in_dim3A_53 = vector.shape_cast %add3A_49 : vector<128x1xi32> to vector<128x1xi32>
        %broadcast_in_dim3A_54 = vector.broadcast %broadcast_in_dim3A_53 : vector<128x1xi32> to vector<128x512xi32>
        %broadcast_in_dim3A_55 = vector.broadcast %jit3A_52 : i32 to vector<128x512xi32>
        %select_n3A_56 = arith.select %eq3A_51, %broadcast_in_dim3A_54, %broadcast_in_dim3A_55 : vector<128x512xi1>, vector<128x512xi32>
        %reduce_max3A_57 = arith.constant dense<-2147483648> : vector<512xi32>
        %reduce_max3A_58 = vector.multi_reduction <maxsi>, %select_n3A_56, %reduce_max3A_57 [0] : vector<128x512xi32> to vector<512xi32>
        %broadcast_in_dim3A_59 = vector.shape_cast %reduce_max3A_58 : vector<512xi32> to vector<1x512xi32>
        %max3A = arith.maxsi %scan3A_15, %broadcast_in_dim3A_59 : vector<1x512xi32>
        scf.yield %max3A : vector<1x512xi32>
      } else {
        scf.yield %scan3A_15 : vector<1x512xi32>
      }
      scf.yield %cond3A_39 : vector<1x512xi32>
    }
    %scan3A_7 = arith.constant 79 : i32
    %lt3A = arith.constant 0 : i32
    %lt3A_8 = vector.broadcast %lt3A : i32 to vector<1x512xi32>
    %lt3A_9 = arith.cmpi slt, %scan3A_6, %lt3A_8 : vector<1x512xi32>
    %jit3A = arith.constant 10008 : i32
    %broadcast_in_dim3A_10 = vector.broadcast %jit3A : i32 to vector<1x512xi32>
    %select_n3A = arith.select %lt3A_9, %broadcast_in_dim3A_10, %scan3A_6 : vector<1x512xi1>, vector<1x512xi32>
    %reshape3A = vector.shape_cast %select_n3A : vector<1x512xi32> to vector<1x1x512xi32>
    %swap3A = arith.constant 0 : index
    %swap3A_11 = arith.constant 0 : index
    %swap3A_12 = arith.constant 0 : index
    %swap3A_13 = vector.load %arg3[%swap3A, %swap3A_11, %swap3A_12] : memref<1x1x512xi32, #tpu.memory_space<vmem>>, vector<1x1x512xi32>
    tpu.vector_store %arg3[%swap3A, %swap3A_11, %swap3A_12], %reshape3A {strides = array<i32>} : memref<1x1x512xi32, #tpu.memory_space<vmem>>, vector<1x1x512xi32>,
    return
  }
  func.func @transform_0(%arg0: i32) -> (i32, i32) {
    %c0_i32 = arith.constant 0 : i32
    %c0_i32_0 = arith.constant 0 : i32
    %c0_i32_1 = arith.constant 0 : i32
    return %c0_i32, %c0_i32_0 : i32, i32
  }
  func.func @transform_1(%arg0: i32) -> (i32, i32) {
    %c0_i32 = arith.constant 0 : i32
    %c0_i32_0 = arith.constant 0 : i32
    %c0_i32_1 = arith.constant 0 : i32
    return %c0_i32, %c0_i32_0 : i32, i32
  }
  func.func @transform_2(%arg0: i32) -> (i32, i32, i32) {
    %c0_i32 = arith.constant 0 : i32
    %c0_i32_0 = arith.constant 0 : i32
    %c0_i32_1 = arith.constant 0 : i32
    return %arg0, %c0_i32, %c0_i32_0 : i32, i32, i32
  }
}

module attributes {stable_mosaic.version = 14 : i64} {
  func.func @_tail_body(%arg0: memref<5120x144xf32, #tpu.memory_space<vmem>>, %arg1: memref<129x16xf32, #tpu.memory_space<vmem>>, %arg2: memref<1x16xf32, #tpu.memory_space<vmem>>, %arg3: memref<80x32xf32, #tpu.memory_space<vmem>>, %arg4: memref<1x32xf32, #tpu.memory_space<vmem>>, %arg5: memref<1120x128xf32, #tpu.memory_space<vmem>>, %arg6: memref<1x128xf32, #tpu.memory_space<vmem>>, %arg7: memref<128x10xf32, #tpu.memory_space<vmem>>, %arg8: memref<1x10xf32, #tpu.memory_space<vmem>>, %arg9: memref<64x10xf32, #tpu.memory_space<vmem>>) attributes {dimension_semantics = [], scalar_prefetch = 0 : i64, scratch_operands = 0 : i64, tpu.core_type = #tpu.core_type<tc>} {
    %get3A = arith.constant 0 : index
    %get3A_0 = arith.constant 0 : index
    %get3A_1 = vector.load %arg0[%get3A, %get3A_0] : memref<5120x144xf32, #tpu.memory_space<vmem>>, vector<5120x144xf32>
    %reshape3A = vector.shape_cast %get3A_1 : vector<5120x144xf32> to vector<64x80x144xf32>
    %slice3A = vector.extract_strided_slice %reshape3A {offsets = [0, 0, 0], sizes = [64, 79, 129], strides = [1, 1, 1]} : vector<64x80x144xf32> to vector<64x79x129xf32>
    %reshape3A_2 = vector.shape_cast %slice3A : vector<64x79x129xf32> to vector<5056x129xf32>
    %get3A_3 = arith.constant 0 : index
    %get3A_4 = arith.constant 0 : index
    %get3A_5 = vector.load %arg1[%get3A_3, %get3A_4] : memref<129x16xf32, #tpu.memory_space<vmem>>, vector<129x16xf32>
    %dot_general3A = arith.constant dense<0.000000e+00> : vector<5056x16xf32>
    %dot_general3A_6 = tpu.matmul %reshape3A_2, %get3A_5, %dot_general3A {dimension_numbers = #tpu.dot_dimension_numbers<[1], [0], [0], [1], [0, 0, 1, 1], [], []>, transpose_lhs_hint = false} : vector<5056x129xf32>, vector<129x16xf32>, vector<5056x16xf32> -> vector<5056x16xf32>
    %get3A_7 = arith.constant 0 : index
    %get3A_8 = arith.constant 0 : index
    %get3A_9 = vector.load %arg2[%get3A_7, %get3A_8] : memref<1x16xf32, #tpu.memory_space<vmem>>, vector<1x16xf32>
    %add3A = vector.broadcast %get3A_9 : vector<1x16xf32> to vector<5056x16xf32>
    %add3A_10 = arith.addf %dot_general3A_6, %add3A : vector<5056x16xf32>
    %max3A = arith.constant 0.000000e+00 : f32
    %max3A_11 = vector.broadcast %max3A : f32 to vector<5056x16xf32>
    %max3A_12 = arith.maximumf %add3A_10, %max3A_11 : vector<5056x16xf32>
    %reshape3A_13 = vector.shape_cast %max3A_12 : vector<5056x16xf32> to vector<64x79x16xf32>
    %slice3A_14 = vector.extract_strided_slice %reshape3A_13 {offsets = [0, 0, 0], sizes = [64, 78, 16], strides = [1, 1, 1]} : vector<64x79x16xf32> to vector<64x78x16xf32>
    %reshape3A_15 = vector.shape_cast %slice3A_14 : vector<64x78x16xf32> to vector<64x39x2x16xf32>
    %reduce_max3A = arith.constant dense<0xFF800000> : vector<64x39x16xf32>
    %reduce_max3A_16 = vector.multi_reduction <maximumf>, %reshape3A_15, %reduce_max3A [2] : vector<64x39x2x16xf32> to vector<64x39x16xf32>
    %slice3A_17 = vector.extract_strided_slice %reduce_max3A_16 {offsets = [0, 0, 0], sizes = [64, 35, 16], strides = [1, 1, 1]} : vector<64x39x16xf32> to vector<64x35x16xf32>
    %slice3A_18 = vector.extract_strided_slice %reduce_max3A_16 {offsets = [0, 1, 0], sizes = [64, 35, 16], strides = [1, 1, 1]} : vector<64x39x16xf32> to vector<64x35x16xf32>
    %slice3A_19 = vector.extract_strided_slice %reduce_max3A_16 {offsets = [0, 2, 0], sizes = [64, 35, 16], strides = [1, 1, 1]} : vector<64x39x16xf32> to vector<64x35x16xf32>
    %slice3A_20 = vector.extract_strided_slice %reduce_max3A_16 {offsets = [0, 3, 0], sizes = [64, 35, 16], strides = [1, 1, 1]} : vector<64x39x16xf32> to vector<64x35x16xf32>
    %slice3A_21 = vector.extract_strided_slice %reduce_max3A_16 {offsets = [0, 4, 0], sizes = [64, 35, 16], strides = [1, 1, 1]} : vector<64x39x16xf32> to vector<64x35x16xf32>
    %concatenate3A = tpu.concatenate %slice3A_17, %slice3A_18, %slice3A_19, %slice3A_20, %slice3A_21 in 2 : vector<64x35x16xf32>, vector<64x35x16xf32>, vector<64x35x16xf32>, vector<64x35x16xf32>, vector<64x35x16xf32> -> vector<64x35x80xf32>
    %reshape3A_22 = vector.shape_cast %concatenate3A : vector<64x35x80xf32> to vector<2240x80xf32>
    %get3A_23 = arith.constant 0 : index
    %get3A_24 = arith.constant 0 : index
    %get3A_25 = vector.load %arg3[%get3A_23, %get3A_24] : memref<80x32xf32, #tpu.memory_space<vmem>>, vector<80x32xf32>
    %dot_general3A_26 = arith.constant dense<0.000000e+00> : vector<2240x32xf32>
    %dot_general3A_27 = tpu.matmul %reshape3A_22, %get3A_25, %dot_general3A_26 {dimension_numbers = #tpu.dot_dimension_numbers<[1], [0], [0], [1], [0, 0, 1, 1], [], []>, transpose_lhs_hint = false} : vector<2240x80xf32>, vector<80x32xf32>, vector<2240x32xf32> -> vector<2240x32xf32>
    %get3A_28 = arith.constant 0 : index
    %get3A_29 = arith.constant 0 : index
    %get3A_30 = vector.load %arg4[%get3A_28, %get3A_29] : memref<1x32xf32, #tpu.memory_space<vmem>>, vector<1x32xf32>
    %add3A_31 = vector.broadcast %get3A_30 : vector<1x32xf32> to vector<2240x32xf32>
    %add3A_32 = arith.addf %dot_general3A_27, %add3A_31 : vector<2240x32xf32>
    %max3A_33 = arith.constant 0.000000e+00 : f32
    %max3A_34 = vector.broadcast %max3A_33 : f32 to vector<2240x32xf32>
    %max3A_35 = arith.maximumf %add3A_32, %max3A_34 : vector<2240x32xf32>
    %reshape3A_36 = vector.shape_cast %max3A_35 : vector<2240x32xf32> to vector<64x35x32xf32>
    %get3A_37 = arith.constant 0 : index
    %get3A_38 = arith.constant 0 : index
    %get3A_39 = vector.load %arg6[%get3A_37, %get3A_38] : memref<1x128xf32, #tpu.memory_space<vmem>>, vector<1x128xf32>
    %slice3A_40 = vector.extract_strided_slice %reshape3A_36 {offsets = [0, 0, 0], sizes = [64, 1, 32], strides = [1, 1, 1]} : vector<64x35x32xf32> to vector<64x1x32xf32>
    %squeeze3A = vector.shape_cast %slice3A_40 : vector<64x1x32xf32> to vector<64x32xf32>
    %get3A_41 = arith.constant 0 : index
    %get3A_42 = arith.constant 0 : index
    %get3A_43 = vector.load %arg5[%get3A_41, %get3A_42] : memref<1120x128xf32, #tpu.memory_space<vmem>>, vector<32x128xf32>
    %dot_general3A_44 = arith.constant dense<0.000000e+00> : vector<64x128xf32>
    %dot_general3A_45 = tpu.matmul %squeeze3A, %get3A_43, %dot_general3A_44 {dimension_numbers = #tpu.dot_dimension_numbers<[1], [0], [0], [1], [0, 0, 1, 1], [], []>, transpose_lhs_hint = false} : vector<64x32xf32>, vector<32x128xf32>, vector<64x128xf32> -> vector<64x128xf32>
    %add3A_46 = vector.broadcast %get3A_39 : vector<1x128xf32> to vector<64x128xf32>
    %add3A_47 = arith.addf %add3A_46, %dot_general3A_45 : vector<64x128xf32>
    %slice3A_48 = vector.extract_strided_slice %reshape3A_36 {offsets = [0, 1, 0], sizes = [64, 1, 32], strides = [1, 1, 1]} : vector<64x35x32xf32> to vector<64x1x32xf32>
    %squeeze3A_49 = vector.shape_cast %slice3A_48 : vector<64x1x32xf32> to vector<64x32xf32>
    %get3A_50 = arith.constant 32 : index
    %get3A_51 = arith.constant 0 : index
    %get3A_52 = vector.load %arg5[%get3A_50, %get3A_51] : memref<1120x128xf32, #tpu.memory_space<vmem>>, vector<32x128xf32>
    %dot_general3A_53 = arith.constant dense<0.000000e+00> : vector<64x128xf32>
    %dot_general3A_54 = tpu.matmul %squeeze3A_49, %get3A_52, %dot_general3A_53 {dimension_numbers = #tpu.dot_dimension_numbers<[1], [0], [0], [1], [0, 0, 1, 1], [], []>, transpose_lhs_hint = false} : vector<64x32xf32>, vector<32x128xf32>, vector<64x128xf32> -> vector<64x128xf32>
    %add3A_55 = arith.addf %add3A_47, %dot_general3A_54 : vector<64x128xf32>
    %slice3A_56 = vector.extract_strided_slice %reshape3A_36 {offsets = [0, 2, 0], sizes = [64, 1, 32], strides = [1, 1, 1]} : vector<64x35x32xf32> to vector<64x1x32xf32>
    %squeeze3A_57 = vector.shape_cast %slice3A_56 : vector<64x1x32xf32> to vector<64x32xf32>
    %get3A_58 = arith.constant 64 : index
    %get3A_59 = arith.constant 0 : index
    %get3A_60 = vector.load %arg5[%get3A_58, %get3A_59] : memref<1120x128xf32, #tpu.memory_space<vmem>>, vector<32x128xf32>
    %dot_general3A_61 = arith.constant dense<0.000000e+00> : vector<64x128xf32>
    %dot_general3A_62 = tpu.matmul %squeeze3A_57, %get3A_60, %dot_general3A_61 {dimension_numbers = #tpu.dot_dimension_numbers<[1], [0], [0], [1], [0, 0, 1, 1], [], []>, transpose_lhs_hint = false} : vector<64x32xf32>, vector<32x128xf32>, vector<64x128xf32> -> vector<64x128xf32>
    %add3A_63 = arith.addf %add3A_55, %dot_general3A_62 : vector<64x128xf32>
    %slice3A_64 = vector.extract_strided_slice %reshape3A_36 {offsets = [0, 3, 0], sizes = [64, 1, 32], strides = [1, 1, 1]} : vector<64x35x32xf32> to vector<64x1x32xf32>
    %squeeze3A_65 = vector.shape_cast %slice3A_64 : vector<64x1x32xf32> to vector<64x32xf32>
    %get3A_66 = arith.constant 96 : index
    %get3A_67 = arith.constant 0 : index
    %get3A_68 = vector.load %arg5[%get3A_66, %get3A_67] : memref<1120x128xf32, #tpu.memory_space<vmem>>, vector<32x128xf32>
    %dot_general3A_69 = arith.constant dense<0.000000e+00> : vector<64x128xf32>
    %dot_general3A_70 = tpu.matmul %squeeze3A_65, %get3A_68, %dot_general3A_69 {dimension_numbers = #tpu.dot_dimension_numbers<[1], [0], [0], [1], [0, 0, 1, 1], [], []>, transpose_lhs_hint = false} : vector<64x32xf32>, vector<32x128xf32>, vector<64x128xf32> -> vector<64x128xf32>
    %add3A_71 = arith.addf %add3A_63, %dot_general3A_70 : vector<64x128xf32>
    %slice3A_72 = vector.extract_strided_slice %reshape3A_36 {offsets = [0, 4, 0], sizes = [64, 1, 32], strides = [1, 1, 1]} : vector<64x35x32xf32> to vector<64x1x32xf32>
    %squeeze3A_73 = vector.shape_cast %slice3A_72 : vector<64x1x32xf32> to vector<64x32xf32>
    %get3A_74 = arith.constant 128 : index
    %get3A_75 = arith.constant 0 : index
    %get3A_76 = vector.load %arg5[%get3A_74, %get3A_75] : memref<1120x128xf32, #tpu.memory_space<vmem>>, vector<32x128xf32>
    %dot_general3A_77 = arith.constant dense<0.000000e+00> : vector<64x128xf32>
    %dot_general3A_78 = tpu.matmul %squeeze3A_73, %get3A_76, %dot_general3A_77 {dimension_numbers = #tpu.dot_dimension_numbers<[1], [0], [0], [1], [0, 0, 1, 1], [], []>, transpose_lhs_hint = false} : vector<64x32xf32>, vector<32x128xf32>, vector<64x128xf32> -> vector<64x128xf32>
    %add3A_79 = arith.addf %add3A_71, %dot_general3A_78 : vector<64x128xf32>
    %slice3A_80 = vector.extract_strided_slice %reshape3A_36 {offsets = [0, 5, 0], sizes = [64, 1, 32], strides = [1, 1, 1]} : vector<64x35x32xf32> to vector<64x1x32xf32>
    %squeeze3A_81 = vector.shape_cast %slice3A_80 : vector<64x1x32xf32> to vector<64x32xf32>
    %get3A_82 = arith.constant 160 : index
    %get3A_83 = arith.constant 0 : index
    %get3A_84 = vector.load %arg5[%get3A_82, %get3A_83] : memref<1120x128xf32, #tpu.memory_space<vmem>>, vector<32x128xf32>
    %dot_general3A_85 = arith.constant dense<0.000000e+00> : vector<64x128xf32>
    %dot_general3A_86 = tpu.matmul %squeeze3A_81, %get3A_84, %dot_general3A_85 {dimension_numbers = #tpu.dot_dimension_numbers<[1], [0], [0], [1], [0, 0, 1, 1], [], []>, transpose_lhs_hint = false} : vector<64x32xf32>, vector<32x128xf32>, vector<64x128xf32> -> vector<64x128xf32>
    %add3A_87 = arith.addf %add3A_79, %dot_general3A_86 : vector<64x128xf32>
    %slice3A_88 = vector.extract_strided_slice %reshape3A_36 {offsets = [0, 6, 0], sizes = [64, 1, 32], strides = [1, 1, 1]} : vector<64x35x32xf32> to vector<64x1x32xf32>
    %squeeze3A_89 = vector.shape_cast %slice3A_88 : vector<64x1x32xf32> to vector<64x32xf32>
    %get3A_90 = arith.constant 192 : index
    %get3A_91 = arith.constant 0 : index
    %get3A_92 = vector.load %arg5[%get3A_90, %get3A_91] : memref<1120x128xf32, #tpu.memory_space<vmem>>, vector<32x128xf32>
    %dot_general3A_93 = arith.constant dense<0.000000e+00> : vector<64x128xf32>
    %dot_general3A_94 = tpu.matmul %squeeze3A_89, %get3A_92, %dot_general3A_93 {dimension_numbers = #tpu.dot_dimension_numbers<[1], [0], [0], [1], [0, 0, 1, 1], [], []>, transpose_lhs_hint = false} : vector<64x32xf32>, vector<32x128xf32>, vector<64x128xf32> -> vector<64x128xf32>
    %add3A_95 = arith.addf %add3A_87, %dot_general3A_94 : vector<64x128xf32>
    %slice3A_96 = vector.extract_strided_slice %reshape3A_36 {offsets = [0, 7, 0], sizes = [64, 1, 32], strides = [1, 1, 1]} : vector<64x35x32xf32> to vector<64x1x32xf32>
    %squeeze3A_97 = vector.shape_cast %slice3A_96 : vector<64x1x32xf32> to vector<64x32xf32>
    %get3A_98 = arith.constant 224 : index
    %get3A_99 = arith.constant 0 : index
    %get3A_100 = vector.load %arg5[%get3A_98, %get3A_99] : memref<1120x128xf32, #tpu.memory_space<vmem>>, vector<32x128xf32>
    %dot_general3A_101 = arith.constant dense<0.000000e+00> : vector<64x128xf32>
    %dot_general3A_102 = tpu.matmul %squeeze3A_97, %get3A_100, %dot_general3A_101 {dimension_numbers = #tpu.dot_dimension_numbers<[1], [0], [0], [1], [0, 0, 1, 1], [], []>, transpose_lhs_hint = false} : vector<64x32xf32>, vector<32x128xf32>, vector<64x128xf32> -> vector<64x128xf32>
    %add3A_103 = arith.addf %add3A_95, %dot_general3A_102 : vector<64x128xf32>
    %slice3A_104 = vector.extract_strided_slice %reshape3A_36 {offsets = [0, 8, 0], sizes = [64, 1, 32], strides = [1, 1, 1]} : vector<64x35x32xf32> to vector<64x1x32xf32>
    %squeeze3A_105 = vector.shape_cast %slice3A_104 : vector<64x1x32xf32> to vector<64x32xf32>
    %get3A_106 = arith.constant 256 : index
    %get3A_107 = arith.constant 0 : index
    %get3A_108 = vector.load %arg5[%get3A_106, %get3A_107] : memref<1120x128xf32, #tpu.memory_space<vmem>>, vector<32x128xf32>
    %dot_general3A_109 = arith.constant dense<0.000000e+00> : vector<64x128xf32>
    %dot_general3A_110 = tpu.matmul %squeeze3A_105, %get3A_108, %dot_general3A_109 {dimension_numbers = #tpu.dot_dimension_numbers<[1], [0], [0], [1], [0, 0, 1, 1], [], []>, transpose_lhs_hint = false} : vector<64x32xf32>, vector<32x128xf32>, vector<64x128xf32> -> vector<64x128xf32>
    %add3A_111 = arith.addf %add3A_103, %dot_general3A_110 : vector<64x128xf32>
    %slice3A_112 = vector.extract_strided_slice %reshape3A_36 {offsets = [0, 9, 0], sizes = [64, 1, 32], strides = [1, 1, 1]} : vector<64x35x32xf32> to vector<64x1x32xf32>
    %squeeze3A_113 = vector.shape_cast %slice3A_112 : vector<64x1x32xf32> to vector<64x32xf32>
    %get3A_114 = arith.constant 288 : index
    %get3A_115 = arith.constant 0 : index
    %get3A_116 = vector.load %arg5[%get3A_114, %get3A_115] : memref<1120x128xf32, #tpu.memory_space<vmem>>, vector<32x128xf32>
    %dot_general3A_117 = arith.constant dense<0.000000e+00> : vector<64x128xf32>
    %dot_general3A_118 = tpu.matmul %squeeze3A_113, %get3A_116, %dot_general3A_117 {dimension_numbers = #tpu.dot_dimension_numbers<[1], [0], [0], [1], [0, 0, 1, 1], [], []>, transpose_lhs_hint = false} : vector<64x32xf32>, vector<32x128xf32>, vector<64x128xf32> -> vector<64x128xf32>
    %add3A_119 = arith.addf %add3A_111, %dot_general3A_118 : vector<64x128xf32>
    %slice3A_120 = vector.extract_strided_slice %reshape3A_36 {offsets = [0, 10, 0], sizes = [64, 1, 32], strides = [1, 1, 1]} : vector<64x35x32xf32> to vector<64x1x32xf32>
    %squeeze3A_121 = vector.shape_cast %slice3A_120 : vector<64x1x32xf32> to vector<64x32xf32>
    %get3A_122 = arith.constant 320 : index
    %get3A_123 = arith.constant 0 : index
    %get3A_124 = vector.load %arg5[%get3A_122, %get3A_123] : memref<1120x128xf32, #tpu.memory_space<vmem>>, vector<32x128xf32>
    %dot_general3A_125 = arith.constant dense<0.000000e+00> : vector<64x128xf32>
    %dot_general3A_126 = tpu.matmul %squeeze3A_121, %get3A_124, %dot_general3A_125 {dimension_numbers = #tpu.dot_dimension_numbers<[1], [0], [0], [1], [0, 0, 1, 1], [], []>, transpose_lhs_hint = false} : vector<64x32xf32>, vector<32x128xf32>, vector<64x128xf32> -> vector<64x128xf32>
    %add3A_127 = arith.addf %add3A_119, %dot_general3A_126 : vector<64x128xf32>
    %slice3A_128 = vector.extract_strided_slice %reshape3A_36 {offsets = [0, 11, 0], sizes = [64, 1, 32], strides = [1, 1, 1]} : vector<64x35x32xf32> to vector<64x1x32xf32>
    %squeeze3A_129 = vector.shape_cast %slice3A_128 : vector<64x1x32xf32> to vector<64x32xf32>
    %get3A_130 = arith.constant 352 : index
    %get3A_131 = arith.constant 0 : index
    %get3A_132 = vector.load %arg5[%get3A_130, %get3A_131] : memref<1120x128xf32, #tpu.memory_space<vmem>>, vector<32x128xf32>
    %dot_general3A_133 = arith.constant dense<0.000000e+00> : vector<64x128xf32>
    %dot_general3A_134 = tpu.matmul %squeeze3A_129, %get3A_132, %dot_general3A_133 {dimension_numbers = #tpu.dot_dimension_numbers<[1], [0], [0], [1], [0, 0, 1, 1], [], []>, transpose_lhs_hint = false} : vector<64x32xf32>, vector<32x128xf32>, vector<64x128xf32> -> vector<64x128xf32>
    %add3A_135 = arith.addf %add3A_127, %dot_general3A_134 : vector<64x128xf32>
    %slice3A_136 = vector.extract_strided_slice %reshape3A_36 {offsets = [0, 12, 0], sizes = [64, 1, 32], strides = [1, 1, 1]} : vector<64x35x32xf32> to vector<64x1x32xf32>
    %squeeze3A_137 = vector.shape_cast %slice3A_136 : vector<64x1x32xf32> to vector<64x32xf32>
    %get3A_138 = arith.constant 384 : index
    %get3A_139 = arith.constant 0 : index
    %get3A_140 = vector.load %arg5[%get3A_138, %get3A_139] : memref<1120x128xf32, #tpu.memory_space<vmem>>, vector<32x128xf32>
    %dot_general3A_141 = arith.constant dense<0.000000e+00> : vector<64x128xf32>
    %dot_general3A_142 = tpu.matmul %squeeze3A_137, %get3A_140, %dot_general3A_141 {dimension_numbers = #tpu.dot_dimension_numbers<[1], [0], [0], [1], [0, 0, 1, 1], [], []>, transpose_lhs_hint = false} : vector<64x32xf32>, vector<32x128xf32>, vector<64x128xf32> -> vector<64x128xf32>
    %add3A_143 = arith.addf %add3A_135, %dot_general3A_142 : vector<64x128xf32>
    %slice3A_144 = vector.extract_strided_slice %reshape3A_36 {offsets = [0, 13, 0], sizes = [64, 1, 32], strides = [1, 1, 1]} : vector<64x35x32xf32> to vector<64x1x32xf32>
    %squeeze3A_145 = vector.shape_cast %slice3A_144 : vector<64x1x32xf32> to vector<64x32xf32>
    %get3A_146 = arith.constant 416 : index
    %get3A_147 = arith.constant 0 : index
    %get3A_148 = vector.load %arg5[%get3A_146, %get3A_147] : memref<1120x128xf32, #tpu.memory_space<vmem>>, vector<32x128xf32>
    %dot_general3A_149 = arith.constant dense<0.000000e+00> : vector<64x128xf32>
    %dot_general3A_150 = tpu.matmul %squeeze3A_145, %get3A_148, %dot_general3A_149 {dimension_numbers = #tpu.dot_dimension_numbers<[1], [0], [0], [1], [0, 0, 1, 1], [], []>, transpose_lhs_hint = false} : vector<64x32xf32>, vector<32x128xf32>, vector<64x128xf32> -> vector<64x128xf32>
    %add3A_151 = arith.addf %add3A_143, %dot_general3A_150 : vector<64x128xf32>
    %slice3A_152 = vector.extract_strided_slice %reshape3A_36 {offsets = [0, 14, 0], sizes = [64, 1, 32], strides = [1, 1, 1]} : vector<64x35x32xf32> to vector<64x1x32xf32>
    %squeeze3A_153 = vector.shape_cast %slice3A_152 : vector<64x1x32xf32> to vector<64x32xf32>
    %get3A_154 = arith.constant 448 : index
    %get3A_155 = arith.constant 0 : index
    %get3A_156 = vector.load %arg5[%get3A_154, %get3A_155] : memref<1120x128xf32, #tpu.memory_space<vmem>>, vector<32x128xf32>
    %dot_general3A_157 = arith.constant dense<0.000000e+00> : vector<64x128xf32>
    %dot_general3A_158 = tpu.matmul %squeeze3A_153, %get3A_156, %dot_general3A_157 {dimension_numbers = #tpu.dot_dimension_numbers<[1], [0], [0], [1], [0, 0, 1, 1], [], []>, transpose_lhs_hint = false} : vector<64x32xf32>, vector<32x128xf32>, vector<64x128xf32> -> vector<64x128xf32>
    %add3A_159 = arith.addf %add3A_151, %dot_general3A_158 : vector<64x128xf32>
    %slice3A_160 = vector.extract_strided_slice %reshape3A_36 {offsets = [0, 15, 0], sizes = [64, 1, 32], strides = [1, 1, 1]} : vector<64x35x32xf32> to vector<64x1x32xf32>
    %squeeze3A_161 = vector.shape_cast %slice3A_160 : vector<64x1x32xf32> to vector<64x32xf32>
    %get3A_162 = arith.constant 480 : index
    %get3A_163 = arith.constant 0 : index
    %get3A_164 = vector.load %arg5[%get3A_162, %get3A_163] : memref<1120x128xf32, #tpu.memory_space<vmem>>, vector<32x128xf32>
    %dot_general3A_165 = arith.constant dense<0.000000e+00> : vector<64x128xf32>
    %dot_general3A_166 = tpu.matmul %squeeze3A_161, %get3A_164, %dot_general3A_165 {dimension_numbers = #tpu.dot_dimension_numbers<[1], [0], [0], [1], [0, 0, 1, 1], [], []>, transpose_lhs_hint = false} : vector<64x32xf32>, vector<32x128xf32>, vector<64x128xf32> -> vector<64x128xf32>
    %add3A_167 = arith.addf %add3A_159, %dot_general3A_166 : vector<64x128xf32>
    %slice3A_168 = vector.extract_strided_slice %reshape3A_36 {offsets = [0, 16, 0], sizes = [64, 1, 32], strides = [1, 1, 1]} : vector<64x35x32xf32> to vector<64x1x32xf32>
    %squeeze3A_169 = vector.shape_cast %slice3A_168 : vector<64x1x32xf32> to vector<64x32xf32>
    %get3A_170 = arith.constant 512 : index
    %get3A_171 = arith.constant 0 : index
    %get3A_172 = vector.load %arg5[%get3A_170, %get3A_171] : memref<1120x128xf32, #tpu.memory_space<vmem>>, vector<32x128xf32>
    %dot_general3A_173 = arith.constant dense<0.000000e+00> : vector<64x128xf32>
    %dot_general3A_174 = tpu.matmul %squeeze3A_169, %get3A_172, %dot_general3A_173 {dimension_numbers = #tpu.dot_dimension_numbers<[1], [0], [0], [1], [0, 0, 1, 1], [], []>, transpose_lhs_hint = false} : vector<64x32xf32>, vector<32x128xf32>, vector<64x128xf32> -> vector<64x128xf32>
    %add3A_175 = arith.addf %add3A_167, %dot_general3A_174 : vector<64x128xf32>
    %slice3A_176 = vector.extract_strided_slice %reshape3A_36 {offsets = [0, 17, 0], sizes = [64, 1, 32], strides = [1, 1, 1]} : vector<64x35x32xf32> to vector<64x1x32xf32>
    %squeeze3A_177 = vector.shape_cast %slice3A_176 : vector<64x1x32xf32> to vector<64x32xf32>
    %get3A_178 = arith.constant 544 : index
    %get3A_179 = arith.constant 0 : index
    %get3A_180 = vector.load %arg5[%get3A_178, %get3A_179] : memref<1120x128xf32, #tpu.memory_space<vmem>>, vector<32x128xf32>
    %dot_general3A_181 = arith.constant dense<0.000000e+00> : vector<64x128xf32>
    %dot_general3A_182 = tpu.matmul %squeeze3A_177, %get3A_180, %dot_general3A_181 {dimension_numbers = #tpu.dot_dimension_numbers<[1], [0], [0], [1], [0, 0, 1, 1], [], []>, transpose_lhs_hint = false} : vector<64x32xf32>, vector<32x128xf32>, vector<64x128xf32> -> vector<64x128xf32>
    %add3A_183 = arith.addf %add3A_175, %dot_general3A_182 : vector<64x128xf32>
    %slice3A_184 = vector.extract_strided_slice %reshape3A_36 {offsets = [0, 18, 0], sizes = [64, 1, 32], strides = [1, 1, 1]} : vector<64x35x32xf32> to vector<64x1x32xf32>
    %squeeze3A_185 = vector.shape_cast %slice3A_184 : vector<64x1x32xf32> to vector<64x32xf32>
    %get3A_186 = arith.constant 576 : index
    %get3A_187 = arith.constant 0 : index
    %get3A_188 = vector.load %arg5[%get3A_186, %get3A_187] : memref<1120x128xf32, #tpu.memory_space<vmem>>, vector<32x128xf32>
    %dot_general3A_189 = arith.constant dense<0.000000e+00> : vector<64x128xf32>
    %dot_general3A_190 = tpu.matmul %squeeze3A_185, %get3A_188, %dot_general3A_189 {dimension_numbers = #tpu.dot_dimension_numbers<[1], [0], [0], [1], [0, 0, 1, 1], [], []>, transpose_lhs_hint = false} : vector<64x32xf32>, vector<32x128xf32>, vector<64x128xf32> -> vector<64x128xf32>
    %add3A_191 = arith.addf %add3A_183, %dot_general3A_190 : vector<64x128xf32>
    %slice3A_192 = vector.extract_strided_slice %reshape3A_36 {offsets = [0, 19, 0], sizes = [64, 1, 32], strides = [1, 1, 1]} : vector<64x35x32xf32> to vector<64x1x32xf32>
    %squeeze3A_193 = vector.shape_cast %slice3A_192 : vector<64x1x32xf32> to vector<64x32xf32>
    %get3A_194 = arith.constant 608 : index
    %get3A_195 = arith.constant 0 : index
    %get3A_196 = vector.load %arg5[%get3A_194, %get3A_195] : memref<1120x128xf32, #tpu.memory_space<vmem>>, vector<32x128xf32>
    %dot_general3A_197 = arith.constant dense<0.000000e+00> : vector<64x128xf32>
    %dot_general3A_198 = tpu.matmul %squeeze3A_193, %get3A_196, %dot_general3A_197 {dimension_numbers = #tpu.dot_dimension_numbers<[1], [0], [0], [1], [0, 0, 1, 1], [], []>, transpose_lhs_hint = false} : vector<64x32xf32>, vector<32x128xf32>, vector<64x128xf32> -> vector<64x128xf32>
    %add3A_199 = arith.addf %add3A_191, %dot_general3A_198 : vector<64x128xf32>
    %slice3A_200 = vector.extract_strided_slice %reshape3A_36 {offsets = [0, 20, 0], sizes = [64, 1, 32], strides = [1, 1, 1]} : vector<64x35x32xf32> to vector<64x1x32xf32>
    %squeeze3A_201 = vector.shape_cast %slice3A_200 : vector<64x1x32xf32> to vector<64x32xf32>
    %get3A_202 = arith.constant 640 : index
    %get3A_203 = arith.constant 0 : index
    %get3A_204 = vector.load %arg5[%get3A_202, %get3A_203] : memref<1120x128xf32, #tpu.memory_space<vmem>>, vector<32x128xf32>
    %dot_general3A_205 = arith.constant dense<0.000000e+00> : vector<64x128xf32>
    %dot_general3A_206 = tpu.matmul %squeeze3A_201, %get3A_204, %dot_general3A_205 {dimension_numbers = #tpu.dot_dimension_numbers<[1], [0], [0], [1], [0, 0, 1, 1], [], []>, transpose_lhs_hint = false} : vector<64x32xf32>, vector<32x128xf32>, vector<64x128xf32> -> vector<64x128xf32>
    %add3A_207 = arith.addf %add3A_199, %dot_general3A_206 : vector<64x128xf32>
    %slice3A_208 = vector.extract_strided_slice %reshape3A_36 {offsets = [0, 21, 0], sizes = [64, 1, 32], strides = [1, 1, 1]} : vector<64x35x32xf32> to vector<64x1x32xf32>
    %squeeze3A_209 = vector.shape_cast %slice3A_208 : vector<64x1x32xf32> to vector<64x32xf32>
    %get3A_210 = arith.constant 672 : index
    %get3A_211 = arith.constant 0 : index
    %get3A_212 = vector.load %arg5[%get3A_210, %get3A_211] : memref<1120x128xf32, #tpu.memory_space<vmem>>, vector<32x128xf32>
    %dot_general3A_213 = arith.constant dense<0.000000e+00> : vector<64x128xf32>
    %dot_general3A_214 = tpu.matmul %squeeze3A_209, %get3A_212, %dot_general3A_213 {dimension_numbers = #tpu.dot_dimension_numbers<[1], [0], [0], [1], [0, 0, 1, 1], [], []>, transpose_lhs_hint = false} : vector<64x32xf32>, vector<32x128xf32>, vector<64x128xf32> -> vector<64x128xf32>
    %add3A_215 = arith.addf %add3A_207, %dot_general3A_214 : vector<64x128xf32>
    %slice3A_216 = vector.extract_strided_slice %reshape3A_36 {offsets = [0, 22, 0], sizes = [64, 1, 32], strides = [1, 1, 1]} : vector<64x35x32xf32> to vector<64x1x32xf32>
    %squeeze3A_217 = vector.shape_cast %slice3A_216 : vector<64x1x32xf32> to vector<64x32xf32>
    %get3A_218 = arith.constant 704 : index
    %get3A_219 = arith.constant 0 : index
    %get3A_220 = vector.load %arg5[%get3A_218, %get3A_219] : memref<1120x128xf32, #tpu.memory_space<vmem>>, vector<32x128xf32>
    %dot_general3A_221 = arith.constant dense<0.000000e+00> : vector<64x128xf32>
    %dot_general3A_222 = tpu.matmul %squeeze3A_217, %get3A_220, %dot_general3A_221 {dimension_numbers = #tpu.dot_dimension_numbers<[1], [0], [0], [1], [0, 0, 1, 1], [], []>, transpose_lhs_hint = false} : vector<64x32xf32>, vector<32x128xf32>, vector<64x128xf32> -> vector<64x128xf32>
    %add3A_223 = arith.addf %add3A_215, %dot_general3A_222 : vector<64x128xf32>
    %slice3A_224 = vector.extract_strided_slice %reshape3A_36 {offsets = [0, 23, 0], sizes = [64, 1, 32], strides = [1, 1, 1]} : vector<64x35x32xf32> to vector<64x1x32xf32>
    %squeeze3A_225 = vector.shape_cast %slice3A_224 : vector<64x1x32xf32> to vector<64x32xf32>
    %get3A_226 = arith.constant 736 : index
    %get3A_227 = arith.constant 0 : index
    %get3A_228 = vector.load %arg5[%get3A_226, %get3A_227] : memref<1120x128xf32, #tpu.memory_space<vmem>>, vector<32x128xf32>
    %dot_general3A_229 = arith.constant dense<0.000000e+00> : vector<64x128xf32>
    %dot_general3A_230 = tpu.matmul %squeeze3A_225, %get3A_228, %dot_general3A_229 {dimension_numbers = #tpu.dot_dimension_numbers<[1], [0], [0], [1], [0, 0, 1, 1], [], []>, transpose_lhs_hint = false} : vector<64x32xf32>, vector<32x128xf32>, vector<64x128xf32> -> vector<64x128xf32>
    %add3A_231 = arith.addf %add3A_223, %dot_general3A_230 : vector<64x128xf32>
    %slice3A_232 = vector.extract_strided_slice %reshape3A_36 {offsets = [0, 24, 0], sizes = [64, 1, 32], strides = [1, 1, 1]} : vector<64x35x32xf32> to vector<64x1x32xf32>
    %squeeze3A_233 = vector.shape_cast %slice3A_232 : vector<64x1x32xf32> to vector<64x32xf32>
    %get3A_234 = arith.constant 768 : index
    %get3A_235 = arith.constant 0 : index
    %get3A_236 = vector.load %arg5[%get3A_234, %get3A_235] : memref<1120x128xf32, #tpu.memory_space<vmem>>, vector<32x128xf32>
    %dot_general3A_237 = arith.constant dense<0.000000e+00> : vector<64x128xf32>
    %dot_general3A_238 = tpu.matmul %squeeze3A_233, %get3A_236, %dot_general3A_237 {dimension_numbers = #tpu.dot_dimension_numbers<[1], [0], [0], [1], [0, 0, 1, 1], [], []>, transpose_lhs_hint = false} : vector<64x32xf32>, vector<32x128xf32>, vector<64x128xf32> -> vector<64x128xf32>
    %add3A_239 = arith.addf %add3A_231, %dot_general3A_238 : vector<64x128xf32>
    %slice3A_240 = vector.extract_strided_slice %reshape3A_36 {offsets = [0, 25, 0], sizes = [64, 1, 32], strides = [1, 1, 1]} : vector<64x35x32xf32> to vector<64x1x32xf32>
    %squeeze3A_241 = vector.shape_cast %slice3A_240 : vector<64x1x32xf32> to vector<64x32xf32>
    %get3A_242 = arith.constant 800 : index
    %get3A_243 = arith.constant 0 : index
    %get3A_244 = vector.load %arg5[%get3A_242, %get3A_243] : memref<1120x128xf32, #tpu.memory_space<vmem>>, vector<32x128xf32>
    %dot_general3A_245 = arith.constant dense<0.000000e+00> : vector<64x128xf32>
    %dot_general3A_246 = tpu.matmul %squeeze3A_241, %get3A_244, %dot_general3A_245 {dimension_numbers = #tpu.dot_dimension_numbers<[1], [0], [0], [1], [0, 0, 1, 1], [], []>, transpose_lhs_hint = false} : vector<64x32xf32>, vector<32x128xf32>, vector<64x128xf32> -> vector<64x128xf32>
    %add3A_247 = arith.addf %add3A_239, %dot_general3A_246 : vector<64x128xf32>
    %slice3A_248 = vector.extract_strided_slice %reshape3A_36 {offsets = [0, 26, 0], sizes = [64, 1, 32], strides = [1, 1, 1]} : vector<64x35x32xf32> to vector<64x1x32xf32>
    %squeeze3A_249 = vector.shape_cast %slice3A_248 : vector<64x1x32xf32> to vector<64x32xf32>
    %get3A_250 = arith.constant 832 : index
    %get3A_251 = arith.constant 0 : index
    %get3A_252 = vector.load %arg5[%get3A_250, %get3A_251] : memref<1120x128xf32, #tpu.memory_space<vmem>>, vector<32x128xf32>
    %dot_general3A_253 = arith.constant dense<0.000000e+00> : vector<64x128xf32>
    %dot_general3A_254 = tpu.matmul %squeeze3A_249, %get3A_252, %dot_general3A_253 {dimension_numbers = #tpu.dot_dimension_numbers<[1], [0], [0], [1], [0, 0, 1, 1], [], []>, transpose_lhs_hint = false} : vector<64x32xf32>, vector<32x128xf32>, vector<64x128xf32> -> vector<64x128xf32>
    %add3A_255 = arith.addf %add3A_247, %dot_general3A_254 : vector<64x128xf32>
    %slice3A_256 = vector.extract_strided_slice %reshape3A_36 {offsets = [0, 27, 0], sizes = [64, 1, 32], strides = [1, 1, 1]} : vector<64x35x32xf32> to vector<64x1x32xf32>
    %squeeze3A_257 = vector.shape_cast %slice3A_256 : vector<64x1x32xf32> to vector<64x32xf32>
    %get3A_258 = arith.constant 864 : index
    %get3A_259 = arith.constant 0 : index
    %get3A_260 = vector.load %arg5[%get3A_258, %get3A_259] : memref<1120x128xf32, #tpu.memory_space<vmem>>, vector<32x128xf32>
    %dot_general3A_261 = arith.constant dense<0.000000e+00> : vector<64x128xf32>
    %dot_general3A_262 = tpu.matmul %squeeze3A_257, %get3A_260, %dot_general3A_261 {dimension_numbers = #tpu.dot_dimension_numbers<[1], [0], [0], [1], [0, 0, 1, 1], [], []>, transpose_lhs_hint = false} : vector<64x32xf32>, vector<32x128xf32>, vector<64x128xf32> -> vector<64x128xf32>
    %add3A_263 = arith.addf %add3A_255, %dot_general3A_262 : vector<64x128xf32>
    %slice3A_264 = vector.extract_strided_slice %reshape3A_36 {offsets = [0, 28, 0], sizes = [64, 1, 32], strides = [1, 1, 1]} : vector<64x35x32xf32> to vector<64x1x32xf32>
    %squeeze3A_265 = vector.shape_cast %slice3A_264 : vector<64x1x32xf32> to vector<64x32xf32>
    %get3A_266 = arith.constant 896 : index
    %get3A_267 = arith.constant 0 : index
    %get3A_268 = vector.load %arg5[%get3A_266, %get3A_267] : memref<1120x128xf32, #tpu.memory_space<vmem>>, vector<32x128xf32>
    %dot_general3A_269 = arith.constant dense<0.000000e+00> : vector<64x128xf32>
    %dot_general3A_270 = tpu.matmul %squeeze3A_265, %get3A_268, %dot_general3A_269 {dimension_numbers = #tpu.dot_dimension_numbers<[1], [0], [0], [1], [0, 0, 1, 1], [], []>, transpose_lhs_hint = false} : vector<64x32xf32>, vector<32x128xf32>, vector<64x128xf32> -> vector<64x128xf32>
    %add3A_271 = arith.addf %add3A_263, %dot_general3A_270 : vector<64x128xf32>
    %slice3A_272 = vector.extract_strided_slice %reshape3A_36 {offsets = [0, 29, 0], sizes = [64, 1, 32], strides = [1, 1, 1]} : vector<64x35x32xf32> to vector<64x1x32xf32>
    %squeeze3A_273 = vector.shape_cast %slice3A_272 : vector<64x1x32xf32> to vector<64x32xf32>
    %get3A_274 = arith.constant 928 : index
    %get3A_275 = arith.constant 0 : index
    %get3A_276 = vector.load %arg5[%get3A_274, %get3A_275] : memref<1120x128xf32, #tpu.memory_space<vmem>>, vector<32x128xf32>
    %dot_general3A_277 = arith.constant dense<0.000000e+00> : vector<64x128xf32>
    %dot_general3A_278 = tpu.matmul %squeeze3A_273, %get3A_276, %dot_general3A_277 {dimension_numbers = #tpu.dot_dimension_numbers<[1], [0], [0], [1], [0, 0, 1, 1], [], []>, transpose_lhs_hint = false} : vector<64x32xf32>, vector<32x128xf32>, vector<64x128xf32> -> vector<64x128xf32>
    %add3A_279 = arith.addf %add3A_271, %dot_general3A_278 : vector<64x128xf32>
    %slice3A_280 = vector.extract_strided_slice %reshape3A_36 {offsets = [0, 30, 0], sizes = [64, 1, 32], strides = [1, 1, 1]} : vector<64x35x32xf32> to vector<64x1x32xf32>
    %squeeze3A_281 = vector.shape_cast %slice3A_280 : vector<64x1x32xf32> to vector<64x32xf32>
    %get3A_282 = arith.constant 960 : index
    %get3A_283 = arith.constant 0 : index
    %get3A_284 = vector.load %arg5[%get3A_282, %get3A_283] : memref<1120x128xf32, #tpu.memory_space<vmem>>, vector<32x128xf32>
    %dot_general3A_285 = arith.constant dense<0.000000e+00> : vector<64x128xf32>
    %dot_general3A_286 = tpu.matmul %squeeze3A_281, %get3A_284, %dot_general3A_285 {dimension_numbers = #tpu.dot_dimension_numbers<[1], [0], [0], [1], [0, 0, 1, 1], [], []>, transpose_lhs_hint = false} : vector<64x32xf32>, vector<32x128xf32>, vector<64x128xf32> -> vector<64x128xf32>
    %add3A_287 = arith.addf %add3A_279, %dot_general3A_286 : vector<64x128xf32>
    %slice3A_288 = vector.extract_strided_slice %reshape3A_36 {offsets = [0, 31, 0], sizes = [64, 1, 32], strides = [1, 1, 1]} : vector<64x35x32xf32> to vector<64x1x32xf32>
    %squeeze3A_289 = vector.shape_cast %slice3A_288 : vector<64x1x32xf32> to vector<64x32xf32>
    %get3A_290 = arith.constant 992 : index
    %get3A_291 = arith.constant 0 : index
    %get3A_292 = vector.load %arg5[%get3A_290, %get3A_291] : memref<1120x128xf32, #tpu.memory_space<vmem>>, vector<32x128xf32>
    %dot_general3A_293 = arith.constant dense<0.000000e+00> : vector<64x128xf32>
    %dot_general3A_294 = tpu.matmul %squeeze3A_289, %get3A_292, %dot_general3A_293 {dimension_numbers = #tpu.dot_dimension_numbers<[1], [0], [0], [1], [0, 0, 1, 1], [], []>, transpose_lhs_hint = false} : vector<64x32xf32>, vector<32x128xf32>, vector<64x128xf32> -> vector<64x128xf32>
    %add3A_295 = arith.addf %add3A_287, %dot_general3A_294 : vector<64x128xf32>
    %slice3A_296 = vector.extract_strided_slice %reshape3A_36 {offsets = [0, 32, 0], sizes = [64, 1, 32], strides = [1, 1, 1]} : vector<64x35x32xf32> to vector<64x1x32xf32>
    %squeeze3A_297 = vector.shape_cast %slice3A_296 : vector<64x1x32xf32> to vector<64x32xf32>
    %get3A_298 = arith.constant 1024 : index
    %get3A_299 = arith.constant 0 : index
    %get3A_300 = vector.load %arg5[%get3A_298, %get3A_299] : memref<1120x128xf32, #tpu.memory_space<vmem>>, vector<32x128xf32>
    %dot_general3A_301 = arith.constant dense<0.000000e+00> : vector<64x128xf32>
    %dot_general3A_302 = tpu.matmul %squeeze3A_297, %get3A_300, %dot_general3A_301 {dimension_numbers = #tpu.dot_dimension_numbers<[1], [0], [0], [1], [0, 0, 1, 1], [], []>, transpose_lhs_hint = false} : vector<64x32xf32>, vector<32x128xf32>, vector<64x128xf32> -> vector<64x128xf32>
    %add3A_303 = arith.addf %add3A_295, %dot_general3A_302 : vector<64x128xf32>
    %slice3A_304 = vector.extract_strided_slice %reshape3A_36 {offsets = [0, 33, 0], sizes = [64, 1, 32], strides = [1, 1, 1]} : vector<64x35x32xf32> to vector<64x1x32xf32>
    %squeeze3A_305 = vector.shape_cast %slice3A_304 : vector<64x1x32xf32> to vector<64x32xf32>
    %get3A_306 = arith.constant 1056 : index
    %get3A_307 = arith.constant 0 : index
    %get3A_308 = vector.load %arg5[%get3A_306, %get3A_307] : memref<1120x128xf32, #tpu.memory_space<vmem>>, vector<32x128xf32>
    %dot_general3A_309 = arith.constant dense<0.000000e+00> : vector<64x128xf32>
    %dot_general3A_310 = tpu.matmul %squeeze3A_305, %get3A_308, %dot_general3A_309 {dimension_numbers = #tpu.dot_dimension_numbers<[1], [0], [0], [1], [0, 0, 1, 1], [], []>, transpose_lhs_hint = false} : vector<64x32xf32>, vector<32x128xf32>, vector<64x128xf32> -> vector<64x128xf32>
    %add3A_311 = arith.addf %add3A_303, %dot_general3A_310 : vector<64x128xf32>
    %slice3A_312 = vector.extract_strided_slice %reshape3A_36 {offsets = [0, 34, 0], sizes = [64, 1, 32], strides = [1, 1, 1]} : vector<64x35x32xf32> to vector<64x1x32xf32>
    %squeeze3A_313 = vector.shape_cast %slice3A_312 : vector<64x1x32xf32> to vector<64x32xf32>
    %get3A_314 = arith.constant 1088 : index
    %get3A_315 = arith.constant 0 : index
    %get3A_316 = vector.load %arg5[%get3A_314, %get3A_315] : memref<1120x128xf32, #tpu.memory_space<vmem>>, vector<32x128xf32>
    %dot_general3A_317 = arith.constant dense<0.000000e+00> : vector<64x128xf32>
    %dot_general3A_318 = tpu.matmul %squeeze3A_313, %get3A_316, %dot_general3A_317 {dimension_numbers = #tpu.dot_dimension_numbers<[1], [0], [0], [1], [0, 0, 1, 1], [], []>, transpose_lhs_hint = false} : vector<64x32xf32>, vector<32x128xf32>, vector<64x128xf32> -> vector<64x128xf32>
    %add3A_319 = arith.addf %add3A_311, %dot_general3A_318 : vector<64x128xf32>
    %max3A_320 = arith.constant 0.000000e+00 : f32
    %max3A_321 = vector.broadcast %max3A_320 : f32 to vector<64x128xf32>
    %max3A_322 = arith.maximumf %add3A_319, %max3A_321 : vector<64x128xf32>
    %get3A_323 = arith.constant 0 : index
    %get3A_324 = arith.constant 0 : index
    %get3A_325 = vector.load %arg7[%get3A_323, %get3A_324] : memref<128x10xf32, #tpu.memory_space<vmem>>, vector<128x10xf32>
    %dot_general3A_326 = arith.constant dense<0.000000e+00> : vector<64x10xf32>
    %dot_general3A_327 = tpu.matmul %max3A_322, %get3A_325, %dot_general3A_326 {dimension_numbers = #tpu.dot_dimension_numbers<[1], [0], [0], [1], [0, 0, 1, 1], [], []>, transpose_lhs_hint = false} : vector<64x128xf32>, vector<128x10xf32>, vector<64x10xf32> -> vector<64x10xf32>
    %get3A_328 = arith.constant 0 : index
    %get3A_329 = arith.constant 0 : index
    %get3A_330 = vector.load %arg8[%get3A_328, %get3A_329] : memref<1x10xf32, #tpu.memory_space<vmem>>, vector<1x10xf32>
    %add3A_331 = vector.broadcast %get3A_330 : vector<1x10xf32> to vector<64x10xf32>
    %add3A_332 = arith.addf %dot_general3A_327, %add3A_331 : vector<64x10xf32>
    %logistic3A = arith.negf %add3A_332 : vector<64x10xf32>
    %logistic3A_333 = math.exp %logistic3A : vector<64x10xf32>
    %logistic3A_334 = arith.constant 1.000000e+00 : f32
    %logistic3A_335 = vector.broadcast %logistic3A_334 : f32 to vector<64x10xf32>
    %logistic3A_336 = arith.addf %logistic3A_335, %logistic3A_333 : vector<64x10xf32>
    %logistic3A_337 = arith.divf %logistic3A_335, %logistic3A_336 : vector<64x10xf32>
    %swap3A = arith.constant 0 : index
    %swap3A_338 = arith.constant 0 : index
    %swap3A_339 = vector.load %arg9[%swap3A, %swap3A_338] : memref<64x10xf32, #tpu.memory_space<vmem>>, vector<64x10xf32>
    tpu.vector_store %arg9[%swap3A, %swap3A_338], %logistic3A_337 {strides = array<i32>} : memref<64x10xf32, #tpu.memory_space<vmem>>, vector<64x10xf32>,
    return
  }
}

</mosaic_0001>

<sc_bundles>
// kernel: kernel.17.cloned.1.call-start
scs
__scs_entry_jumppad:
0x0: {  	(pc) =	sbr.rel $0x88, $3  }
0x1: {  	(tag) =	ssettag $0x0;
	lr =	simm.s32 $0x1  }
0x2: {  	[smem:$0x3F8C] =	sst lr;
	_ =	strace $0xD0000000  }
0x3: {  	_ = 	snop  }
0x4: {  	_ = 	snop  }
0x5: {  	_ = 	snop  }
0x6: {  	_ = 	snop  }
0x7: {  	_ = 	snop  }
__scs_overlays_trampoline_lowered:
0x8: {  	[smem:$0x3F9B] =	sst s0  }
0x9: {  	[smem:$0x3F9C] =	sst s1  }
0xa: {  	[smem:$0x3F9D] =	sst s2  }
0xb: {  	[smem:$0x3F9E] =	sst s3  }
0xc: {  	[smem:$0x3F9F] =	sst s4  }
0xd: {  	[smem:$0x3FA0] =	sst s5  }
0xe: {  	[smem:$0x3FA1] =	sst s6  }
0xf: {  	[smem:$0x3FA2] =	sst s7  }
0x10: {  	[smem:$0x3FA3] =	sst s8  }
0x11: {  	[smem:$0x3FA4] =	sst s9;
	s0 =	simm.s32 @!p0 $0x0  }
0x12: {  	s1 =	sld [smem:$0x3F8A];
	s0 =	simm.s32 @p0 $0x1  }
0x13: {  	[smem:$0x3FA5] =	sst s0;
	s0 =	simm.s32 @!p1 $0x0  }
0x14: {  	s2 =	sld [smem:$0x3F89];
	s0 =	simm.s32 @p1 $0x1  }
0x15: {  	[smem:$0x3FA6] =	sst s0;
	s0 =	simm.s32 @!p2 $0x0  }
0x16: {  	s3 =	sld [smem:$0x3FDB];
	s0 =	simm.s32 @p2 $0x1  }
0x17: {  	s4 =	simm.s32 $0x1BF5;
	[smem:$0x3FA8] =	sst s0  }
0x18: {  	s0 =	sld [smem:$0x3F8B];
	_ =	swait.ge [sflag:s4], $0x0  }
0x19: {  	s7 =	sld [smem:$0x3F8C]  }
0x1a: {  	s8 =	sadd.s32 $0xFFFFE003, lr  }
0x1b: {  	s9 =	sadd.s32 $0xFFFFFEF7, lr;
	s5 =	simm.s32 $0xFFFFFFFF;
	p2 =	slt.u32 s8, $0xFFFFF086  }
0x1c: {  	p1 =	slt.u32 s9, $0xF7A;
	s5 =	simm.s32 @!p2 $0x0  }
0x1d: {  	s5 =	simm.s32 @p1 $0x1;
	p0 =	seq.s32 s7, s2  }
0x1e: {  	s7 =	smul.u32 @!p0 $0xF7A, s2;
	p2 =	seq.s32 @!p0 s5, $0x0  }
0x1f: {  	s9 =	smul.u32 $0xF7A, s1;
	s8 =	simm.s32 @!p0 $0x1BF5;
	p2 =	por !p2, p0  }
0x20: {  	[sflag:s8] =	ssyncset.s32 @!p0 $0xFFFFF086;
	s6 =	sadd.s32 @!p0 s3, s7;
	s7 =	simm.s32 @!p0 $0x108  }
0x21: {  	s3 =	sadd.s32 s3, s9;
	s6 =	sadd.s32 @!p0 $0x88, s6;
	s7 =	simm.s32 @p2 $0x1082  }
0x22: {  	[simem:s7], [sflag:s8] =	dma.local @!p0 [hbm:s6], $0xF7A  }
0x23: {  	s9 =	sor.u32 $0xD0000000, s2;
	s6 =	simm.s32 $0x108;
	_ =	swait.ge @!p0 [sflag:s8], $0x0  }
0x24: {  	s3 =	sadd.s32 $0x88, s3;
	s6 =	simm.s32 @!p1 $0x1082;
	[sflag:s4] =	ssyncset.s32 $0xFFFFF086  }
0x25: {  	[simem:s6], [sflag:s4] =	dma.local [hbm:s3], $0xF7A  }
0x26: {  	[smem:$0x3F8C] =	sst s1;
	(tag) =	ssettag s2;
	_ =	strace s9  }
0x27: {  	s1 =	sld [smem:$0x3F9C]  }
0x28: {  	s2 =	sld [smem:$0x3F9D]  }
0x29: {  	s4 =	sld [smem:$0x3F9F]  }
0x2a: {  	p0 =	seq.s32 s5, $0x0;
	s5 =	sld [smem:$0x3FA0]  }
0x2b: {  	s6 =	sld [smem:$0x3FA1]  }
0x2c: {  	s7 =	sld [smem:$0x3FA2]  }
0x2d: {  	s3 =	simm.s32 $0x108;
	s8 =	sld [smem:$0x3FA3]  }
0x2e: {  	s3 =	simm.s32 @!p0 $0x1082;
	s9 =	sld [smem:$0x3FA4]  }
0x2f: {  	lr =	sadd.s32 s0, s3;
	s0 =	sld [smem:$0x3F9B]  }
0x30: {  	s3 =	sld [smem:$0x3F9E]  }
0x31: {  	[smem:$0x3FA7] =	sst s10  }
0x32: {  	s10 =	sld [smem:$0x3FA5];
	_ =	sdelay $0x3  }
0x33: {  	p0 =	seq.s32 s10, $0x1;
	s10 =	sld [smem:$0x3FA7];
	_ =	sdelay $0x3  }
0x34: {  	[smem:$0x3FA7] =	sst s10  }
0x35: {  	s10 =	sld [smem:$0x3FA6];
	_ =	sdelay $0x3  }
0x36: {  	p1 =	seq.s32 s10, $0x1;
	s10 =	sld [smem:$0x3FA7];
	_ =	sdelay $0x3  }
0x37: {  	[smem:$0x3FA7] =	sst s10  }
0x38: {  	s10 =	sld [smem:$0x3FA8]  }
0x39: {  	_ = 	snop;
	(pc) =	sbr.ind lr, $3  }
0x3a: {  	_ = 	snop  }
0x3b: {  	_ = 	snop  }
0x3c: {  	p2 =	seq.s32 s10, $0x1;
	s10 =	sld [smem:$0x3FA7]  }
0x3d: {  	_ =	shalt  }
0x3e: {  	_ =	shalt  }
0x3f: {  	_ =	shalt  }
0x40: {  	_ =	shalt  }
0x41: {  	_ =	shalt  }
0x42: {  	_ =	shalt  }
0x43: {  	_ =	shalt  }
0x44: {  	_ =	shalt  }
0x45: {  	_ =	shalt  }
0x46: {  	_ =	shalt  }
0x47: {  	_ =	shalt  }
0x48: {  	_ =	shalt  }
0x49: {  	_ =	shalt  }
0x4a: {  	_ =	shalt  }
0x4b: {  	_ =	shalt  }
0x4c: {  	_ =	shalt  }
0x4d: {  	_ =	shalt  }
0x4e: {  	_ =	shalt  }
0x4f: {  	_ =	shalt  }
0x50: {  	_ =	shalt  }
0x51: {  	_ =	shalt  }
0x52: {  	_ =	shalt  }
0x53: {  	_ =	shalt  }
0x54: {  	_ =	shalt  }
0x55: {  	_ =	shalt  }
0x56: {  	_ =	shalt  }
0x57: {  	_ =	shalt  }
0x58: {  	_ =	shalt  }
0x59: {  	_ =	shalt  }
0x5a: {  	_ =	shalt  }
0x5b: {  	_ =	shalt  }
0x5c: {  	_ =	shalt  }
0x5d: {  	_ =	shalt  }
0x5e: {  	_ =	shalt  }
0x5f: {  	_ =	shalt  }
0x60: {  	_ =	shalt  }
0x61: {  	_ =	shalt  }
0x62: {  	_ =	shalt  }
0x63: {  	_ =	shalt  }
0x64: {  	_ =	shalt  }
0x65: {  	_ =	shalt  }
0x66: {  	_ =	shalt  }
0x67: {  	_ =	shalt  }
0x68: {  	_ =	shalt  }
0x69: {  	_ =	shalt  }
0x6a: {  	_ =	shalt  }
0x6b: {  	_ =	shalt  }
0x6c: {  	_ =	shalt  }
0x6d: {  	_ =	shalt  }
0x6e: {  	_ =	shalt  }
0x6f: {  	_ =	shalt  }
0x70: {  	_ =	shalt  }
0x71: {  	_ =	shalt  }
0x72: {  	_ =	shalt  }
0x73: {  	_ =	shalt  }
0x74: {  	_ =	shalt  }
0x75: {  	_ =	shalt  }
0x76: {  	_ =	shalt  }
0x77: {  	_ =	shalt  }
0x78: {  	_ =	shalt  }
0x79: {  	_ =	shalt  }
0x7a: {  	_ =	shalt  }
0x7b: {  	_ =	shalt  }
0x7c: {  	_ =	shalt  }
0x7d: {  	_ =	shalt  }
0x7e: {  	_ =	shalt  }
0x7f: {  	_ =	shalt  }
0x80: {  	_ =	shalt  }
0x81: {  	_ =	shalt  }
0x82: {  	_ =	shalt  }
0x83: {  	_ =	shalt  }
0x84: {  	_ =	shalt  }
0x85: {  	_ =	shalt  }
0x86: {  	_ =	shalt  }
0x87: {  	_ =	shalt  }
.Lfunc_end0:
.L_simem_size_0:
called_computation_lowered:
.L_overlay_start_0:
0x88: {  	s2 =	sld [smem:$0x3FD9]  }
0x89: {  	s3 =	sld [smem:$0x3FFE];
	_ =	sdelay $0x1  }
0x8a: {  	s1 =	srdreg.scid  }
0x8b: {  	s0 =	sand.u32 $0x1, s1  }
0x8c: {  	s16 =	sshll.u32 s0, $0xA;
	s2 =	sadd.s32 s3, s2  }
0x8d: {  	s2 =	sadd.s32 s2, s16  }
0x8e: {  	[smem:$0x3FB3] =	sst s2  }
0x8f: {  	_ = 	snop  }
0x90: {  	(tm) =	ssettm $0x1  }
0x91: {  	s17 =	sld [smem:$0x3FFB];
	_ =	sdelay $0x3  }
0x92: {  	_ =	strace s17  }
0x93: {  	s2 =	sld [smem:$0x3FFC];
	_ =	sdelay $0x3  }
0x94: {  	_ =	strace s2  }
0x95: {  	s2 =	sld [smem:$0x3FFD];
	_ =	sdelay $0x3  }
0x96: {  	_ =	strace s2  }
0x97: {  	_ =	strace $0x8FFFFFFF  }
0x98: {  	s18 =	sld [smem:$0x3FDB];
	_ =	sdelay $0x1  }
0x99: {  	s19 =	simm.s32 $_scs_section_size  }
0x9a: {  	s4 =	simm.s32 $_size__tile_overlayer_lowered;
	s5 =	simm.s32 $_tile_overlayer_lowered  }
0x9b: {  	s22 =	simm.s32 $0x1BFF;
	s21 =	sshll.u32 s5, $0x1;
	s2 =	sadd.s32 s19, s18  }
0x9c: {  	s6 =	simm.s32 $0x0;
	s20 =	sshll.u32 s4, $0x1;
	s4 =	sadd.s32 s21, s2  }
0x9d: {  	[timem:s6], [sflag:s22] =	dma.local [hbm:s4], s20  }
0x9e: {  	_ =	swait.ge [sflag:s22], s20  }
0x9f: {  	s3 =	ssub.s32 $0x0, s20;
	[sflag:s22] =	ssyncset.done $0x0  }
0xa0: {  	[sflag:s22] =	ssyncadd.s32 s3;
	_ =	sdelay $0x1  }
0xa1: {  	s23 =	simm.s32 $0x1B8B  }
0xa2: {  	_ =	swait.ge [sflag:s23], $0x1  }
0xa3: {  	[sflag:s23] =	ssyncset.done $0x0  }
0xa4: {  	s25 =	simm.s32 $0x1B8E;
	s24 =	sld [smem:$0x3FFE];
	[sflag:s23] =	ssyncadd.s32 $0xFFFFFFFF  }
0xa5: {  	s26 =	simm.s32 $execute0_lowered;
	[smem:$0x3FD2] =	sst s25  }
0xa6: {  	s4 =	sshll.u32 s26, $0x1;
	_ =	strace $0x80000046;
	[dreg:$0x1] =	wrdreg $0xFFFFFFFF  }
0xa7: {  	s28 =	simm.s32 $_size_execute0_lowered;
	s2 =	sadd.s32 s2, s4;
	[dreg:$0x0] =	wrdreg $0x0  }
0xa8: {  	s4 =	sshll.u32 s28, $0x1;
	[dreg:$0x2] =	wrdreg s2  }
0xa9: {  	[dreg:$0x3] =	wrdreg s4  }
0xaa: {  	[dreg:$0x4] =	wrdreg $0xC0  }
0xab: {  	_ =	task [dreg:s6], $0x5FFFF  }
0xac: {  	[dreg:$0x1] =	wrdreg $0xFFFFFFFF  }
0xad: {  	[dreg:$0x0] =	wrdreg $0x60  }
0xae: {  	[dreg:$0x2] =	wrdreg s24  }
0xaf: {  	[dreg:$0x3] =	wrdreg $0xAE400  }
0xb0: {  	[dreg:$0x4] =	wrdreg $0x12BA00  }
0xb1: {  	[dreg:$0x5] =	wrdreg $0x9  }
0xb2: {  	_ =	task.clear_ibuf [dreg:s6], $0x6FFFF;
	_ =	strace $0x90000046  }
0xb3: {  	s29 =	simm.s32 $0x9;
	_ =	strace $0x80000048  }
0xb4: {  	_ =	swait.ge [sflag:s29], $0x1  }
0xb5: {  	[sflag:s29] =	ssyncadd.s32 $0xFFFFFFFF  }
0xb6: {  	_ =	strace $0x90000048  }
0xb7: {  	_ =	sfence  }
0xb8: {  	s30 =	sld [smem:$0x0];
	_ =	sdelay $0x2  }
0xb9: {  	s31 =	sshll.u32 s1, $0xD;
	s1 =	sshrl.u32 s1, $0x2  }
0xba: {  	s3 =	sand.u32 $0x4000, s31;
	s1 =	sadd.s32 s1, s30  }
0xbb: {  	s0 =	sor.u32 s3, s0;
	s1 =	sshll.u32 s1, $0x11  }
0xbc: {  	s0 =	sor.u32 s1, s0  }
0xbd: {  	s0 =	sadd.s32 $0x8F2B, s0  }
0xbe: {  	[sflag:s0] =	ssyncadd.remote.s32 $0x1  }
0xbf: {  	_ =	sfence.sel $0xFFFF  }
0xc0: {  	[dreg:$0x0] =	wrdreg $0xFFFFFFFF;
	(pc) =	sbr.abs _section_cstart, $3  }
0xc1: {  	[dreg:$0x1] =	wrdreg $0xFFFFFFFF  }
0xc2: {  	_ =	task.clear_ibuf [dreg:s6], $0x2FFFF;
	_ =	strace $0x9FFFFFFF  }
0xc3: {  	(tm) =	ssettm $0x7FFFFFFF  }
tec
execute0_lowered:
.L_overlay_start_1:
0x0: {  	(tag) =	ssettag $0x1  }
0x1: {  	s6 =	rddreg [dreg:$0x0]  }
0x2: {  	s1 =	srdreg.scid;
	s2 =	rddreg [dreg:$0x1]  }
0x3: {  	s0 =	stileid.u32;
	s3 =	rddreg [dreg:$0x2]  }
0x4: {  	s4 =	simm.s32 $0x0;
	s16 =	simm.s32 $0x5000;
	s11 =	smul.u32 $0x4E40, s0  }
0x5: {  	s17 =	simm.s32 $0x1;
	s7 =	sand.u32 $0x1, s1;
	s13 =	smul.u32 $0x2720, s0  }
0x6: {  	s18 =	simm.s32 $0xFC80;
	s30 =	sshll.u32 s0, $0x1;
	s9 =	smul.u32 $0x9C80, s7  }
0x7: {  	[smem:$0x7FF] =	sst s4;
	s1 =	sor.u32 s7, s30;
	s10 =	smul.u32 $0x4E40, s7  }
0x8: {  	s5 =	sadd.s32 $0x19C00, s6;
	s7 =	ssub.s32 $0x2, s7;
	s8 =	smul.u32 $0x500, s1  }
0x9: {  	s1 =	rddreg [dreg:$0x3];
	_ =	strace $0x80000047;
	s31 =	sshrl.u32 s7, $0x1  }
0xa: {  	s20 =	sshrl.u32 s11, $0x3;
	s22 =	sshrl.u32 s13, $0x3;
	s14 =	sadd.s32 s9, s6  }
0xb: {  	s10 =	sadd.s32 s10, s6;
	s15 =	ssub.s32 s7, s31;
	s7 =	sadd.s32 s13, s3  }
0xc: {  	s13 =	simm.s32 $0x10480;
	s12 =	sadd.s32 s8, s6;
	s6 =	sadd.s32 s11, s2  }
0xd: {  	s19 =	sadd.s32 $0x2D800, s14;
	s21 =	sadd.s32 $0x23A00, s10;
	s10 =	smax.u32 s15, $0x1  }
0xe: {  	s11 =	simm.s32 $0x6000;
	s14 =	simm.s32 $0x2800;
	s15 =	simm.s32 $0x80  }
0xf: {  	s8 =	sadd.s32 $0xFC00, s12;
	s9 =	sadd.s32 $0x5C00, s12;
	s12 =	simm.s32 $0x2  }
0x10: {  	v0 =	vimm.f32 $0.0e+00;
	v1 =	vimm.f32 $1.000000000e+00;
	s19 =	sadd.s32 s20, s19;
	s20 =	sadd.s32 s22, s21;
	s21 =	simm.s32 $0x0  }
.LBB2_1:
0x11: {  	s22 =	simm.s32 $0x80;
	s23 =	simm.s32 $0x0  }
.LBB2_2:
0x12: {  	p0 =	sne.s32 s22, $0x13880;
	[tilespmem:s23+$0x6000] =	vst v0;
	s24 =	smov.u32 s22;
	s22 =	sadd.s32 $0x80, s22  }
.Ltmp0:
0x13: {  	[tilespmem:s23+$0x6010] =	vst v0;
	(pc) =	sbr.rel @p0 .LBB2_2-.Ltmp0, $2  }
0x14: {  	_ =	sdelay $0x2  }
0x15: {  	s23 =	sshra.s32 s24, $0x2  }
0x16: {  	[tilespmem:s23+$0x6000] =	vst v0  }
0x17: {  	[tilespmem:s23+$0x6010] =	vst v0  }
0x18: {  	[spmem:s6] =	stream.linear.scatter [tilespmem:s11], [sflag:$0x2], $0x4E40, $0x38;
	[tilespmem:$0x152C0] =	vst v63  }
0x19: {  	_ =	swait.ge [sflag:s12], $0x4E40  }
0x1a: {  	[sflag:s12] =	ssyncset.done $0x0  }
0x1b: {  	s22 =	simm.s32 $0x40;
	s23 =	simm.s32 $0x0;
	[sflag:s12] =	ssyncadd.s32 $0xFFFFB1C0  }
.LBB2_4:
0x1c: {  	p0 =	sne.s32 s22, $0x1FC0;
	[tilespmem:s23+$0xFC80] =	vst v1;
	s23 =	smov.u32 s22;
	s22 =	sadd.s32 $0x40, s22  }
.Ltmp1:
0x1d: {  	(pc) =	sbr.rel @p0 .LBB2_4-.Ltmp1, $2  }
0x1e: {  	_ =	sdelay $0x2  }
0x1f: {  	s23 =	sshra.s32 s23, $0x2  }
0x20: {  	[tilespmem:s23+$0xFC80] =	vst v1;
	s22 =	simm.s32 $0x40;
	s23 =	simm.s32 $0x0  }
.LBB2_6:
0x21: {  	p0 =	sne.s32 s22, $0x9C40;
	[tilespmem:s23+$0x10480] =	vst v0;
	s23 =	smov.u32 s22;
	s22 =	sadd.s32 $0x40, s22  }
.Ltmp2:
0x22: {  	(pc) =	sbr.rel @p0 .LBB2_6-.Ltmp2, $2  }
0x23: {  	_ =	sdelay $0x2  }
0x24: {  	s23 =	sshra.s32 s23, $0x2  }
0x25: {  	[tilespmem:s23+$0x10480] =	vst v0  }
0x26: {  	[spmem:s7] =	stream.linear.scatter [tilespmem:s13], [sflag:$0x2], $0x2720, $0x38;
	[tilespmem:$0x152C0] =	vst v63  }
0x27: {  	_ =	swait.ge [sflag:s12], $0x2720  }
0x28: {  	[sflag:s12] =	ssyncset.done $0x0  }
0x29: {  	s22 =	simm.s32 $0x0;
	[sflag:s12] =	ssyncadd.s32 $0xFFFFD8E0  }
0x2a: {  	[tilespmem:s22], [sflag:$0x2] =	stream.linear.gather [hbm4b:s8+s22], $0x2800, $0x38;
	[tilespmem:$0x152C0] =	vst v63  }
0x2b: {  	_ =	swait.ge [sflag:s12], $0x2800  }
0x2c: {  	[sflag:s12] =	ssyncset.done $0x0  }
0x2d: {  	[sflag:s12] =	ssyncadd.s32 $0xFFFFD800  }
0x2e: {  	[tilespmem:s14], [sflag:$0x2] =	stream.linear.gather [hbm4b:s9+s22], $0x2800, $0x38;
	[tilespmem:$0x152C0] =	vst v63  }
0x2f: {  	_ =	swait.ge [sflag:s12], $0x2800  }
0x30: {  	[sflag:s12] =	ssyncset.done $0x0  }
0x31: {  	[sflag:s12] =	ssyncadd.s32 $0xFFFFD800  }
0x32: {  	s30 =	simm.s32 $0x0;
	[bflag:$0x0] =	sbarrier.arrive $0xFFFF  }
0x33: {  	[tilespmem:s16], [sflag:$0x1] =	stream.indirect.gather [hbm4b:s5+s15], $0x20, s30, s15, $0xb8;
	[tilespmem:$0x152C0] =	vst v63  }
0x34: {  	_ =	swait.ge [sflag:s17], $0x1000  }
0x35: {  	[sflag:s17] =	ssyncset.done $0x0  }
0x36: {  	s31 =	simm.s32 $0x2800;
	[sflag:s17] =	ssyncadd.s32 $0xFFFFF000  }
0x37: {  	[spmem:s2] =	stream.indirect.scatter.add.f32 [tilespmem:s16], [sflag:$0x2], $0x20, s31, s15, $0xb8;
	[tilespmem:$0x152C0] =	vst v63  }
0x38: {  	_ =	swait.ge [sflag:s12], $0x1000  }
0x39: {  	[sflag:s12] =	ssyncset.done $0x0  }
0x3a: {  	[sflag:s12] =	ssyncadd.s32 $0xFFFFF000  }
0x3b: {  	[spmem:s3] =	stream.indirect.scatter.add.f32 [tilespmem:s18], [sflag:$0x2], $0x10, s30, s15, $0xb8;
	[tilespmem:$0x152C0] =	vst v63  }
0x3c: {  	_ =	swait.ge [sflag:s12], $0x800  }
0x3d: {  	s23 =	simm.s32 $0x400;
	s22 =	simm.s32 $0x200;
	[sflag:s12] =	ssyncset.done $0x0  }
.LBB2_8:
0x3e: {  	s24 =	sshra.s32 s22, $0x2  }
0x3f: {  	[sflag:s12] =	ssyncadd.s32 $0xFFFFF800;
	s22 =	smov.u32 s23;
	s25 =	sadd.s32 $0x200, s23  }
0x40: {  	[tilespmem:s16], [sflag:$0x1] =	stream.indirect.gather [hbm4b:s5+s15], $0x20, s24, s15, $0xb8;
	[tilespmem:$0x152C0] =	vst v63  }
0x41: {  	p0 =	sne.s32 s23, $0x9E00;
	_ =	swait.ge [sflag:s17], $0x1000  }
0x42: {  	[sflag:s17] =	ssyncset.done $0x0  }
0x43: {  	s23 =	sadd.s32 $0x2800, s24;
	[sflag:s17] =	ssyncadd.s32 $0xFFFFF000  }
0x44: {  	[spmem:s2] =	stream.indirect.scatter.add.f32 [tilespmem:s16], [sflag:$0x2], $0x20, s23, s15, $0xb8;
	[tilespmem:$0x152C0] =	vst v63  }
0x45: {  	_ =	swait.ge [sflag:s12], $0x1000  }
.Ltmp3:
0x46: {  	[sflag:s12] =	ssyncset.done $0x0;
	(pc) =	sbr.rel @p0 .LBB2_8-.Ltmp3, $4  }
0x47: {  	[sflag:s12] =	ssyncadd.s32 $0xFFFFF000  }
0x48: {  	[spmem:s3] =	stream.indirect.scatter.add.f32 [tilespmem:s18], [sflag:$0x2], $0x10, s24, s15, $0xb8;
	[tilespmem:$0x152C0] =	vst v63  }
0x49: {  	_ =	swait.ge [sflag:s12], $0x800  }
0x4a: {  	s23 =	smov.u32 s25;
	[sflag:s12] =	ssyncset.done $0x0  }
0x4b: {  	s22 =	sshra.s32 s22, $0x2;
	[sflag:s12] =	ssyncadd.s32 $0xFFFFF800  }
0x4c: {  	[tilespmem:s16], [sflag:$0x1] =	stream.indirect.gather [hbm4b:s5+s15], $0x20, s22, s15, $0xb8;
	[tilespmem:$0x152C0] =	vst v63  }
0x4d: {  	_ =	swait.ge [sflag:s17], $0x1000  }
0x4e: {  	[sflag:s17] =	ssyncset.done $0x0  }
0x4f: {  	s23 =	sadd.s32 $0x2800, s22;
	[sflag:s17] =	ssyncadd.s32 $0xFFFFF000  }
0x50: {  	[spmem:s2] =	stream.indirect.scatter.add.f32 [tilespmem:s16], [sflag:$0x2], $0x20, s23, s15, $0xb8;
	[tilespmem:$0x152C0] =	vst v63  }
0x51: {  	_ =	swait.ge [sflag:s12], $0x1000  }
0x52: {  	[sflag:s12] =	ssyncset.done $0x0  }
0x53: {  	[sflag:s12] =	ssyncadd.s32 $0xFFFFF000  }
0x54: {  	[spmem:s3] =	stream.indirect.scatter.add.f32 [tilespmem:s18], [sflag:$0x2], $0x10, s22, s15, $0xb8;
	[tilespmem:$0x152C0] =	vst v63  }
0x55: {  	_ =	swait.ge [sflag:s12], $0x800  }
0x56: {  	[sflag:s12] =	ssyncset.done $0x0  }
0x57: {  	[sflag:s12] =	ssyncadd.s32 $0xFFFFF800  }
0x58: {  	[bflag:$0x0] =	sbarrier.arrive $0xFFFF  }
0x59: {  	[tilespmem:s11], [sflag:$0x2] =	stream.linear.gather [spmem:s6], $0x4E40, $0x38;
	[tilespmem:$0x152C0] =	vst v63  }
0x5a: {  	_ =	swait.ge [sflag:s12], $0x4E40  }
0x5b: {  	[sflag:s12] =	ssyncset.done $0x0  }
0x5c: {  	[sflag:s12] =	ssyncadd.s32 $0xFFFFB1C0  }
0x5d: {  	[hbm4b:s19+s4] =	stream.linear.scatter [tilespmem:s11], [sflag:$0x2], $0x4E40, $0x38;
	[tilespmem:$0x152C0] =	vst v63  }
0x5e: {  	_ =	swait.ge [sflag:s12], $0x4E40  }
0x5f: {  	[sflag:s12] =	ssyncset.done $0x0  }
0x60: {  	[sflag:s12] =	ssyncadd.s32 $0xFFFFB1C0  }
0x61: {  	[tilespmem:s13], [sflag:$0x2] =	stream.linear.gather [spmem:s7], $0x2720, $0x38;
	[tilespmem:$0x152C0] =	vst v63  }
0x62: {  	s21 =	sadd.s32 $0x1, s21;
	_ =	swait.ge [sflag:s12], $0x2720  }
0x63: {  	p0 =	sne.s32 s21, s10;
	[sflag:s12] =	ssyncset.done $0x0  }
.Ltmp4:
0x64: {  	[sflag:s12] =	ssyncadd.s32 $0xFFFFD8E0;
	(pc) =	sbr.rel @p0 .LBB2_1-.Ltmp4, $4  }
0x65: {  	[hbm4b:s20+s4] =	stream.linear.scatter [tilespmem:s13], [sflag:$0x2], $0x2720, $0x38;
	[tilespmem:$0x152C0] =	vst v63  }
0x66: {  	_ =	swait.ge [sflag:s12], $0x2720  }
0x67: {  	[sflag:s12] =	ssyncset.done $0x0  }
0x68: {  	[sflag:s12] =	ssyncadd.s32 $0xFFFFD8E0  }
0x69: {  	_ =	sfence.sel $0x180000  }
0x6a: {  	[bflag:$0x0] =	sbarrier.arrive $0xFFFF  }
0x6b: {  	p0 =	sne.s32 s0, $0x0;
	_ =	strace $0x90000047  }
0x6c: {  	s0 =	sadd.s32 @!p0 $0x100000, s1;
	[bflag:$0x2] =	sbarrier.arrive $0xFFFF  }
0x6d: {  	[sflag:s0] =	ssyncadd.tile.s32 @!p0 $0x1;
	_ =	shalt  }
.Lfunc_end2:
_tile_overlayer_lowered:
.L_overlay_start_2:
0x6e: {  	(tag) =	ssettag $0x2  }
0x6f: {  	s0 =	rddreg [dreg:$0x0];
	s2 =	stileid.u32  }
0x70: {  	s1 =	rddreg [dreg:$0x1];
	p0 =	sne.s32 s2, $0x0  }
0x71: {  	s3 =	rddreg [dreg:$0x2];
	[bflag:$0x3] =	sbarrier.arrive $0xFFFF;
	s2 =	simm.s32 @!p0 $0x1C02  }
0x72: {  	[timem:s3], [sflag:s2] =	dma.local @!p0 [hbm:s0], s1  }
0x73: {  	s0 =	simm.s32 @!p0 $0x2  }
0x74: {  	_ =	swait.ge @!p0 [sflag:s0], s1  }
0x75: {  	s1 =	ssub.s32 @!p0 $0x0, s1;
	[sflag:s0] =	ssyncset.done @!p0 $0x0  }
0x76: {  	[sflag:s0] =	ssyncadd.s32 @!p0 s1  }
0x77: {  	[bflag:$0x3] =	sbarrier.arrive $0xFFFF  }
0x78: {  	_ =	shalt  }

// kernel: kernel.20.cloned.1.call-start
scs
__scs_entry_jumppad:
0x0: {  	(pc) =	sbr.rel $0x88, $3  }
0x1: {  	(tag) =	ssettag $0x0;
	lr =	simm.s32 $0x1  }
0x2: {  	[smem:$0x3F8C] =	sst lr;
	_ =	strace $0xD0000000  }
0x3: {  	_ = 	snop  }
0x4: {  	_ = 	snop  }
0x5: {  	_ = 	snop  }
0x6: {  	_ = 	snop  }
0x7: {  	_ = 	snop  }
__scs_overlays_trampoline_lowered:
0x8: {  	[smem:$0x3F9B] =	sst s0  }
0x9: {  	[smem:$0x3F9C] =	sst s1  }
0xa: {  	[smem:$0x3F9D] =	sst s2  }
0xb: {  	[smem:$0x3F9E] =	sst s3  }
0xc: {  	[smem:$0x3F9F] =	sst s4  }
0xd: {  	[smem:$0x3FA0] =	sst s5  }
0xe: {  	[smem:$0x3FA1] =	sst s6  }
0xf: {  	[smem:$0x3FA2] =	sst s7  }
0x10: {  	[smem:$0x3FA3] =	sst s8  }
0x11: {  	[smem:$0x3FA4] =	sst s9;
	s0 =	simm.s32 @!p0 $0x0  }
0x12: {  	s1 =	sld [smem:$0x3F8A];
	s0 =	simm.s32 @p0 $0x1  }
0x13: {  	[smem:$0x3FA5] =	sst s0;
	s0 =	simm.s32 @!p1 $0x0  }
0x14: {  	s2 =	sld [smem:$0x3F89];
	s0 =	simm.s32 @p1 $0x1  }
0x15: {  	[smem:$0x3FA6] =	sst s0;
	s0 =	simm.s32 @!p2 $0x0  }
0x16: {  	s3 =	sld [smem:$0x3FDB];
	s0 =	simm.s32 @p2 $0x1  }
0x17: {  	s4 =	simm.s32 $0x1BF5;
	[smem:$0x3FA8] =	sst s0  }
0x18: {  	s0 =	sld [smem:$0x3F8B];
	_ =	swait.ge [sflag:s4], $0x0  }
0x19: {  	s7 =	sld [smem:$0x3F8C]  }
0x1a: {  	s8 =	sadd.s32 $0xFFFFE003, lr  }
0x1b: {  	s9 =	sadd.s32 $0xFFFFFEF7, lr;
	s5 =	simm.s32 $0xFFFFFFFF;
	p2 =	slt.u32 s8, $0xFFFFF086  }
0x1c: {  	p1 =	slt.u32 s9, $0xF7A;
	s5 =	simm.s32 @!p2 $0x0  }
0x1d: {  	s5 =	simm.s32 @p1 $0x1;
	p0 =	seq.s32 s7, s2  }
0x1e: {  	s7 =	smul.u32 @!p0 $0xF7A, s2;
	p2 =	seq.s32 @!p0 s5, $0x0  }
0x1f: {  	s9 =	smul.u32 $0xF7A, s1;
	s8 =	simm.s32 @!p0 $0x1BF5;
	p2 =	por !p2, p0  }
0x20: {  	[sflag:s8] =	ssyncset.s32 @!p0 $0xFFFFF086;
	s6 =	sadd.s32 @!p0 s3, s7;
	s7 =	simm.s32 @!p0 $0x108  }
0x21: {  	s3 =	sadd.s32 s3, s9;
	s6 =	sadd.s32 @!p0 $0x88, s6;
	s7 =	simm.s32 @p2 $0x1082  }
0x22: {  	[simem:s7], [sflag:s8] =	dma.local @!p0 [hbm:s6], $0xF7A  }
0x23: {  	s9 =	sor.u32 $0xD0000000, s2;
	s6 =	simm.s32 $0x108;
	_ =	swait.ge @!p0 [sflag:s8], $0x0  }
0x24: {  	s3 =	sadd.s32 $0x88, s3;
	s6 =	simm.s32 @!p1 $0x1082;
	[sflag:s4] =	ssyncset.s32 $0xFFFFF086  }
0x25: {  	[simem:s6], [sflag:s4] =	dma.local [hbm:s3], $0xF7A  }
0x26: {  	[smem:$0x3F8C] =	sst s1;
	(tag) =	ssettag s2;
	_ =	strace s9  }
0x27: {  	s1 =	sld [smem:$0x3F9C]  }
0x28: {  	s2 =	sld [smem:$0x3F9D]  }
0x29: {  	s4 =	sld [smem:$0x3F9F]  }
0x2a: {  	p0 =	seq.s32 s5, $0x0;
	s5 =	sld [smem:$0x3FA0]  }
0x2b: {  	s6 =	sld [smem:$0x3FA1]  }
0x2c: {  	s7 =	sld [smem:$0x3FA2]  }
0x2d: {  	s3 =	simm.s32 $0x108;
	s8 =	sld [smem:$0x3FA3]  }
0x2e: {  	s3 =	simm.s32 @!p0 $0x1082;
	s9 =	sld [smem:$0x3FA4]  }
0x2f: {  	lr =	sadd.s32 s0, s3;
	s0 =	sld [smem:$0x3F9B]  }
0x30: {  	s3 =	sld [smem:$0x3F9E]  }
0x31: {  	[smem:$0x3FA7] =	sst s10  }
0x32: {  	s10 =	sld [smem:$0x3FA5];
	_ =	sdelay $0x3  }
0x33: {  	p0 =	seq.s32 s10, $0x1;
	s10 =	sld [smem:$0x3FA7];
	_ =	sdelay $0x3  }
0x34: {  	[smem:$0x3FA7] =	sst s10  }
0x35: {  	s10 =	sld [smem:$0x3FA6];
	_ =	sdelay $0x3  }
0x36: {  	p1 =	seq.s32 s10, $0x1;
	s10 =	sld [smem:$0x3FA7];
	_ =	sdelay $0x3  }
0x37: {  	[smem:$0x3FA7] =	sst s10  }
0x38: {  	s10 =	sld [smem:$0x3FA8]  }
0x39: {  	_ = 	snop;
	(pc) =	sbr.ind lr, $3  }
0x3a: {  	_ = 	snop  }
0x3b: {  	_ = 	snop  }
0x3c: {  	p2 =	seq.s32 s10, $0x1;
	s10 =	sld [smem:$0x3FA7]  }
0x3d: {  	_ =	shalt  }
0x3e: {  	_ =	shalt  }
0x3f: {  	_ =	shalt  }
0x40: {  	_ =	shalt  }
0x41: {  	_ =	shalt  }
0x42: {  	_ =	shalt  }
0x43: {  	_ =	shalt  }
0x44: {  	_ =	shalt  }
0x45: {  	_ =	shalt  }
0x46: {  	_ =	shalt  }
0x47: {  	_ =	shalt  }
0x48: {  	_ =	shalt  }
0x49: {  	_ =	shalt  }
0x4a: {  	_ =	shalt  }
0x4b: {  	_ =	shalt  }
0x4c: {  	_ =	shalt  }
0x4d: {  	_ =	shalt  }
0x4e: {  	_ =	shalt  }
0x4f: {  	_ =	shalt  }
0x50: {  	_ =	shalt  }
0x51: {  	_ =	shalt  }
0x52: {  	_ =	shalt  }
0x53: {  	_ =	shalt  }
0x54: {  	_ =	shalt  }
0x55: {  	_ =	shalt  }
0x56: {  	_ =	shalt  }
0x57: {  	_ =	shalt  }
0x58: {  	_ =	shalt  }
0x59: {  	_ =	shalt  }
0x5a: {  	_ =	shalt  }
0x5b: {  	_ =	shalt  }
0x5c: {  	_ =	shalt  }
0x5d: {  	_ =	shalt  }
0x5e: {  	_ =	shalt  }
0x5f: {  	_ =	shalt  }
0x60: {  	_ =	shalt  }
0x61: {  	_ =	shalt  }
0x62: {  	_ =	shalt  }
0x63: {  	_ =	shalt  }
0x64: {  	_ =	shalt  }
0x65: {  	_ =	shalt  }
0x66: {  	_ =	shalt  }
0x67: {  	_ =	shalt  }
0x68: {  	_ =	shalt  }
0x69: {  	_ =	shalt  }
0x6a: {  	_ =	shalt  }
0x6b: {  	_ =	shalt  }
0x6c: {  	_ =	shalt  }
0x6d: {  	_ =	shalt  }
0x6e: {  	_ =	shalt  }
0x6f: {  	_ =	shalt  }
0x70: {  	_ =	shalt  }
0x71: {  	_ =	shalt  }
0x72: {  	_ =	shalt  }
0x73: {  	_ =	shalt  }
0x74: {  	_ =	shalt  }
0x75: {  	_ =	shalt  }
0x76: {  	_ =	shalt  }
0x77: {  	_ =	shalt  }
0x78: {  	_ =	shalt  }
0x79: {  	_ =	shalt  }
0x7a: {  	_ =	shalt  }
0x7b: {  	_ =	shalt  }
0x7c: {  	_ =	shalt  }
0x7d: {  	_ =	shalt  }
0x7e: {  	_ =	shalt  }
0x7f: {  	_ =	shalt  }
0x80: {  	_ =	shalt  }
0x81: {  	_ =	shalt  }
0x82: {  	_ =	shalt  }
0x83: {  	_ =	shalt  }
0x84: {  	_ =	shalt  }
0x85: {  	_ =	shalt  }
0x86: {  	_ =	shalt  }
0x87: {  	_ =	shalt  }
.Lfunc_end0:
.L_simem_size_0:
called_computation.1_lowered:
.L_overlay_start_0:
0x88: {  	s2 =	sld [smem:$0x3FD9]  }
0x89: {  	s3 =	sld [smem:$0x3FFE];
	_ =	sdelay $0x1  }
0x8a: {  	s1 =	srdreg.scid  }
0x8b: {  	s0 =	sand.u32 $0x1, s1  }
0x8c: {  	s16 =	sshll.u32 s0, $0xA;
	s2 =	sadd.s32 s3, s2  }
0x8d: {  	s2 =	sadd.s32 s2, s16  }
0x8e: {  	[smem:$0x3FB3] =	sst s2  }
0x8f: {  	_ = 	snop  }
0x90: {  	(tm) =	ssettm $0x1  }
0x91: {  	s17 =	sld [smem:$0x3FFB];
	_ =	sdelay $0x3  }
0x92: {  	_ =	strace s17  }
0x93: {  	s2 =	sld [smem:$0x3FFC];
	_ =	sdelay $0x3  }
0x94: {  	_ =	strace s2  }
0x95: {  	s2 =	sld [smem:$0x3FFD];
	_ =	sdelay $0x3  }
0x96: {  	_ =	strace s2  }
0x97: {  	_ =	strace $0x8FFFFFFF  }
0x98: {  	s18 =	sld [smem:$0x3FDB];
	_ =	sdelay $0x1  }
0x99: {  	s19 =	simm.s32 $_scs_section_size  }
0x9a: {  	s4 =	simm.s32 $_size__tile_overlayer_lowered;
	s5 =	simm.s32 $_tile_overlayer_lowered  }
0x9b: {  	s22 =	simm.s32 $0x1BFF;
	s21 =	sshll.u32 s5, $0x1;
	s2 =	sadd.s32 s19, s18  }
0x9c: {  	s6 =	simm.s32 $0x0;
	s20 =	sshll.u32 s4, $0x1;
	s4 =	sadd.s32 s21, s2  }
0x9d: {  	[timem:s6], [sflag:s22] =	dma.local [hbm:s4], s20  }
0x9e: {  	_ =	swait.ge [sflag:s22], s20  }
0x9f: {  	s3 =	ssub.s32 $0x0, s20;
	[sflag:s22] =	ssyncset.done $0x0  }
0xa0: {  	[sflag:s22] =	ssyncadd.s32 s3;
	_ =	sdelay $0x1  }
0xa1: {  	s23 =	simm.s32 $0x1B8B  }
0xa2: {  	_ =	swait.ge [sflag:s23], $0x1  }
0xa3: {  	[sflag:s23] =	ssyncset.done $0x0  }
0xa4: {  	s25 =	simm.s32 $0x1B8E;
	s24 =	sld [smem:$0x3FFE];
	[sflag:s23] =	ssyncadd.s32 $0xFFFFFFFF  }
0xa5: {  	s26 =	simm.s32 $execute0_lowered;
	[smem:$0x3FD2] =	sst s25  }
0xa6: {  	s4 =	sshll.u32 s26, $0x1;
	_ =	strace $0x80000049;
	[dreg:$0x1] =	wrdreg $0xFFFFFFFF  }
0xa7: {  	s28 =	simm.s32 $_size_execute0_lowered;
	s2 =	sadd.s32 s2, s4;
	[dreg:$0x0] =	wrdreg $0x0  }
0xa8: {  	s4 =	sshll.u32 s28, $0x1;
	[dreg:$0x2] =	wrdreg s2  }
0xa9: {  	[dreg:$0x3] =	wrdreg s4  }
0xaa: {  	[dreg:$0x4] =	wrdreg $0xC0  }
0xab: {  	_ =	task [dreg:s6], $0x5FFFF  }
0xac: {  	[dreg:$0x1] =	wrdreg $0xFFFFFFFF  }
0xad: {  	[dreg:$0x0] =	wrdreg $0x60  }
0xae: {  	[dreg:$0x2] =	wrdreg s24  }
0xaf: {  	[dreg:$0x3] =	wrdreg $0xAE400  }
0xb0: {  	[dreg:$0x4] =	wrdreg $0x9  }
0xb1: {  	_ =	task.clear_ibuf [dreg:s6], $0x5FFFF;
	_ =	strace $0x90000049  }
0xb2: {  	s29 =	simm.s32 $0x9;
	_ =	strace $0x8000004B  }
0xb3: {  	_ =	swait.ge [sflag:s29], $0x1  }
0xb4: {  	[sflag:s29] =	ssyncadd.s32 $0xFFFFFFFF  }
0xb5: {  	_ =	strace $0x9000004B  }
0xb6: {  	_ =	sfence  }
0xb7: {  	s30 =	sld [smem:$0x0];
	_ =	sdelay $0x2  }
0xb8: {  	s31 =	sshll.u32 s1, $0xD;
	s1 =	sshrl.u32 s1, $0x2  }
0xb9: {  	s3 =	sand.u32 $0x4000, s31;
	s1 =	sadd.s32 s1, s30  }
0xba: {  	s0 =	sor.u32 s3, s0;
	s1 =	sshll.u32 s1, $0x11  }
0xbb: {  	s0 =	sor.u32 s1, s0  }
0xbc: {  	s0 =	sadd.s32 $0x8F2B, s0  }
0xbd: {  	[sflag:s0] =	ssyncadd.remote.s32 $0x1  }
0xbe: {  	_ =	sfence.sel $0xFFFF  }
0xbf: {  	[dreg:$0x0] =	wrdreg $0xFFFFFFFF;
	(pc) =	sbr.abs _section_cstart, $3  }
0xc0: {  	[dreg:$0x1] =	wrdreg $0xFFFFFFFF  }
0xc1: {  	_ =	task.clear_ibuf [dreg:s6], $0x2FFFF;
	_ =	strace $0x9FFFFFFF  }
0xc2: {  	(tm) =	ssettm $0x7FFFFFFF  }
0xc3: {  	_ =	shalt  }
tec
execute0_lowered:
.L_overlay_start_1:
0x0: {  	(tag) =	ssettag $0x1  }
0x1: {  	s5 =	rddreg [dreg:$0x0];
	s1 =	srdreg.scid  }
0x2: {  	s0 =	stileid.u32;
	s2 =	rddreg [dreg:$0x1]  }
0x3: {  	s3 =	simm.s32 $0x0;
	s11 =	simm.s32 $0x2800;
	s12 =	simm.s32 $0x80  }
0x4: {  	s13 =	simm.s32 $0x5000;
	s14 =	simm.s32 $0x1;
	s6 =	sand.u32 $0x1, s1  }
0x5: {  	s4 =	sshll.u32 s0, $0x1;
	s1 =	rddreg [dreg:$0x2];
	s9 =	smul.u32 $0x4E40, s0  }
0x6: {  	[smem:$0x7FF] =	sst s3;
	s4 =	sor.u32 s6, s4;
	s8 =	smul.u32 $0x9C80, s6  }
0x7: {  	_ =	strace $0x8000004A;
	s6 =	ssub.s32 $0x2, s6;
	s7 =	smul.u32 $0x500, s4  }
0x8: {  	s4 =	sadd.s32 $0x40E00, s5;
	s31 =	sshrl.u32 s6, $0x1;
	s16 =	sshrl.u32 s9, $0x3  }
0x9: {  	s8 =	sadd.s32 s8, s5;
	s10 =	ssub.s32 s6, s31;
	s7 =	sadd.s32 s7, s5  }
0xa: {  	s5 =	sadd.s32 s9, s2;
	s15 =	sadd.s32 $0x4AC00, s8;
	s8 =	smax.u32 s10, $0x1  }
0xb: {  	s9 =	simm.s32 $0x6000;
	s10 =	simm.s32 $0x2;
	s6 =	sadd.s32 $0xFC00, s7  }
0xc: {  	v0 =	vimm.f32 $0.0e+00;
	s7 =	sadd.s32 $0x5C00, s7;
	s15 =	sadd.s32 s16, s15;
	s16 =	simm.s32 $0x0  }
.LBB2_1:
0xd: {  	s17 =	simm.s32 $0x80;
	s18 =	simm.s32 $0x0  }
.LBB2_2:
0xe: {  	p0 =	sne.s32 s17, $0x13880;
	[tilespmem:s18+$0x6000] =	vst v0;
	s19 =	smov.u32 s17;
	s17 =	sadd.s32 $0x80, s17  }
.Ltmp0:
0xf: {  	[tilespmem:s18+$0x6010] =	vst v0;
	(pc) =	sbr.rel @p0 .LBB2_2-.Ltmp0, $2  }
0x10: {  	_ =	sdelay $0x2  }
0x11: {  	s18 =	sshra.s32 s19, $0x2  }
0x12: {  	[tilespmem:s18+$0x6000] =	vst v0  }
0x13: {  	[tilespmem:s18+$0x6010] =	vst v0  }
0x14: {  	[spmem:s5] =	stream.linear.scatter [tilespmem:s9], [sflag:$0x2], $0x4E40, $0x38;
	[tilespmem:$0xFC80] =	vst v63  }
0x15: {  	_ =	swait.ge [sflag:s10], $0x4E40  }
0x16: {  	[sflag:s10] =	ssyncset.done $0x0  }
0x17: {  	s17 =	simm.s32 $0x0;
	[sflag:s10] =	ssyncadd.s32 $0xFFFFB1C0  }
0x18: {  	[tilespmem:s17], [sflag:$0x2] =	stream.linear.gather [hbm4b:s6+s17], $0x2800, $0x38;
	[tilespmem:$0xFC80] =	vst v63  }
0x19: {  	_ =	swait.ge [sflag:s10], $0x2800  }
0x1a: {  	[sflag:s10] =	ssyncset.done $0x0  }
0x1b: {  	[sflag:s10] =	ssyncadd.s32 $0xFFFFD800  }
0x1c: {  	[tilespmem:s11], [sflag:$0x2] =	stream.linear.gather [hbm4b:s7+s17], $0x2800, $0x38;
	[tilespmem:$0xFC80] =	vst v63  }
0x1d: {  	_ =	swait.ge [sflag:s10], $0x2800  }
0x1e: {  	[sflag:s10] =	ssyncset.done $0x0  }
0x1f: {  	[sflag:s10] =	ssyncadd.s32 $0xFFFFD800  }
0x20: {  	s30 =	simm.s32 $0x0;
	[bflag:$0x0] =	sbarrier.arrive $0xFFFF  }
0x21: {  	[tilespmem:s13], [sflag:$0x1] =	stream.indirect.gather [hbm4b:s4+s12], $0x20, s30, s12, $0xb8;
	[tilespmem:$0xFC80] =	vst v63  }
0x22: {  	_ =	swait.ge [sflag:s14], $0x1000  }
0x23: {  	[sflag:s14] =	ssyncset.done $0x0  }
0x24: {  	s31 =	simm.s32 $0x2800;
	[sflag:s14] =	ssyncadd.s32 $0xFFFFF000  }
0x25: {  	[spmem:s2] =	stream.indirect.scatter.add.f32 [tilespmem:s13], [sflag:$0x2], $0x20, s31, s12, $0xb8;
	[tilespmem:$0xFC80] =	vst v63  }
0x26: {  	_ =	swait.ge [sflag:s10], $0x1000  }
0x27: {  	s18 =	simm.s32 $0x400;
	s17 =	simm.s32 $0x200;
	[sflag:s10] =	ssyncset.done $0x0  }
.LBB2_4:
0x28: {  	s19 =	sshra.s32 s17, $0x2  }
0x29: {  	[sflag:s10] =	ssyncadd.s32 $0xFFFFF000;
	s17 =	smov.u32 s18;
	s20 =	sadd.s32 $0x200, s18  }
0x2a: {  	[tilespmem:s13], [sflag:$0x1] =	stream.indirect.gather [hbm4b:s4+s12], $0x20, s19, s12, $0xb8;
	[tilespmem:$0xFC80] =	vst v63  }
0x2b: {  	p0 =	sne.s32 s18, $0x9E00;
	_ =	swait.ge [sflag:s14], $0x1000  }
.Ltmp1:
0x2c: {  	[sflag:s14] =	ssyncset.done $0x0;
	(pc) =	sbr.rel @p0 .LBB2_4-.Ltmp1, $4  }
0x2d: {  	s18 =	sadd.s32 $0x2800, s19;
	[sflag:s14] =	ssyncadd.s32 $0xFFFFF000  }
0x2e: {  	[spmem:s2] =	stream.indirect.scatter.add.f32 [tilespmem:s13], [sflag:$0x2], $0x20, s18, s12, $0xb8;
	[tilespmem:$0xFC80] =	vst v63  }
0x2f: {  	_ =	swait.ge [sflag:s10], $0x1000  }
0x30: {  	s18 =	smov.u32 s20;
	[sflag:s10] =	ssyncset.done $0x0  }
0x31: {  	s17 =	sshra.s32 s17, $0x2;
	[sflag:s10] =	ssyncadd.s32 $0xFFFFF000  }
0x32: {  	[tilespmem:s13], [sflag:$0x1] =	stream.indirect.gather [hbm4b:s4+s12], $0x20, s17, s12, $0xb8;
	[tilespmem:$0xFC80] =	vst v63  }
0x33: {  	_ =	swait.ge [sflag:s14], $0x1000  }
0x34: {  	[sflag:s14] =	ssyncset.done $0x0  }
0x35: {  	s17 =	sadd.s32 $0x2800, s17;
	[sflag:s14] =	ssyncadd.s32 $0xFFFFF000  }
0x36: {  	[spmem:s2] =	stream.indirect.scatter.add.f32 [tilespmem:s13], [sflag:$0x2], $0x20, s17, s12, $0xb8;
	[tilespmem:$0xFC80] =	vst v63  }
0x37: {  	_ =	swait.ge [sflag:s10], $0x1000  }
0x38: {  	[sflag:s10] =	ssyncset.done $0x0  }
0x39: {  	[sflag:s10] =	ssyncadd.s32 $0xFFFFF000  }
0x3a: {  	[bflag:$0x0] =	sbarrier.arrive $0xFFFF  }
0x3b: {  	[tilespmem:s9], [sflag:$0x2] =	stream.linear.gather [spmem:s5], $0x4E40, $0x38;
	[tilespmem:$0xFC80] =	vst v63  }
0x3c: {  	s16 =	sadd.s32 $0x1, s16;
	_ =	swait.ge [sflag:s10], $0x4E40  }
0x3d: {  	p0 =	sne.s32 s16, s8;
	[sflag:s10] =	ssyncset.done $0x0  }
.Ltmp2:
0x3e: {  	[sflag:s10] =	ssyncadd.s32 $0xFFFFB1C0;
	(pc) =	sbr.rel @p0 .LBB2_1-.Ltmp2, $4  }
0x3f: {  	[hbm4b:s15+s3] =	stream.linear.scatter [tilespmem:s9], [sflag:$0x2], $0x4E40, $0x38;
	[tilespmem:$0xFC80] =	vst v63  }
0x40: {  	_ =	swait.ge [sflag:s10], $0x4E40  }
0x41: {  	[sflag:s10] =	ssyncset.done $0x0  }
0x42: {  	[sflag:s10] =	ssyncadd.s32 $0xFFFFB1C0  }
0x43: {  	_ =	sfence.sel $0x180000  }
0x44: {  	[bflag:$0x0] =	sbarrier.arrive $0xFFFF  }
0x45: {  	p0 =	sne.s32 s0, $0x0;
	_ =	strace $0x9000004A  }
0x46: {  	s0 =	sadd.s32 @!p0 $0x100000, s1;
	[bflag:$0x2] =	sbarrier.arrive $0xFFFF  }
0x47: {  	[sflag:s0] =	ssyncadd.tile.s32 @!p0 $0x1;
	_ =	shalt  }
.Lfunc_end2:
_tile_overlayer_lowered:
.L_overlay_start_2:
0x48: {  	(tag) =	ssettag $0x2  }
0x49: {  	s0 =	rddreg [dreg:$0x0];
	s2 =	stileid.u32  }
0x4a: {  	s1 =	rddreg [dreg:$0x1];
	p0 =	sne.s32 s2, $0x0  }
0x4b: {  	s3 =	rddreg [dreg:$0x2];
	[bflag:$0x3] =	sbarrier.arrive $0xFFFF;
	s2 =	simm.s32 @!p0 $0x1C02  }
0x4c: {  	[timem:s3], [sflag:s2] =	dma.local @!p0 [hbm:s0], s1  }
0x4d: {  	s0 =	simm.s32 @!p0 $0x2  }
0x4e: {  	_ =	swait.ge @!p0 [sflag:s0], s1  }
0x4f: {  	s1 =	ssub.s32 @!p0 $0x0, s1;
	[sflag:s0] =	ssyncset.done @!p0 $0x0  }
0x50: {  	[sflag:s0] =	ssyncadd.s32 @!p0 s1  }
0x51: {  	[bflag:$0x3] =	sbarrier.arrive $0xFFFF  }
0x52: {  	_ =	shalt  }

// kernel: kernel.23.cloned.1.call-start
scs
__scs_entry_jumppad:
0x0: {  	(pc) =	sbr.rel $0x88, $3  }
0x1: {  	(tag) =	ssettag $0x0;
	lr =	simm.s32 $0x1  }
0x2: {  	[smem:$0x3F8C] =	sst lr;
	_ =	strace $0xD0000000  }
0x3: {  	_ = 	snop  }
0x4: {  	_ = 	snop  }
0x5: {  	_ = 	snop  }
0x6: {  	_ = 	snop  }
0x7: {  	_ = 	snop  }
__scs_overlays_trampoline_lowered:
0x8: {  	[smem:$0x3F9B] =	sst s0  }
0x9: {  	[smem:$0x3F9C] =	sst s1  }
0xa: {  	[smem:$0x3F9D] =	sst s2  }
0xb: {  	[smem:$0x3F9E] =	sst s3  }
0xc: {  	[smem:$0x3F9F] =	sst s4  }
0xd: {  	[smem:$0x3FA0] =	sst s5  }
0xe: {  	[smem:$0x3FA1] =	sst s6  }
0xf: {  	[smem:$0x3FA2] =	sst s7  }
0x10: {  	[smem:$0x3FA3] =	sst s8  }
0x11: {  	[smem:$0x3FA4] =	sst s9;
	s0 =	simm.s32 @!p0 $0x0  }
0x12: {  	s1 =	sld [smem:$0x3F8A];
	s0 =	simm.s32 @p0 $0x1  }
0x13: {  	[smem:$0x3FA5] =	sst s0;
	s0 =	simm.s32 @!p1 $0x0  }
0x14: {  	s2 =	sld [smem:$0x3F89];
	s0 =	simm.s32 @p1 $0x1  }
0x15: {  	[smem:$0x3FA6] =	sst s0;
	s0 =	simm.s32 @!p2 $0x0  }
0x16: {  	s3 =	sld [smem:$0x3FDB];
	s0 =	simm.s32 @p2 $0x1  }
0x17: {  	s4 =	simm.s32 $0x1BF5;
	[smem:$0x3FA8] =	sst s0  }
0x18: {  	s0 =	sld [smem:$0x3F8B];
	_ =	swait.ge [sflag:s4], $0x0  }
0x19: {  	s7 =	sld [smem:$0x3F8C]  }
0x1a: {  	s8 =	sadd.s32 $0xFFFFE003, lr  }
0x1b: {  	s9 =	sadd.s32 $0xFFFFFEF7, lr;
	s5 =	simm.s32 $0xFFFFFFFF;
	p2 =	slt.u32 s8, $0xFFFFF086  }
0x1c: {  	p1 =	slt.u32 s9, $0xF7A;
	s5 =	simm.s32 @!p2 $0x0  }
0x1d: {  	s5 =	simm.s32 @p1 $0x1;
	p0 =	seq.s32 s7, s2  }
0x1e: {  	s7 =	smul.u32 @!p0 $0xF7A, s2;
	p2 =	seq.s32 @!p0 s5, $0x0  }
0x1f: {  	s9 =	smul.u32 $0xF7A, s1;
	s8 =	simm.s32 @!p0 $0x1BF5;
	p2 =	por !p2, p0  }
0x20: {  	[sflag:s8] =	ssyncset.s32 @!p0 $0xFFFFF086;
	s6 =	sadd.s32 @!p0 s3, s7;
	s7 =	simm.s32 @!p0 $0x108  }
0x21: {  	s3 =	sadd.s32 s3, s9;
	s6 =	sadd.s32 @!p0 $0x88, s6;
	s7 =	simm.s32 @p2 $0x1082  }
0x22: {  	[simem:s7], [sflag:s8] =	dma.local @!p0 [hbm:s6], $0xF7A  }
0x23: {  	s9 =	sor.u32 $0xD0000000, s2;
	s6 =	simm.s32 $0x108;
	_ =	swait.ge @!p0 [sflag:s8], $0x0  }
0x24: {  	s3 =	sadd.s32 $0x88, s3;
	s6 =	simm.s32 @!p1 $0x1082;
	[sflag:s4] =	ssyncset.s32 $0xFFFFF086  }
0x25: {  	[simem:s6], [sflag:s4] =	dma.local [hbm:s3], $0xF7A  }
0x26: {  	[smem:$0x3F8C] =	sst s1;
	(tag) =	ssettag s2;
	_ =	strace s9  }
0x27: {  	s1 =	sld [smem:$0x3F9C]  }
0x28: {  	s2 =	sld [smem:$0x3F9D]  }
0x29: {  	s4 =	sld [smem:$0x3F9F]  }
0x2a: {  	p0 =	seq.s32 s5, $0x0;
	s5 =	sld [smem:$0x3FA0]  }
0x2b: {  	s6 =	sld [smem:$0x3FA1]  }
0x2c: {  	s7 =	sld [smem:$0x3FA2]  }
0x2d: {  	s3 =	simm.s32 $0x108;
	s8 =	sld [smem:$0x3FA3]  }
0x2e: {  	s3 =	simm.s32 @!p0 $0x1082;
	s9 =	sld [smem:$0x3FA4]  }
0x2f: {  	lr =	sadd.s32 s0, s3;
	s0 =	sld [smem:$0x3F9B]  }
0x30: {  	s3 =	sld [smem:$0x3F9E]  }
0x31: {  	[smem:$0x3FA7] =	sst s10  }
0x32: {  	s10 =	sld [smem:$0x3FA5];
	_ =	sdelay $0x3  }
0x33: {  	p0 =	seq.s32 s10, $0x1;
	s10 =	sld [smem:$0x3FA7];
	_ =	sdelay $0x3  }
0x34: {  	[smem:$0x3FA7] =	sst s10  }
0x35: {  	s10 =	sld [smem:$0x3FA6];
	_ =	sdelay $0x3  }
0x36: {  	p1 =	seq.s32 s10, $0x1;
	s10 =	sld [smem:$0x3FA7];
	_ =	sdelay $0x3  }
0x37: {  	[smem:$0x3FA7] =	sst s10  }
0x38: {  	s10 =	sld [smem:$0x3FA8]  }
0x39: {  	_ = 	snop;
	(pc) =	sbr.ind lr, $3  }
0x3a: {  	_ = 	snop  }
0x3b: {  	_ = 	snop  }
0x3c: {  	p2 =	seq.s32 s10, $0x1;
	s10 =	sld [smem:$0x3FA7]  }
0x3d: {  	_ =	shalt  }
0x3e: {  	_ =	shalt  }
0x3f: {  	_ =	shalt  }
0x40: {  	_ =	shalt  }
0x41: {  	_ =	shalt  }
0x42: {  	_ =	shalt  }
0x43: {  	_ =	shalt  }
0x44: {  	_ =	shalt  }
0x45: {  	_ =	shalt  }
0x46: {  	_ =	shalt  }
0x47: {  	_ =	shalt  }
0x48: {  	_ =	shalt  }
0x49: {  	_ =	shalt  }
0x4a: {  	_ =	shalt  }
0x4b: {  	_ =	shalt  }
0x4c: {  	_ =	shalt  }
0x4d: {  	_ =	shalt  }
0x4e: {  	_ =	shalt  }
0x4f: {  	_ =	shalt  }
0x50: {  	_ =	shalt  }
0x51: {  	_ =	shalt  }
0x52: {  	_ =	shalt  }
0x53: {  	_ =	shalt  }
0x54: {  	_ =	shalt  }
0x55: {  	_ =	shalt  }
0x56: {  	_ =	shalt  }
0x57: {  	_ =	shalt  }
0x58: {  	_ =	shalt  }
0x59: {  	_ =	shalt  }
0x5a: {  	_ =	shalt  }
0x5b: {  	_ =	shalt  }
0x5c: {  	_ =	shalt  }
0x5d: {  	_ =	shalt  }
0x5e: {  	_ =	shalt  }
0x5f: {  	_ =	shalt  }
0x60: {  	_ =	shalt  }
0x61: {  	_ =	shalt  }
0x62: {  	_ =	shalt  }
0x63: {  	_ =	shalt  }
0x64: {  	_ =	shalt  }
0x65: {  	_ =	shalt  }
0x66: {  	_ =	shalt  }
0x67: {  	_ =	shalt  }
0x68: {  	_ =	shalt  }
0x69: {  	_ =	shalt  }
0x6a: {  	_ =	shalt  }
0x6b: {  	_ =	shalt  }
0x6c: {  	_ =	shalt  }
0x6d: {  	_ =	shalt  }
0x6e: {  	_ =	shalt  }
0x6f: {  	_ =	shalt  }
0x70: {  	_ =	shalt  }
0x71: {  	_ =	shalt  }
0x72: {  	_ =	shalt  }
0x73: {  	_ =	shalt  }
0x74: {  	_ =	shalt  }
0x75: {  	_ =	shalt  }
0x76: {  	_ =	shalt  }
0x77: {  	_ =	shalt  }
0x78: {  	_ =	shalt  }
0x79: {  	_ =	shalt  }
0x7a: {  	_ =	shalt  }
0x7b: {  	_ =	shalt  }
0x7c: {  	_ =	shalt  }
0x7d: {  	_ =	shalt  }
0x7e: {  	_ =	shalt  }
0x7f: {  	_ =	shalt  }
0x80: {  	_ =	shalt  }
0x81: {  	_ =	shalt  }
0x82: {  	_ =	shalt  }
0x83: {  	_ =	shalt  }
0x84: {  	_ =	shalt  }
0x85: {  	_ =	shalt  }
0x86: {  	_ =	shalt  }
0x87: {  	_ =	shalt  }
.Lfunc_end0:
.L_simem_size_0:
called_computation.2_lowered:
.L_overlay_start_0:
0x88: {  	s2 =	sld [smem:$0x3FD9]  }
0x89: {  	s3 =	sld [smem:$0x3FFE];
	_ =	sdelay $0x1  }
0x8a: {  	s1 =	srdreg.scid  }
0x8b: {  	s0 =	sand.u32 $0x1, s1  }
0x8c: {  	s16 =	sshll.u32 s0, $0xA;
	s2 =	sadd.s32 s3, s2  }
0x8d: {  	s2 =	sadd.s32 s2, s16  }
0x8e: {  	[smem:$0x3FB3] =	sst s2  }
0x8f: {  	_ = 	snop  }
0x90: {  	(tm) =	ssettm $0x1  }
0x91: {  	s17 =	sld [smem:$0x3FFB];
	_ =	sdelay $0x3  }
0x92: {  	_ =	strace s17  }
0x93: {  	s2 =	sld [smem:$0x3FFC];
	_ =	sdelay $0x3  }
0x94: {  	_ =	strace s2  }
0x95: {  	s2 =	sld [smem:$0x3FFD];
	_ =	sdelay $0x3  }
0x96: {  	_ =	strace s2  }
0x97: {  	_ =	strace $0x8FFFFFFF  }
0x98: {  	s18 =	sld [smem:$0x3FDB];
	_ =	sdelay $0x1  }
0x99: {  	s19 =	simm.s32 $_scs_section_size  }
0x9a: {  	s4 =	simm.s32 $_size__tile_overlayer_lowered;
	s5 =	simm.s32 $_tile_overlayer_lowered  }
0x9b: {  	s22 =	simm.s32 $0x1BFF;
	s21 =	sshll.u32 s5, $0x1;
	s2 =	sadd.s32 s19, s18  }
0x9c: {  	s6 =	simm.s32 $0x0;
	s20 =	sshll.u32 s4, $0x1;
	s4 =	sadd.s32 s21, s2  }
0x9d: {  	[timem:s6], [sflag:s22] =	dma.local [hbm:s4], s20  }
0x9e: {  	_ =	swait.ge [sflag:s22], s20  }
0x9f: {  	s3 =	ssub.s32 $0x0, s20;
	[sflag:s22] =	ssyncset.done $0x0  }
0xa0: {  	[sflag:s22] =	ssyncadd.s32 s3;
	_ =	sdelay $0x1  }
0xa1: {  	s23 =	simm.s32 $0x1B8B  }
0xa2: {  	_ =	swait.ge [sflag:s23], $0x1  }
0xa3: {  	[sflag:s23] =	ssyncset.done $0x0  }
0xa4: {  	s25 =	simm.s32 $0x1B8E;
	s24 =	sld [smem:$0x3FFE];
	[sflag:s23] =	ssyncadd.s32 $0xFFFFFFFF  }
0xa5: {  	s26 =	simm.s32 $execute0_lowered;
	[smem:$0x3FD2] =	sst s25  }
0xa6: {  	s4 =	sshll.u32 s26, $0x1;
	_ =	strace $0x8000004C;
	[dreg:$0x1] =	wrdreg $0xFFFFFFFF  }
0xa7: {  	s28 =	simm.s32 $_size_execute0_lowered;
	s2 =	sadd.s32 s2, s4;
	[dreg:$0x0] =	wrdreg $0x0  }
0xa8: {  	s4 =	sshll.u32 s28, $0x1;
	[dreg:$0x2] =	wrdreg s2  }
0xa9: {  	[dreg:$0x3] =	wrdreg s4  }
0xaa: {  	[dreg:$0x4] =	wrdreg $0xC0  }
0xab: {  	_ =	task [dreg:s6], $0x5FFFF  }
0xac: {  	[dreg:$0x1] =	wrdreg $0xFFFFFFFF  }
0xad: {  	[dreg:$0x0] =	wrdreg $0x60  }
0xae: {  	[dreg:$0x2] =	wrdreg s24  }
0xaf: {  	[dreg:$0x3] =	wrdreg $0xAE400  }
0xb0: {  	[dreg:$0x4] =	wrdreg $0x9  }
0xb1: {  	_ =	task.clear_ibuf [dreg:s6], $0x5FFFF;
	_ =	strace $0x9000004C  }
0xb2: {  	s29 =	simm.s32 $0x9;
	_ =	strace $0x8000004E  }
0xb3: {  	_ =	swait.ge [sflag:s29], $0x1  }
0xb4: {  	[sflag:s29] =	ssyncadd.s32 $0xFFFFFFFF  }
0xb5: {  	_ =	strace $0x9000004E  }
0xb6: {  	_ =	sfence  }
0xb7: {  	s30 =	sld [smem:$0x0];
	_ =	sdelay $0x2  }
0xb8: {  	s31 =	sshll.u32 s1, $0xD;
	s1 =	sshrl.u32 s1, $0x2  }
0xb9: {  	s3 =	sand.u32 $0x4000, s31;
	s1 =	sadd.s32 s1, s30  }
0xba: {  	s0 =	sor.u32 s3, s0;
	s1 =	sshll.u32 s1, $0x11  }
0xbb: {  	s0 =	sor.u32 s1, s0  }
0xbc: {  	s0 =	sadd.s32 $0x8F2B, s0  }
0xbd: {  	[sflag:s0] =	ssyncadd.remote.s32 $0x1  }
0xbe: {  	_ =	sfence.sel $0xFFFF  }
0xbf: {  	[dreg:$0x0] =	wrdreg $0xFFFFFFFF;
	(pc) =	sbr.abs _section_cstart, $3  }
0xc0: {  	[dreg:$0x1] =	wrdreg $0xFFFFFFFF  }
0xc1: {  	_ =	task.clear_ibuf [dreg:s6], $0x2FFFF;
	_ =	strace $0x9FFFFFFF  }
0xc2: {  	(tm) =	ssettm $0x7FFFFFFF  }
0xc3: {  	_ =	shalt  }
tec
execute0_lowered:
.L_overlay_start_1:
0x0: {  	(tag) =	ssettag $0x1  }
0x1: {  	s5 =	rddreg [dreg:$0x0];
	s1 =	srdreg.scid  }
0x2: {  	s0 =	stileid.u32;
	s2 =	rddreg [dreg:$0x1]  }
0x3: {  	s3 =	simm.s32 $0x0;
	s11 =	simm.s32 $0x2800;
	s12 =	simm.s32 $0x80  }
0x4: {  	s13 =	simm.s32 $0x5000;
	s14 =	simm.s32 $0x1;
	s6 =	sand.u32 $0x1, s1  }
0x5: {  	s4 =	sshll.u32 s0, $0x1;
	s1 =	rddreg [dreg:$0x2];
	s9 =	smul.u32 $0x4E40, s0  }
0x6: {  	[smem:$0x7FF] =	sst s3;
	s4 =	sor.u32 s6, s4;
	s8 =	smul.u32 $0x9C80, s6  }
0x7: {  	_ =	strace $0x8000004D;
	s6 =	ssub.s32 $0x2, s6;
	s7 =	smul.u32 $0x500, s4  }
0x8: {  	s4 =	sadd.s32 $0x68000, s5;
	s31 =	sshrl.u32 s6, $0x1;
	s16 =	sshrl.u32 s9, $0x3  }
0x9: {  	s8 =	sadd.s32 s8, s5;
	s10 =	ssub.s32 s6, s31;
	s7 =	sadd.s32 s7, s5  }
0xa: {  	s5 =	sadd.s32 s9, s2;
	s15 =	sadd.s32 $0x71E00, s8;
	s8 =	smax.u32 s10, $0x1  }
0xb: {  	s9 =	simm.s32 $0x6000;
	s10 =	simm.s32 $0x2;
	s6 =	sadd.s32 $0xFC00, s7  }
0xc: {  	v0 =	vimm.f32 $0.0e+00;
	s7 =	sadd.s32 $0x5C00, s7;
	s15 =	sadd.s32 s16, s15;
	s16 =	simm.s32 $0x0  }
.LBB2_1:
0xd: {  	s17 =	simm.s32 $0x80;
	s18 =	simm.s32 $0x0  }
.LBB2_2:
0xe: {  	p0 =	sne.s32 s17, $0x13880;
	[tilespmem:s18+$0x6000] =	vst v0;
	s19 =	smov.u32 s17;
	s17 =	sadd.s32 $0x80, s17  }
.Ltmp0:
0xf: {  	[tilespmem:s18+$0x6010] =	vst v0;
	(pc) =	sbr.rel @p0 .LBB2_2-.Ltmp0, $2  }
0x10: {  	_ =	sdelay $0x2  }
0x11: {  	s18 =	sshra.s32 s19, $0x2  }
0x12: {  	[tilespmem:s18+$0x6000] =	vst v0  }
0x13: {  	[tilespmem:s18+$0x6010] =	vst v0  }
0x14: {  	[spmem:s5] =	stream.linear.scatter [tilespmem:s9], [sflag:$0x2], $0x4E40, $0x38;
	[tilespmem:$0xFC80] =	vst v63  }
0x15: {  	_ =	swait.ge [sflag:s10], $0x4E40  }
0x16: {  	[sflag:s10] =	ssyncset.done $0x0  }
0x17: {  	s17 =	simm.s32 $0x0;
	[sflag:s10] =	ssyncadd.s32 $0xFFFFB1C0  }
0x18: {  	[tilespmem:s17], [sflag:$0x2] =	stream.linear.gather [hbm4b:s6+s17], $0x2800, $0x38;
	[tilespmem:$0xFC80] =	vst v63  }
0x19: {  	_ =	swait.ge [sflag:s10], $0x2800  }
0x1a: {  	[sflag:s10] =	ssyncset.done $0x0  }
0x1b: {  	[sflag:s10] =	ssyncadd.s32 $0xFFFFD800  }
0x1c: {  	[tilespmem:s11], [sflag:$0x2] =	stream.linear.gather [hbm4b:s7+s17], $0x2800, $0x38;
	[tilespmem:$0xFC80] =	vst v63  }
0x1d: {  	_ =	swait.ge [sflag:s10], $0x2800  }
0x1e: {  	[sflag:s10] =	ssyncset.done $0x0  }
0x1f: {  	[sflag:s10] =	ssyncadd.s32 $0xFFFFD800  }
0x20: {  	s30 =	simm.s32 $0x0;
	[bflag:$0x0] =	sbarrier.arrive $0xFFFF  }
0x21: {  	[tilespmem:s13], [sflag:$0x1] =	stream.indirect.gather [hbm4b:s4+s12], $0x20, s30, s12, $0xb8;
	[tilespmem:$0xFC80] =	vst v63  }
0x22: {  	_ =	swait.ge [sflag:s14], $0x1000  }
0x23: {  	[sflag:s14] =	ssyncset.done $0x0  }
0x24: {  	s31 =	simm.s32 $0x2800;
	[sflag:s14] =	ssyncadd.s32 $0xFFFFF000  }
0x25: {  	[spmem:s2] =	stream.indirect.scatter.add.f32 [tilespmem:s13], [sflag:$0x2], $0x20, s31, s12, $0xb8;
	[tilespmem:$0xFC80] =	vst v63  }
0x26: {  	_ =	swait.ge [sflag:s10], $0x1000  }
0x27: {  	s18 =	simm.s32 $0x400;
	s17 =	simm.s32 $0x200;
	[sflag:s10] =	ssyncset.done $0x0  }
.LBB2_4:
0x28: {  	s19 =	sshra.s32 s17, $0x2  }
0x29: {  	[sflag:s10] =	ssyncadd.s32 $0xFFFFF000;
	s17 =	smov.u32 s18;
	s20 =	sadd.s32 $0x200, s18  }
0x2a: {  	[tilespmem:s13], [sflag:$0x1] =	stream.indirect.gather [hbm4b:s4+s12], $0x20, s19, s12, $0xb8;
	[tilespmem:$0xFC80] =	vst v63  }
0x2b: {  	p0 =	sne.s32 s18, $0x9E00;
	_ =	swait.ge [sflag:s14], $0x1000  }
.Ltmp1:
0x2c: {  	[sflag:s14] =	ssyncset.done $0x0;
	(pc) =	sbr.rel @p0 .LBB2_4-.Ltmp1, $4  }
0x2d: {  	s18 =	sadd.s32 $0x2800, s19;
	[sflag:s14] =	ssyncadd.s32 $0xFFFFF000  }
0x2e: {  	[spmem:s2] =	stream.indirect.scatter.add.f32 [tilespmem:s13], [sflag:$0x2], $0x20, s18, s12, $0xb8;
	[tilespmem:$0xFC80] =	vst v63  }
0x2f: {  	_ =	swait.ge [sflag:s10], $0x1000  }
0x30: {  	s18 =	smov.u32 s20;
	[sflag:s10] =	ssyncset.done $0x0  }
0x31: {  	s17 =	sshra.s32 s17, $0x2;
	[sflag:s10] =	ssyncadd.s32 $0xFFFFF000  }
0x32: {  	[tilespmem:s13], [sflag:$0x1] =	stream.indirect.gather [hbm4b:s4+s12], $0x20, s17, s12, $0xb8;
	[tilespmem:$0xFC80] =	vst v63  }
0x33: {  	_ =	swait.ge [sflag:s14], $0x1000  }
0x34: {  	[sflag:s14] =	ssyncset.done $0x0  }
0x35: {  	s17 =	sadd.s32 $0x2800, s17;
	[sflag:s14] =	ssyncadd.s32 $0xFFFFF000  }
0x36: {  	[spmem:s2] =	stream.indirect.scatter.add.f32 [tilespmem:s13], [sflag:$0x2], $0x20, s17, s12, $0xb8;
	[tilespmem:$0xFC80] =	vst v63  }
0x37: {  	_ =	swait.ge [sflag:s10], $0x1000  }
0x38: {  	[sflag:s10] =	ssyncset.done $0x0  }
0x39: {  	[sflag:s10] =	ssyncadd.s32 $0xFFFFF000  }
0x3a: {  	[bflag:$0x0] =	sbarrier.arrive $0xFFFF  }
0x3b: {  	[tilespmem:s9], [sflag:$0x2] =	stream.linear.gather [spmem:s5], $0x4E40, $0x38;
	[tilespmem:$0xFC80] =	vst v63  }
0x3c: {  	s16 =	sadd.s32 $0x1, s16;
	_ =	swait.ge [sflag:s10], $0x4E40  }
0x3d: {  	p0 =	sne.s32 s16, s8;
	[sflag:s10] =	ssyncset.done $0x0  }
.Ltmp2:
0x3e: {  	[sflag:s10] =	ssyncadd.s32 $0xFFFFB1C0;
	(pc) =	sbr.rel @p0 .LBB2_1-.Ltmp2, $4  }
0x3f: {  	[hbm4b:s15+s3] =	stream.linear.scatter [tilespmem:s9], [sflag:$0x2], $0x4E40, $0x38;
	[tilespmem:$0xFC80] =	vst v63  }
0x40: {  	_ =	swait.ge [sflag:s10], $0x4E40  }
0x41: {  	[sflag:s10] =	ssyncset.done $0x0  }
0x42: {  	[sflag:s10] =	ssyncadd.s32 $0xFFFFB1C0  }
0x43: {  	_ =	sfence.sel $0x180000  }
0x44: {  	[bflag:$0x0] =	sbarrier.arrive $0xFFFF  }
0x45: {  	p0 =	sne.s32 s0, $0x0;
	_ =	strace $0x9000004D  }
0x46: {  	s0 =	sadd.s32 @!p0 $0x100000, s1;
	[bflag:$0x2] =	sbarrier.arrive $0xFFFF  }
0x47: {  	[sflag:s0] =	ssyncadd.tile.s32 @!p0 $0x1;
	_ =	shalt  }
.Lfunc_end2:
_tile_overlayer_lowered:
.L_overlay_start_2:
0x48: {  	(tag) =	ssettag $0x2  }
0x49: {  	s0 =	rddreg [dreg:$0x0];
	s2 =	stileid.u32  }
0x4a: {  	s1 =	rddreg [dreg:$0x1];
	p0 =	sne.s32 s2, $0x0  }
0x4b: {  	s3 =	rddreg [dreg:$0x2];
	[bflag:$0x3] =	sbarrier.arrive $0xFFFF;
	s2 =	simm.s32 @!p0 $0x1C02  }
0x4c: {  	[timem:s3], [sflag:s2] =	dma.local @!p0 [hbm:s0], s1  }
0x4d: {  	s0 =	simm.s32 @!p0 $0x2  }
0x4e: {  	_ =	swait.ge @!p0 [sflag:s0], s1  }
0x4f: {  	s1 =	ssub.s32 @!p0 $0x0, s1;
	[sflag:s0] =	ssyncset.done @!p0 $0x0  }
0x50: {  	[sflag:s0] =	ssyncadd.s32 @!p0 s1  }
0x51: {  	[bflag:$0x3] =	sbarrier.arrive $0xFFFF  }
0x52: {  	_ =	shalt  }

// kernel: kernel.26.cloned.1.call-start
scs
__scs_entry_jumppad:
0x0: {  	(pc) =	sbr.rel $0x88, $3  }
0x1: {  	(tag) =	ssettag $0x0;
	lr =	simm.s32 $0x1  }
0x2: {  	[smem:$0x3F8C] =	sst lr;
	_ =	strace $0xD0000000  }
0x3: {  	_ = 	snop  }
0x4: {  	_ = 	snop  }
0x5: {  	_ = 	snop  }
0x6: {  	_ = 	snop  }
0x7: {  	_ = 	snop  }
__scs_overlays_trampoline_lowered:
0x8: {  	[smem:$0x3F9B] =	sst s0  }
0x9: {  	[smem:$0x3F9C] =	sst s1  }
0xa: {  	[smem:$0x3F9D] =	sst s2  }
0xb: {  	[smem:$0x3F9E] =	sst s3  }
0xc: {  	[smem:$0x3F9F] =	sst s4  }
0xd: {  	[smem:$0x3FA0] =	sst s5  }
0xe: {  	[smem:$0x3FA1] =	sst s6  }
0xf: {  	[smem:$0x3FA2] =	sst s7  }
0x10: {  	[smem:$0x3FA3] =	sst s8  }
0x11: {  	[smem:$0x3FA4] =	sst s9;
	s0 =	simm.s32 @!p0 $0x0  }
0x12: {  	s1 =	sld [smem:$0x3F8A];
	s0 =	simm.s32 @p0 $0x1  }
0x13: {  	[smem:$0x3FA5] =	sst s0;
	s0 =	simm.s32 @!p1 $0x0  }
0x14: {  	s2 =	sld [smem:$0x3F89];
	s0 =	simm.s32 @p1 $0x1  }
0x15: {  	[smem:$0x3FA6] =	sst s0;
	s0 =	simm.s32 @!p2 $0x0  }
0x16: {  	s3 =	sld [smem:$0x3FDB];
	s0 =	simm.s32 @p2 $0x1  }
0x17: {  	s4 =	simm.s32 $0x1BF5;
	[smem:$0x3FA8] =	sst s0  }
0x18: {  	s0 =	sld [smem:$0x3F8B];
	_ =	swait.ge [sflag:s4], $0x0  }
0x19: {  	s7 =	sld [smem:$0x3F8C]  }
0x1a: {  	s8 =	sadd.s32 $0xFFFFE003, lr  }
0x1b: {  	s9 =	sadd.s32 $0xFFFFFEF7, lr;
	s5 =	simm.s32 $0xFFFFFFFF;
	p2 =	slt.u32 s8, $0xFFFFF086  }
0x1c: {  	p1 =	slt.u32 s9, $0xF7A;
	s5 =	simm.s32 @!p2 $0x0  }
0x1d: {  	s5 =	simm.s32 @p1 $0x1;
	p0 =	seq.s32 s7, s2  }
0x1e: {  	s7 =	smul.u32 @!p0 $0xF7A, s2;
	p2 =	seq.s32 @!p0 s5, $0x0  }
0x1f: {  	s9 =	smul.u32 $0xF7A, s1;
	s8 =	simm.s32 @!p0 $0x1BF5;
	p2 =	por !p2, p0  }
0x20: {  	[sflag:s8] =	ssyncset.s32 @!p0 $0xFFFFF086;
	s6 =	sadd.s32 @!p0 s3, s7;
	s7 =	simm.s32 @!p0 $0x108  }
0x21: {  	s3 =	sadd.s32 s3, s9;
	s6 =	sadd.s32 @!p0 $0x88, s6;
	s7 =	simm.s32 @p2 $0x1082  }
0x22: {  	[simem:s7], [sflag:s8] =	dma.local @!p0 [hbm:s6], $0xF7A  }
0x23: {  	s9 =	sor.u32 $0xD0000000, s2;
	s6 =	simm.s32 $0x108;
	_ =	swait.ge @!p0 [sflag:s8], $0x0  }
0x24: {  	s3 =	sadd.s32 $0x88, s3;
	s6 =	simm.s32 @!p1 $0x1082;
	[sflag:s4] =	ssyncset.s32 $0xFFFFF086  }
0x25: {  	[simem:s6], [sflag:s4] =	dma.local [hbm:s3], $0xF7A  }
0x26: {  	[smem:$0x3F8C] =	sst s1;
	(tag) =	ssettag s2;
	_ =	strace s9  }
0x27: {  	s1 =	sld [smem:$0x3F9C]  }
0x28: {  	s2 =	sld [smem:$0x3F9D]  }
0x29: {  	s4 =	sld [smem:$0x3F9F]  }
0x2a: {  	p0 =	seq.s32 s5, $0x0;
	s5 =	sld [smem:$0x3FA0]  }
0x2b: {  	s6 =	sld [smem:$0x3FA1]  }
0x2c: {  	s7 =	sld [smem:$0x3FA2]  }
0x2d: {  	s3 =	simm.s32 $0x108;
	s8 =	sld [smem:$0x3FA3]  }
0x2e: {  	s3 =	simm.s32 @!p0 $0x1082;
	s9 =	sld [smem:$0x3FA4]  }
0x2f: {  	lr =	sadd.s32 s0, s3;
	s0 =	sld [smem:$0x3F9B]  }
0x30: {  	s3 =	sld [smem:$0x3F9E]  }
0x31: {  	[smem:$0x3FA7] =	sst s10  }
0x32: {  	s10 =	sld [smem:$0x3FA5];
	_ =	sdelay $0x3  }
0x33: {  	p0 =	seq.s32 s10, $0x1;
	s10 =	sld [smem:$0x3FA7];
	_ =	sdelay $0x3  }
0x34: {  	[smem:$0x3FA7] =	sst s10  }
0x35: {  	s10 =	sld [smem:$0x3FA6];
	_ =	sdelay $0x3  }
0x36: {  	p1 =	seq.s32 s10, $0x1;
	s10 =	sld [smem:$0x3FA7];
	_ =	sdelay $0x3  }
0x37: {  	[smem:$0x3FA7] =	sst s10  }
0x38: {  	s10 =	sld [smem:$0x3FA8]  }
0x39: {  	_ = 	snop;
	(pc) =	sbr.ind lr, $3  }
0x3a: {  	_ = 	snop  }
0x3b: {  	_ = 	snop  }
0x3c: {  	p2 =	seq.s32 s10, $0x1;
	s10 =	sld [smem:$0x3FA7]  }
0x3d: {  	_ =	shalt  }
0x3e: {  	_ =	shalt  }
0x3f: {  	_ =	shalt  }
0x40: {  	_ =	shalt  }
0x41: {  	_ =	shalt  }
0x42: {  	_ =	shalt  }
0x43: {  	_ =	shalt  }
0x44: {  	_ =	shalt  }
0x45: {  	_ =	shalt  }
0x46: {  	_ =	shalt  }
0x47: {  	_ =	shalt  }
0x48: {  	_ =	shalt  }
0x49: {  	_ =	shalt  }
0x4a: {  	_ =	shalt  }
0x4b: {  	_ =	shalt  }
0x4c: {  	_ =	shalt  }
0x4d: {  	_ =	shalt  }
0x4e: {  	_ =	shalt  }
0x4f: {  	_ =	shalt  }
0x50: {  	_ =	shalt  }
0x51: {  	_ =	shalt  }
0x52: {  	_ =	shalt  }
0x53: {  	_ =	shalt  }
0x54: {  	_ =	shalt  }
0x55: {  	_ =	shalt  }
0x56: {  	_ =	shalt  }
0x57: {  	_ =	shalt  }
0x58: {  	_ =	shalt  }
0x59: {  	_ =	shalt  }
0x5a: {  	_ =	shalt  }
0x5b: {  	_ =	shalt  }
0x5c: {  	_ =	shalt  }
0x5d: {  	_ =	shalt  }
0x5e: {  	_ =	shalt  }
0x5f: {  	_ =	shalt  }
0x60: {  	_ =	shalt  }
0x61: {  	_ =	shalt  }
0x62: {  	_ =	shalt  }
0x63: {  	_ =	shalt  }
0x64: {  	_ =	shalt  }
0x65: {  	_ =	shalt  }
0x66: {  	_ =	shalt  }
0x67: {  	_ =	shalt  }
0x68: {  	_ =	shalt  }
0x69: {  	_ =	shalt  }
0x6a: {  	_ =	shalt  }
0x6b: {  	_ =	shalt  }
0x6c: {  	_ =	shalt  }
0x6d: {  	_ =	shalt  }
0x6e: {  	_ =	shalt  }
0x6f: {  	_ =	shalt  }
0x70: {  	_ =	shalt  }
0x71: {  	_ =	shalt  }
0x72: {  	_ =	shalt  }
0x73: {  	_ =	shalt  }
0x74: {  	_ =	shalt  }
0x75: {  	_ =	shalt  }
0x76: {  	_ =	shalt  }
0x77: {  	_ =	shalt  }
0x78: {  	_ =	shalt  }
0x79: {  	_ =	shalt  }
0x7a: {  	_ =	shalt  }
0x7b: {  	_ =	shalt  }
0x7c: {  	_ =	shalt  }
0x7d: {  	_ =	shalt  }
0x7e: {  	_ =	shalt  }
0x7f: {  	_ =	shalt  }
0x80: {  	_ =	shalt  }
0x81: {  	_ =	shalt  }
0x82: {  	_ =	shalt  }
0x83: {  	_ =	shalt  }
0x84: {  	_ =	shalt  }
0x85: {  	_ =	shalt  }
0x86: {  	_ =	shalt  }
0x87: {  	_ =	shalt  }
.Lfunc_end0:
.L_simem_size_0:
called_computation.3_lowered:
.L_overlay_start_0:
0x88: {  	s2 =	sld [smem:$0x3FD9]  }
0x89: {  	s3 =	sld [smem:$0x3FFE];
	_ =	sdelay $0x1  }
0x8a: {  	s1 =	srdreg.scid  }
0x8b: {  	s0 =	sand.u32 $0x1, s1  }
0x8c: {  	s16 =	sshll.u32 s0, $0xA;
	s2 =	sadd.s32 s3, s2  }
0x8d: {  	s2 =	sadd.s32 s2, s16  }
0x8e: {  	[smem:$0x3FB3] =	sst s2  }
0x8f: {  	_ = 	snop  }
0x90: {  	(tm) =	ssettm $0x1  }
0x91: {  	s17 =	sld [smem:$0x3FFB];
	_ =	sdelay $0x3  }
0x92: {  	_ =	strace s17  }
0x93: {  	s2 =	sld [smem:$0x3FFC];
	_ =	sdelay $0x3  }
0x94: {  	_ =	strace s2  }
0x95: {  	s2 =	sld [smem:$0x3FFD];
	_ =	sdelay $0x3  }
0x96: {  	_ =	strace s2  }
0x97: {  	_ =	strace $0x8FFFFFFF  }
0x98: {  	s18 =	sld [smem:$0x3FDB];
	_ =	sdelay $0x1  }
0x99: {  	s19 =	simm.s32 $_scs_section_size  }
0x9a: {  	s4 =	simm.s32 $_size__tile_overlayer_lowered;
	s5 =	simm.s32 $_tile_overlayer_lowered  }
0x9b: {  	s22 =	simm.s32 $0x1BFF;
	s21 =	sshll.u32 s5, $0x1;
	s2 =	sadd.s32 s19, s18  }
0x9c: {  	s6 =	simm.s32 $0x0;
	s20 =	sshll.u32 s4, $0x1;
	s4 =	sadd.s32 s21, s2  }
0x9d: {  	[timem:s6], [sflag:s22] =	dma.local [hbm:s4], s20  }
0x9e: {  	_ =	swait.ge [sflag:s22], s20  }
0x9f: {  	s3 =	ssub.s32 $0x0, s20;
	[sflag:s22] =	ssyncset.done $0x0  }
0xa0: {  	[sflag:s22] =	ssyncadd.s32 s3;
	_ =	sdelay $0x1  }
0xa1: {  	s23 =	simm.s32 $0x1B8B  }
0xa2: {  	_ =	swait.ge [sflag:s23], $0x1  }
0xa3: {  	[sflag:s23] =	ssyncset.done $0x0  }
0xa4: {  	s25 =	simm.s32 $0x1B8E;
	s24 =	sld [smem:$0x3FFE];
	[sflag:s23] =	ssyncadd.s32 $0xFFFFFFFF  }
0xa5: {  	s26 =	simm.s32 $execute0_lowered;
	[smem:$0x3FD2] =	sst s25  }
0xa6: {  	s4 =	sshll.u32 s26, $0x1;
	_ =	strace $0x8000004F;
	[dreg:$0x1] =	wrdreg $0xFFFFFFFF  }
0xa7: {  	s28 =	simm.s32 $_size_execute0_lowered;
	s2 =	sadd.s32 s2, s4;
	[dreg:$0x0] =	wrdreg $0x0  }
0xa8: {  	s4 =	sshll.u32 s28, $0x1;
	[dreg:$0x2] =	wrdreg s2  }
0xa9: {  	[dreg:$0x3] =	wrdreg s4  }
0xaa: {  	[dreg:$0x4] =	wrdreg $0xC0  }
0xab: {  	_ =	task [dreg:s6], $0x5FFFF  }
0xac: {  	[dreg:$0x1] =	wrdreg $0xFFFFFFFF  }
0xad: {  	[dreg:$0x0] =	wrdreg $0x60  }
0xae: {  	[dreg:$0x2] =	wrdreg s24  }
0xaf: {  	[dreg:$0x3] =	wrdreg $0xAE400  }
0xb0: {  	[dreg:$0x4] =	wrdreg $0x9  }
0xb1: {  	_ =	task.clear_ibuf [dreg:s6], $0x5FFFF;
	_ =	strace $0x9000004F  }
0xb2: {  	s29 =	simm.s32 $0x9;
	_ =	strace $0x80000051  }
0xb3: {  	_ =	swait.ge [sflag:s29], $0x1  }
0xb4: {  	[sflag:s29] =	ssyncadd.s32 $0xFFFFFFFF  }
0xb5: {  	_ =	strace $0x90000051  }
0xb6: {  	_ =	sfence  }
0xb7: {  	s30 =	sld [smem:$0x0];
	_ =	sdelay $0x2  }
0xb8: {  	s31 =	sshll.u32 s1, $0xD;
	s1 =	sshrl.u32 s1, $0x2  }
0xb9: {  	s3 =	sand.u32 $0x4000, s31;
	s1 =	sadd.s32 s1, s30  }
0xba: {  	s0 =	sor.u32 s3, s0;
	s1 =	sshll.u32 s1, $0x11  }
0xbb: {  	s0 =	sor.u32 s1, s0  }
0xbc: {  	s0 =	sadd.s32 $0x8F2B, s0  }
0xbd: {  	[sflag:s0] =	ssyncadd.remote.s32 $0x1  }
0xbe: {  	_ =	sfence.sel $0xFFFF  }
0xbf: {  	[dreg:$0x0] =	wrdreg $0xFFFFFFFF;
	(pc) =	sbr.abs _section_cstart, $3  }
0xc0: {  	[dreg:$0x1] =	wrdreg $0xFFFFFFFF  }
0xc1: {  	_ =	task.clear_ibuf [dreg:s6], $0x2FFFF;
	_ =	strace $0x9FFFFFFF  }
0xc2: {  	(tm) =	ssettm $0x7FFFFFFF  }
0xc3: {  	_ =	shalt  }
tec
execute0_lowered:
.L_overlay_start_1:
0x0: {  	(tag) =	ssettag $0x1  }
0x1: {  	s5 =	rddreg [dreg:$0x0];
	s1 =	srdreg.scid  }
0x2: {  	s0 =	stileid.u32;
	s2 =	rddreg [dreg:$0x1]  }
0x3: {  	s3 =	simm.s32 $0x0;
	s11 =	simm.s32 $0x2800;
	s12 =	simm.s32 $0x80  }
0x4: {  	s13 =	simm.s32 $0x5000;
	s14 =	simm.s32 $0x1;
	s6 =	sand.u32 $0x1, s1  }
0x5: {  	s4 =	sshll.u32 s0, $0x1;
	s1 =	rddreg [dreg:$0x2];
	s9 =	smul.u32 $0x4E40, s0  }
0x6: {  	[smem:$0x7FF] =	sst s3;
	s4 =	sor.u32 s6, s4;
	s8 =	smul.u32 $0x9C80, s6  }
0x7: {  	_ =	strace $0x80000050;
	s6 =	ssub.s32 $0x2, s6;
	s7 =	smul.u32 $0x500, s4  }
0x8: {  	s4 =	sadd.s32 $0x8F200, s5;
	s31 =	sshrl.u32 s6, $0x1;
	s16 =	sshrl.u32 s9, $0x3  }
0x9: {  	s8 =	sadd.s32 s8, s5;
	s10 =	ssub.s32 s6, s31;
	s7 =	sadd.s32 s7, s5  }
0xa: {  	s5 =	sadd.s32 s9, s2;
	s15 =	sadd.s32 $0x99000, s8;
	s8 =	smax.u32 s10, $0x1  }
0xb: {  	s9 =	simm.s32 $0x6000;
	s10 =	simm.s32 $0x2;
	s6 =	sadd.s32 $0xFC00, s7  }
0xc: {  	v0 =	vimm.f32 $0.0e+00;
	s7 =	sadd.s32 $0x5C00, s7;
	s15 =	sadd.s32 s16, s15;
	s16 =	simm.s32 $0x0  }
.LBB2_1:
0xd: {  	s17 =	simm.s32 $0x80;
	s18 =	simm.s32 $0x0  }
.LBB2_2:
0xe: {  	p0 =	sne.s32 s17, $0x13880;
	[tilespmem:s18+$0x6000] =	vst v0;
	s19 =	smov.u32 s17;
	s17 =	sadd.s32 $0x80, s17  }
.Ltmp0:
0xf: {  	[tilespmem:s18+$0x6010] =	vst v0;
	(pc) =	sbr.rel @p0 .LBB2_2-.Ltmp0, $2  }
0x10: {  	_ =	sdelay $0x2  }
0x11: {  	s18 =	sshra.s32 s19, $0x2  }
0x12: {  	[tilespmem:s18+$0x6000] =	vst v0  }
0x13: {  	[tilespmem:s18+$0x6010] =	vst v0  }
0x14: {  	[spmem:s5] =	stream.linear.scatter [tilespmem:s9], [sflag:$0x2], $0x4E40, $0x38;
	[tilespmem:$0xFC80] =	vst v63  }
0x15: {  	_ =	swait.ge [sflag:s10], $0x4E40  }
0x16: {  	[sflag:s10] =	ssyncset.done $0x0  }
0x17: {  	s17 =	simm.s32 $0x0;
	[sflag:s10] =	ssyncadd.s32 $0xFFFFB1C0  }
0x18: {  	[tilespmem:s17], [sflag:$0x2] =	stream.linear.gather [hbm4b:s6+s17], $0x2800, $0x38;
	[tilespmem:$0xFC80] =	vst v63  }
0x19: {  	_ =	swait.ge [sflag:s10], $0x2800  }
0x1a: {  	[sflag:s10] =	ssyncset.done $0x0  }
0x1b: {  	[sflag:s10] =	ssyncadd.s32 $0xFFFFD800  }
0x1c: {  	[tilespmem:s11], [sflag:$0x2] =	stream.linear.gather [hbm4b:s7+s17], $0x2800, $0x38;
	[tilespmem:$0xFC80] =	vst v63  }
0x1d: {  	_ =	swait.ge [sflag:s10], $0x2800  }
0x1e: {  	[sflag:s10] =	ssyncset.done $0x0  }
0x1f: {  	[sflag:s10] =	ssyncadd.s32 $0xFFFFD800  }
0x20: {  	s30 =	simm.s32 $0x0;
	[bflag:$0x0] =	sbarrier.arrive $0xFFFF  }
0x21: {  	[tilespmem:s13], [sflag:$0x1] =	stream.indirect.gather [hbm4b:s4+s12], $0x20, s30, s12, $0xb8;
	[tilespmem:$0xFC80] =	vst v63  }
0x22: {  	_ =	swait.ge [sflag:s14], $0x1000  }
0x23: {  	[sflag:s14] =	ssyncset.done $0x0  }
0x24: {  	s31 =	simm.s32 $0x2800;
	[sflag:s14] =	ssyncadd.s32 $0xFFFFF000  }
0x25: {  	[spmem:s2] =	stream.indirect.scatter.add.f32 [tilespmem:s13], [sflag:$0x2], $0x20, s31, s12, $0xb8;
	[tilespmem:$0xFC80] =	vst v63  }
0x26: {  	_ =	swait.ge [sflag:s10], $0x1000  }
0x27: {  	s18 =	simm.s32 $0x400;
	s17 =	simm.s32 $0x200;
	[sflag:s10] =	ssyncset.done $0x0  }
.LBB2_4:
0x28: {  	s19 =	sshra.s32 s17, $0x2  }
0x29: {  	[sflag:s10] =	ssyncadd.s32 $0xFFFFF000;
	s17 =	smov.u32 s18;
	s20 =	sadd.s32 $0x200, s18  }
0x2a: {  	[tilespmem:s13], [sflag:$0x1] =	stream.indirect.gather [hbm4b:s4+s12], $0x20, s19, s12, $0xb8;
	[tilespmem:$0xFC80] =	vst v63  }
0x2b: {  	p0 =	sne.s32 s18, $0x9E00;
	_ =	swait.ge [sflag:s14], $0x1000  }
.Ltmp1:
0x2c: {  	[sflag:s14] =	ssyncset.done $0x0;
	(pc) =	sbr.rel @p0 .LBB2_4-.Ltmp1, $4  }
0x2d: {  	s18 =	sadd.s32 $0x2800, s19;
	[sflag:s14] =	ssyncadd.s32 $0xFFFFF000  }
0x2e: {  	[spmem:s2] =	stream.indirect.scatter.add.f32 [tilespmem:s13], [sflag:$0x2], $0x20, s18, s12, $0xb8;
	[tilespmem:$0xFC80] =	vst v63  }
0x2f: {  	_ =	swait.ge [sflag:s10], $0x1000  }
0x30: {  	s18 =	smov.u32 s20;
	[sflag:s10] =	ssyncset.done $0x0  }
0x31: {  	s17 =	sshra.s32 s17, $0x2;
	[sflag:s10] =	ssyncadd.s32 $0xFFFFF000  }
0x32: {  	[tilespmem:s13], [sflag:$0x1] =	stream.indirect.gather [hbm4b:s4+s12], $0x20, s17, s12, $0xb8;
	[tilespmem:$0xFC80] =	vst v63  }
0x33: {  	_ =	swait.ge [sflag:s14], $0x1000  }
0x34: {  	[sflag:s14] =	ssyncset.done $0x0  }
0x35: {  	s17 =	sadd.s32 $0x2800, s17;
	[sflag:s14] =	ssyncadd.s32 $0xFFFFF000  }
0x36: {  	[spmem:s2] =	stream.indirect.scatter.add.f32 [tilespmem:s13], [sflag:$0x2], $0x20, s17, s12, $0xb8;
	[tilespmem:$0xFC80] =	vst v63  }
0x37: {  	_ =	swait.ge [sflag:s10], $0x1000  }
0x38: {  	[sflag:s10] =	ssyncset.done $0x0  }
0x39: {  	[sflag:s10] =	ssyncadd.s32 $0xFFFFF000  }
0x3a: {  	[bflag:$0x0] =	sbarrier.arrive $0xFFFF  }
0x3b: {  	[tilespmem:s9], [sflag:$0x2] =	stream.linear.gather [spmem:s5], $0x4E40, $0x38;
	[tilespmem:$0xFC80] =	vst v63  }
0x3c: {  	s16 =	sadd.s32 $0x1, s16;
	_ =	swait.ge [sflag:s10], $0x4E40  }
0x3d: {  	p0 =	sne.s32 s16, s8;
	[sflag:s10] =	ssyncset.done $0x0  }
.Ltmp2:
0x3e: {  	[sflag:s10] =	ssyncadd.s32 $0xFFFFB1C0;
	(pc) =	sbr.rel @p0 .LBB2_1-.Ltmp2, $4  }
0x3f: {  	[hbm4b:s15+s3] =	stream.linear.scatter [tilespmem:s9], [sflag:$0x2], $0x4E40, $0x38;
	[tilespmem:$0xFC80] =	vst v63  }
0x40: {  	_ =	swait.ge [sflag:s10], $0x4E40  }
0x41: {  	[sflag:s10] =	ssyncset.done $0x0  }
0x42: {  	[sflag:s10] =	ssyncadd.s32 $0xFFFFB1C0  }
0x43: {  	_ =	sfence.sel $0x180000  }
0x44: {  	[bflag:$0x0] =	sbarrier.arrive $0xFFFF  }
0x45: {  	p0 =	sne.s32 s0, $0x0;
	_ =	strace $0x90000050  }
0x46: {  	s0 =	sadd.s32 @!p0 $0x100000, s1;
	[bflag:$0x2] =	sbarrier.arrive $0xFFFF  }
0x47: {  	[sflag:s0] =	ssyncadd.tile.s32 @!p0 $0x1;
	_ =	shalt  }
.Lfunc_end2:
_tile_overlayer_lowered:
.L_overlay_start_2:
0x48: {  	(tag) =	ssettag $0x2  }
0x49: {  	s0 =	rddreg [dreg:$0x0];
	s2 =	stileid.u32  }
0x4a: {  	s1 =	rddreg [dreg:$0x1];
	p0 =	sne.s32 s2, $0x0  }
0x4b: {  	s3 =	rddreg [dreg:$0x2];
	[bflag:$0x3] =	sbarrier.arrive $0xFFFF;
	s2 =	simm.s32 @!p0 $0x1C02  }
0x4c: {  	[timem:s3], [sflag:s2] =	dma.local @!p0 [hbm:s0], s1  }
0x4d: {  	s0 =	simm.s32 @!p0 $0x2  }
0x4e: {  	_ =	swait.ge @!p0 [sflag:s0], s1  }
0x4f: {  	s1 =	ssub.s32 @!p0 $0x0, s1;
	[sflag:s0] =	ssyncset.done @!p0 $0x0  }
0x50: {  	[sflag:s0] =	ssyncadd.s32 @!p0 s1  }
0x51: {  	[bflag:$0x3] =	sbarrier.arrive $0xFFFF  }
0x52: {  	_ =	shalt  }

// kernel: kernel.29.cloned.1.call-start
scs
__scs_entry_jumppad:
0x0: {  	(pc) =	sbr.rel $0x88, $3  }
0x1: {  	(tag) =	ssettag $0x0;
	lr =	simm.s32 $0x1  }
0x2: {  	[smem:$0x3F8C] =	sst lr;
	_ =	strace $0xD0000000  }
0x3: {  	_ = 	snop  }
0x4: {  	_ = 	snop  }
0x5: {  	_ = 	snop  }
0x6: {  	_ = 	snop  }
0x7: {  	_ = 	snop  }
__scs_overlays_trampoline_lowered:
0x8: {  	[smem:$0x3F9B] =	sst s0  }
0x9: {  	[smem:$0x3F9C] =	sst s1  }
0xa: {  	[smem:$0x3F9D] =	sst s2  }
0xb: {  	[smem:$0x3F9E] =	sst s3  }
0xc: {  	[smem:$0x3F9F] =	sst s4  }
0xd: {  	[smem:$0x3FA0] =	sst s5  }
0xe: {  	[smem:$0x3FA1] =	sst s6  }
0xf: {  	[smem:$0x3FA2] =	sst s7  }
0x10: {  	[smem:$0x3FA3] =	sst s8  }
0x11: {  	[smem:$0x3FA4] =	sst s9;
	s0 =	simm.s32 @!p0 $0x0  }
0x12: {  	s1 =	sld [smem:$0x3F8A];
	s0 =	simm.s32 @p0 $0x1  }
0x13: {  	[smem:$0x3FA5] =	sst s0;
	s0 =	simm.s32 @!p1 $0x0  }
0x14: {  	s2 =	sld [smem:$0x3F89];
	s0 =	simm.s32 @p1 $0x1  }
0x15: {  	[smem:$0x3FA6] =	sst s0;
	s0 =	simm.s32 @!p2 $0x0  }
0x16: {  	s3 =	sld [smem:$0x3FDB];
	s0 =	simm.s32 @p2 $0x1  }
0x17: {  	s4 =	simm.s32 $0x1BF5;
	[smem:$0x3FA8] =	sst s0  }
0x18: {  	s0 =	sld [smem:$0x3F8B];
	_ =	swait.ge [sflag:s4], $0x0  }
0x19: {  	s7 =	sld [smem:$0x3F8C]  }
0x1a: {  	s8 =	sadd.s32 $0xFFFFE003, lr  }
0x1b: {  	s9 =	sadd.s32 $0xFFFFFEF7, lr;
	s5 =	simm.s32 $0xFFFFFFFF;
	p2 =	slt.u32 s8, $0xFFFFF086  }
0x1c: {  	p1 =	slt.u32 s9, $0xF7A;
	s5 =	simm.s32 @!p2 $0x0  }
0x1d: {  	s5 =	simm.s32 @p1 $0x1;
	p0 =	seq.s32 s7, s2  }
0x1e: {  	s7 =	smul.u32 @!p0 $0xF7A, s2;
	p2 =	seq.s32 @!p0 s5, $0x0  }
0x1f: {  	s9 =	smul.u32 $0xF7A, s1;
	s8 =	simm.s32 @!p0 $0x1BF5;
	p2 =	por !p2, p0  }
0x20: {  	[sflag:s8] =	ssyncset.s32 @!p0 $0xFFFFF086;
	s6 =	sadd.s32 @!p0 s3, s7;
	s7 =	simm.s32 @!p0 $0x108  }
0x21: {  	s3 =	sadd.s32 s3, s9;
	s6 =	sadd.s32 @!p0 $0x88, s6;
	s7 =	simm.s32 @p2 $0x1082  }
0x22: {  	[simem:s7], [sflag:s8] =	dma.local @!p0 [hbm:s6], $0xF7A  }
0x23: {  	s9 =	sor.u32 $0xD0000000, s2;
	s6 =	simm.s32 $0x108;
	_ =	swait.ge @!p0 [sflag:s8], $0x0  }
0x24: {  	s3 =	sadd.s32 $0x88, s3;
	s6 =	simm.s32 @!p1 $0x1082;
	[sflag:s4] =	ssyncset.s32 $0xFFFFF086  }
0x25: {  	[simem:s6], [sflag:s4] =	dma.local [hbm:s3], $0xF7A  }
0x26: {  	[smem:$0x3F8C] =	sst s1;
	(tag) =	ssettag s2;
	_ =	strace s9  }
0x27: {  	s1 =	sld [smem:$0x3F9C]  }
0x28: {  	s2 =	sld [smem:$0x3F9D]  }
0x29: {  	s4 =	sld [smem:$0x3F9F]  }
0x2a: {  	p0 =	seq.s32 s5, $0x0;
	s5 =	sld [smem:$0x3FA0]  }
0x2b: {  	s6 =	sld [smem:$0x3FA1]  }
0x2c: {  	s7 =	sld [smem:$0x3FA2]  }
0x2d: {  	s3 =	simm.s32 $0x108;
	s8 =	sld [smem:$0x3FA3]  }
0x2e: {  	s3 =	simm.s32 @!p0 $0x1082;
	s9 =	sld [smem:$0x3FA4]  }
0x2f: {  	lr =	sadd.s32 s0, s3;
	s0 =	sld [smem:$0x3F9B]  }
0x30: {  	s3 =	sld [smem:$0x3F9E]  }
0x31: {  	[smem:$0x3FA7] =	sst s10  }
0x32: {  	s10 =	sld [smem:$0x3FA5];
	_ =	sdelay $0x3  }
0x33: {  	p0 =	seq.s32 s10, $0x1;
	s10 =	sld [smem:$0x3FA7];
	_ =	sdelay $0x3  }
0x34: {  	[smem:$0x3FA7] =	sst s10  }
0x35: {  	s10 =	sld [smem:$0x3FA6];
	_ =	sdelay $0x3  }
0x36: {  	p1 =	seq.s32 s10, $0x1;
	s10 =	sld [smem:$0x3FA7];
	_ =	sdelay $0x3  }
0x37: {  	[smem:$0x3FA7] =	sst s10  }
0x38: {  	s10 =	sld [smem:$0x3FA8]  }
0x39: {  	_ = 	snop;
	(pc) =	sbr.ind lr, $3  }
0x3a: {  	_ = 	snop  }
0x3b: {  	_ = 	snop  }
0x3c: {  	p2 =	seq.s32 s10, $0x1;
	s10 =	sld [smem:$0x3FA7]  }
0x3d: {  	_ =	shalt  }
0x3e: {  	_ =	shalt  }
0x3f: {  	_ =	shalt  }
0x40: {  	_ =	shalt  }
0x41: {  	_ =	shalt  }
0x42: {  	_ =	shalt  }
0x43: {  	_ =	shalt  }
0x44: {  	_ =	shalt  }
0x45: {  	_ =	shalt  }
0x46: {  	_ =	shalt  }
0x47: {  	_ =	shalt  }
0x48: {  	_ =	shalt  }
0x49: {  	_ =	shalt  }
0x4a: {  	_ =	shalt  }
0x4b: {  	_ =	shalt  }
0x4c: {  	_ =	shalt  }
0x4d: {  	_ =	shalt  }
0x4e: {  	_ =	shalt  }
0x4f: {  	_ =	shalt  }
0x50: {  	_ =	shalt  }
0x51: {  	_ =	shalt  }
0x52: {  	_ =	shalt  }
0x53: {  	_ =	shalt  }
0x54: {  	_ =	shalt  }
0x55: {  	_ =	shalt  }
0x56: {  	_ =	shalt  }
0x57: {  	_ =	shalt  }
0x58: {  	_ =	shalt  }
0x59: {  	_ =	shalt  }
0x5a: {  	_ =	shalt  }
0x5b: {  	_ =	shalt  }
0x5c: {  	_ =	shalt  }
0x5d: {  	_ =	shalt  }
0x5e: {  	_ =	shalt  }
0x5f: {  	_ =	shalt  }
0x60: {  	_ =	shalt  }
0x61: {  	_ =	shalt  }
0x62: {  	_ =	shalt  }
0x63: {  	_ =	shalt  }
0x64: {  	_ =	shalt  }
0x65: {  	_ =	shalt  }
0x66: {  	_ =	shalt  }
0x67: {  	_ =	shalt  }
0x68: {  	_ =	shalt  }
0x69: {  	_ =	shalt  }
0x6a: {  	_ =	shalt  }
0x6b: {  	_ =	shalt  }
0x6c: {  	_ =	shalt  }
0x6d: {  	_ =	shalt  }
0x6e: {  	_ =	shalt  }
0x6f: {  	_ =	shalt  }
0x70: {  	_ =	shalt  }
0x71: {  	_ =	shalt  }
0x72: {  	_ =	shalt  }
0x73: {  	_ =	shalt  }
0x74: {  	_ =	shalt  }
0x75: {  	_ =	shalt  }
0x76: {  	_ =	shalt  }
0x77: {  	_ =	shalt  }
0x78: {  	_ =	shalt  }
0x79: {  	_ =	shalt  }
0x7a: {  	_ =	shalt  }
0x7b: {  	_ =	shalt  }
0x7c: {  	_ =	shalt  }
0x7d: {  	_ =	shalt  }
0x7e: {  	_ =	shalt  }
0x7f: {  	_ =	shalt  }
0x80: {  	_ =	shalt  }
0x81: {  	_ =	shalt  }
0x82: {  	_ =	shalt  }
0x83: {  	_ =	shalt  }
0x84: {  	_ =	shalt  }
0x85: {  	_ =	shalt  }
0x86: {  	_ =	shalt  }
0x87: {  	_ =	shalt  }
.Lfunc_end0:
.L_simem_size_0:
called_computation.4_lowered:
.L_overlay_start_0:
0x88: {  	s2 =	sld [smem:$0x3FD9]  }
0x89: {  	s3 =	sld [smem:$0x3FFE];
	_ =	sdelay $0x1  }
0x8a: {  	s1 =	srdreg.scid  }
0x8b: {  	s0 =	sand.u32 $0x1, s1  }
0x8c: {  	s16 =	sshll.u32 s0, $0xA;
	s2 =	sadd.s32 s3, s2  }
0x8d: {  	s2 =	sadd.s32 s2, s16  }
0x8e: {  	[smem:$0x3FB3] =	sst s2  }
0x8f: {  	_ = 	snop  }
0x90: {  	(tm) =	ssettm $0x1  }
0x91: {  	s17 =	sld [smem:$0x3FFB];
	_ =	sdelay $0x3  }
0x92: {  	_ =	strace s17  }
0x93: {  	s2 =	sld [smem:$0x3FFC];
	_ =	sdelay $0x3  }
0x94: {  	_ =	strace s2  }
0x95: {  	s2 =	sld [smem:$0x3FFD];
	_ =	sdelay $0x3  }
0x96: {  	_ =	strace s2  }
0x97: {  	_ =	strace $0x8FFFFFFF  }
0x98: {  	s18 =	sld [smem:$0x3FDB];
	_ =	sdelay $0x1  }
0x99: {  	s19 =	simm.s32 $_scs_section_size  }
0x9a: {  	s4 =	simm.s32 $_size__tile_overlayer_lowered;
	s5 =	simm.s32 $_tile_overlayer_lowered  }
0x9b: {  	s22 =	simm.s32 $0x1BFF;
	s21 =	sshll.u32 s5, $0x1;
	s2 =	sadd.s32 s19, s18  }
0x9c: {  	s6 =	simm.s32 $0x0;
	s20 =	sshll.u32 s4, $0x1;
	s4 =	sadd.s32 s21, s2  }
0x9d: {  	[timem:s6], [sflag:s22] =	dma.local [hbm:s4], s20  }
0x9e: {  	_ =	swait.ge [sflag:s22], s20  }
0x9f: {  	s3 =	ssub.s32 $0x0, s20;
	[sflag:s22] =	ssyncset.done $0x0  }
0xa0: {  	[sflag:s22] =	ssyncadd.s32 s3;
	_ =	sdelay $0x1  }
0xa1: {  	s23 =	simm.s32 $0x1B8B  }
0xa2: {  	_ =	swait.ge [sflag:s23], $0x1  }
0xa3: {  	[sflag:s23] =	ssyncset.done $0x0  }
0xa4: {  	s25 =	simm.s32 $0x1B8E;
	s24 =	sld [smem:$0x3FFE];
	[sflag:s23] =	ssyncadd.s32 $0xFFFFFFFF  }
0xa5: {  	s26 =	simm.s32 $execute0_lowered;
	[smem:$0x3FD2] =	sst s25  }
0xa6: {  	s4 =	sshll.u32 s26, $0x1;
	_ =	strace $0x80000052;
	[dreg:$0x1] =	wrdreg $0xFFFFFFFF  }
0xa7: {  	s28 =	simm.s32 $_size_execute0_lowered;
	s2 =	sadd.s32 s2, s4;
	[dreg:$0x0] =	wrdreg $0x0  }
0xa8: {  	s4 =	sshll.u32 s28, $0x1;
	[dreg:$0x2] =	wrdreg s2  }
0xa9: {  	[dreg:$0x3] =	wrdreg s4  }
0xaa: {  	[dreg:$0x4] =	wrdreg $0xC0  }
0xab: {  	_ =	task [dreg:s6], $0x5FFFF  }
0xac: {  	[dreg:$0x1] =	wrdreg $0xFFFFFFFF  }
0xad: {  	[dreg:$0x0] =	wrdreg $0x60  }
0xae: {  	[dreg:$0x2] =	wrdreg s24  }
0xaf: {  	[dreg:$0x3] =	wrdreg $0xAE400  }
0xb0: {  	[dreg:$0x4] =	wrdreg $0x9  }
0xb1: {  	_ =	task.clear_ibuf [dreg:s6], $0x5FFFF;
	_ =	strace $0x90000052  }
0xb2: {  	s29 =	simm.s32 $0x9;
	_ =	strace $0x80000054  }
0xb3: {  	_ =	swait.ge [sflag:s29], $0x1  }
0xb4: {  	[sflag:s29] =	ssyncadd.s32 $0xFFFFFFFF  }
0xb5: {  	_ =	strace $0x90000054  }
0xb6: {  	_ =	sfence  }
0xb7: {  	s30 =	sld [smem:$0x0];
	_ =	sdelay $0x2  }
0xb8: {  	s31 =	sshll.u32 s1, $0xD;
	s1 =	sshrl.u32 s1, $0x2  }
0xb9: {  	s3 =	sand.u32 $0x4000, s31;
	s1 =	sadd.s32 s1, s30  }
0xba: {  	s0 =	sor.u32 s3, s0;
	s1 =	sshll.u32 s1, $0x11  }
0xbb: {  	s0 =	sor.u32 s1, s0  }
0xbc: {  	s0 =	sadd.s32 $0x8F2B, s0  }
0xbd: {  	[sflag:s0] =	ssyncadd.remote.s32 $0x1  }
0xbe: {  	_ =	sfence.sel $0xFFFF  }
0xbf: {  	[dreg:$0x0] =	wrdreg $0xFFFFFFFF;
	(pc) =	sbr.abs _section_cstart, $3  }
0xc0: {  	[dreg:$0x1] =	wrdreg $0xFFFFFFFF  }
0xc1: {  	_ =	task.clear_ibuf [dreg:s6], $0x2FFFF;
	_ =	strace $0x9FFFFFFF  }
0xc2: {  	(tm) =	ssettm $0x7FFFFFFF  }
0xc3: {  	_ =	shalt  }
tec
execute0_lowered:
.L_overlay_start_1:
0x0: {  	(tag) =	ssettag $0x1  }
0x1: {  	s5 =	rddreg [dreg:$0x0];
	s1 =	srdreg.scid  }
0x2: {  	s0 =	stileid.u32;
	s2 =	rddreg [dreg:$0x1]  }
0x3: {  	s3 =	simm.s32 $0x0;
	s11 =	simm.s32 $0x2800;
	s12 =	simm.s32 $0x80  }
0x4: {  	s13 =	simm.s32 $0x5000;
	s14 =	simm.s32 $0x1;
	s6 =	sand.u32 $0x1, s1  }
0x5: {  	s4 =	sshll.u32 s0, $0x1;
	s1 =	rddreg [dreg:$0x2];
	s9 =	smul.u32 $0x4E40, s0  }
0x6: {  	[smem:$0x7FF] =	sst s3;
	s4 =	sor.u32 s6, s4;
	s8 =	smul.u32 $0x9C80, s6  }
0x7: {  	_ =	strace $0x80000053;
	s6 =	ssub.s32 $0x2, s6;
	s7 =	smul.u32 $0x500, s4  }
0x8: {  	s4 =	sadd.s32 $0xB6400, s5;
	s31 =	sshrl.u32 s6, $0x1;
	s16 =	sshrl.u32 s9, $0x3  }
0x9: {  	s8 =	sadd.s32 s8, s5;
	s10 =	ssub.s32 s6, s31;
	s7 =	sadd.s32 s7, s5  }
0xa: {  	s5 =	sadd.s32 s9, s2;
	s15 =	sadd.s32 $0xC0200, s8;
	s8 =	smax.u32 s10, $0x1  }
0xb: {  	s9 =	simm.s32 $0x6000;
	s10 =	simm.s32 $0x2;
	s6 =	sadd.s32 $0xFC00, s7  }
0xc: {  	v0 =	vimm.f32 $0.0e+00;
	s7 =	sadd.s32 $0x5C00, s7;
	s15 =	sadd.s32 s16, s15;
	s16 =	simm.s32 $0x0  }
.LBB2_1:
0xd: {  	s17 =	simm.s32 $0x80;
	s18 =	simm.s32 $0x0  }
.LBB2_2:
0xe: {  	p0 =	sne.s32 s17, $0x13880;
	[tilespmem:s18+$0x6000] =	vst v0;
	s19 =	smov.u32 s17;
	s17 =	sadd.s32 $0x80, s17  }
.Ltmp0:
0xf: {  	[tilespmem:s18+$0x6010] =	vst v0;
	(pc) =	sbr.rel @p0 .LBB2_2-.Ltmp0, $2  }
0x10: {  	_ =	sdelay $0x2  }
0x11: {  	s18 =	sshra.s32 s19, $0x2  }
0x12: {  	[tilespmem:s18+$0x6000] =	vst v0  }
0x13: {  	[tilespmem:s18+$0x6010] =	vst v0  }
0x14: {  	[spmem:s5] =	stream.linear.scatter [tilespmem:s9], [sflag:$0x2], $0x4E40, $0x38;
	[tilespmem:$0xFC80] =	vst v63  }
0x15: {  	_ =	swait.ge [sflag:s10], $0x4E40  }
0x16: {  	[sflag:s10] =	ssyncset.done $0x0  }
0x17: {  	s17 =	simm.s32 $0x0;
	[sflag:s10] =	ssyncadd.s32 $0xFFFFB1C0  }
0x18: {  	[tilespmem:s17], [sflag:$0x2] =	stream.linear.gather [hbm4b:s6+s17], $0x2800, $0x38;
	[tilespmem:$0xFC80] =	vst v63  }
0x19: {  	_ =	swait.ge [sflag:s10], $0x2800  }
0x1a: {  	[sflag:s10] =	ssyncset.done $0x0  }
0x1b: {  	[sflag:s10] =	ssyncadd.s32 $0xFFFFD800  }
0x1c: {  	[tilespmem:s11], [sflag:$0x2] =	stream.linear.gather [hbm4b:s7+s17], $0x2800, $0x38;
	[tilespmem:$0xFC80] =	vst v63  }
0x1d: {  	_ =	swait.ge [sflag:s10], $0x2800  }
0x1e: {  	[sflag:s10] =	ssyncset.done $0x0  }
0x1f: {  	[sflag:s10] =	ssyncadd.s32 $0xFFFFD800  }
0x20: {  	s30 =	simm.s32 $0x0;
	[bflag:$0x0] =	sbarrier.arrive $0xFFFF  }
0x21: {  	[tilespmem:s13], [sflag:$0x1] =	stream.indirect.gather [hbm4b:s4+s12], $0x20, s30, s12, $0xb8;
	[tilespmem:$0xFC80] =	vst v63  }
0x22: {  	_ =	swait.ge [sflag:s14], $0x1000  }
0x23: {  	[sflag:s14] =	ssyncset.done $0x0  }
0x24: {  	s31 =	simm.s32 $0x2800;
	[sflag:s14] =	ssyncadd.s32 $0xFFFFF000  }
0x25: {  	[spmem:s2] =	stream.indirect.scatter.add.f32 [tilespmem:s13], [sflag:$0x2], $0x20, s31, s12, $0xb8;
	[tilespmem:$0xFC80] =	vst v63  }
0x26: {  	_ =	swait.ge [sflag:s10], $0x1000  }
0x27: {  	s18 =	simm.s32 $0x400;
	s17 =	simm.s32 $0x200;
	[sflag:s10] =	ssyncset.done $0x0  }
.LBB2_4:
0x28: {  	s19 =	sshra.s32 s17, $0x2  }
0x29: {  	[sflag:s10] =	ssyncadd.s32 $0xFFFFF000;
	s17 =	smov.u32 s18;
	s20 =	sadd.s32 $0x200, s18  }
0x2a: {  	[tilespmem:s13], [sflag:$0x1] =	stream.indirect.gather [hbm4b:s4+s12], $0x20, s19, s12, $0xb8;
	[tilespmem:$0xFC80] =	vst v63  }
0x2b: {  	p0 =	sne.s32 s18, $0x9E00;
	_ =	swait.ge [sflag:s14], $0x1000  }
.Ltmp1:
0x2c: {  	[sflag:s14] =	ssyncset.done $0x0;
	(pc) =	sbr.rel @p0 .LBB2_4-.Ltmp1, $4  }
0x2d: {  	s18 =	sadd.s32 $0x2800, s19;
	[sflag:s14] =	ssyncadd.s32 $0xFFFFF000  }
0x2e: {  	[spmem:s2] =	stream.indirect.scatter.add.f32 [tilespmem:s13], [sflag:$0x2], $0x20, s18, s12, $0xb8;
	[tilespmem:$0xFC80] =	vst v63  }
0x2f: {  	_ =	swait.ge [sflag:s10], $0x1000  }
0x30: {  	s18 =	smov.u32 s20;
	[sflag:s10] =	ssyncset.done $0x0  }
0x31: {  	s17 =	sshra.s32 s17, $0x2;
	[sflag:s10] =	ssyncadd.s32 $0xFFFFF000  }
0x32: {  	[tilespmem:s13], [sflag:$0x1] =	stream.indirect.gather [hbm4b:s4+s12], $0x20, s17, s12, $0xb8;
	[tilespmem:$0xFC80] =	vst v63  }
0x33: {  	_ =	swait.ge [sflag:s14], $0x1000  }
0x34: {  	[sflag:s14] =	ssyncset.done $0x0  }
0x35: {  	s17 =	sadd.s32 $0x2800, s17;
	[sflag:s14] =	ssyncadd.s32 $0xFFFFF000  }
0x36: {  	[spmem:s2] =	stream.indirect.scatter.add.f32 [tilespmem:s13], [sflag:$0x2], $0x20, s17, s12, $0xb8;
	[tilespmem:$0xFC80] =	vst v63  }
0x37: {  	_ =	swait.ge [sflag:s10], $0x1000  }
0x38: {  	[sflag:s10] =	ssyncset.done $0x0  }
0x39: {  	[sflag:s10] =	ssyncadd.s32 $0xFFFFF000  }
0x3a: {  	[bflag:$0x0] =	sbarrier.arrive $0xFFFF  }
0x3b: {  	[tilespmem:s9], [sflag:$0x2] =	stream.linear.gather [spmem:s5], $0x4E40, $0x38;
	[tilespmem:$0xFC80] =	vst v63  }
0x3c: {  	s16 =	sadd.s32 $0x1, s16;
	_ =	swait.ge [sflag:s10], $0x4E40  }
0x3d: {  	p0 =	sne.s32 s16, s8;
	[sflag:s10] =	ssyncset.done $0x0  }
.Ltmp2:
0x3e: {  	[sflag:s10] =	ssyncadd.s32 $0xFFFFB1C0;
	(pc) =	sbr.rel @p0 .LBB2_1-.Ltmp2, $4  }
0x3f: {  	[hbm4b:s15+s3] =	stream.linear.scatter [tilespmem:s9], [sflag:$0x2], $0x4E40, $0x38;
	[tilespmem:$0xFC80] =	vst v63  }
0x40: {  	_ =	swait.ge [sflag:s10], $0x4E40  }
0x41: {  	[sflag:s10] =	ssyncset.done $0x0  }
0x42: {  	[sflag:s10] =	ssyncadd.s32 $0xFFFFB1C0  }
0x43: {  	_ =	sfence.sel $0x180000  }
0x44: {  	[bflag:$0x0] =	sbarrier.arrive $0xFFFF  }
0x45: {  	p0 =	sne.s32 s0, $0x0;
	_ =	strace $0x90000053  }
0x46: {  	s0 =	sadd.s32 @!p0 $0x100000, s1;
	[bflag:$0x2] =	sbarrier.arrive $0xFFFF  }
0x47: {  	[sflag:s0] =	ssyncadd.tile.s32 @!p0 $0x1;
	_ =	shalt  }
.Lfunc_end2:
_tile_overlayer_lowered:
.L_overlay_start_2:
0x48: {  	(tag) =	ssettag $0x2  }
0x49: {  	s0 =	rddreg [dreg:$0x0];
	s2 =	stileid.u32  }
0x4a: {  	s1 =	rddreg [dreg:$0x1];
	p0 =	sne.s32 s2, $0x0  }
0x4b: {  	s3 =	rddreg [dreg:$0x2];
	[bflag:$0x3] =	sbarrier.arrive $0xFFFF;
	s2 =	simm.s32 @!p0 $0x1C02  }
0x4c: {  	[timem:s3], [sflag:s2] =	dma.local @!p0 [hbm:s0], s1  }
0x4d: {  	s0 =	simm.s32 @!p0 $0x2  }
0x4e: {  	_ =	swait.ge @!p0 [sflag:s0], s1  }
0x4f: {  	s1 =	ssub.s32 @!p0 $0x0, s1;
	[sflag:s0] =	ssyncset.done @!p0 $0x0  }
0x50: {  	[sflag:s0] =	ssyncadd.s32 @!p0 s1  }
0x51: {  	[bflag:$0x3] =	sbarrier.arrive $0xFFFF  }
0x52: {  	_ =	shalt  }

// kernel: kernel.32.cloned.1.call-start
scs
__scs_entry_jumppad:
0x0: {  	(pc) =	sbr.rel $0x88, $3  }
0x1: {  	(tag) =	ssettag $0x0;
	lr =	simm.s32 $0x1  }
0x2: {  	[smem:$0x3F8C] =	sst lr;
	_ =	strace $0xD0000000  }
0x3: {  	_ = 	snop  }
0x4: {  	_ = 	snop  }
0x5: {  	_ = 	snop  }
0x6: {  	_ = 	snop  }
0x7: {  	_ = 	snop  }
__scs_overlays_trampoline_lowered:
0x8: {  	[smem:$0x3F9B] =	sst s0  }
0x9: {  	[smem:$0x3F9C] =	sst s1  }
0xa: {  	[smem:$0x3F9D] =	sst s2  }
0xb: {  	[smem:$0x3F9E] =	sst s3  }
0xc: {  	[smem:$0x3F9F] =	sst s4  }
0xd: {  	[smem:$0x3FA0] =	sst s5  }
0xe: {  	[smem:$0x3FA1] =	sst s6  }
0xf: {  	[smem:$0x3FA2] =	sst s7  }
0x10: {  	[smem:$0x3FA3] =	sst s8  }
0x11: {  	[smem:$0x3FA4] =	sst s9;
	s0 =	simm.s32 @!p0 $0x0  }
0x12: {  	s1 =	sld [smem:$0x3F8A];
	s0 =	simm.s32 @p0 $0x1  }
0x13: {  	[smem:$0x3FA5] =	sst s0;
	s0 =	simm.s32 @!p1 $0x0  }
0x14: {  	s2 =	sld [smem:$0x3F89];
	s0 =	simm.s32 @p1 $0x1  }
0x15: {  	[smem:$0x3FA6] =	sst s0;
	s0 =	simm.s32 @!p2 $0x0  }
0x16: {  	s3 =	sld [smem:$0x3FDB];
	s0 =	simm.s32 @p2 $0x1  }
0x17: {  	s4 =	simm.s32 $0x1BF5;
	[smem:$0x3FA8] =	sst s0  }
0x18: {  	s0 =	sld [smem:$0x3F8B];
	_ =	swait.ge [sflag:s4], $0x0  }
0x19: {  	s7 =	sld [smem:$0x3F8C]  }
0x1a: {  	s8 =	sadd.s32 $0xFFFFE003, lr  }
0x1b: {  	s9 =	sadd.s32 $0xFFFFFEF7, lr;
	s5 =	simm.s32 $0xFFFFFFFF;
	p2 =	slt.u32 s8, $0xFFFFF086  }
0x1c: {  	p1 =	slt.u32 s9, $0xF7A;
	s5 =	simm.s32 @!p2 $0x0  }
0x1d: {  	s5 =	simm.s32 @p1 $0x1;
	p0 =	seq.s32 s7, s2  }
0x1e: {  	s7 =	smul.u32 @!p0 $0xF7A, s2;
	p2 =	seq.s32 @!p0 s5, $0x0  }
0x1f: {  	s9 =	smul.u32 $0xF7A, s1;
	s8 =	simm.s32 @!p0 $0x1BF5;
	p2 =	por !p2, p0  }
0x20: {  	[sflag:s8] =	ssyncset.s32 @!p0 $0xFFFFF086;
	s6 =	sadd.s32 @!p0 s3, s7;
	s7 =	simm.s32 @!p0 $0x108  }
0x21: {  	s3 =	sadd.s32 s3, s9;
	s6 =	sadd.s32 @!p0 $0x88, s6;
	s7 =	simm.s32 @p2 $0x1082  }
0x22: {  	[simem:s7], [sflag:s8] =	dma.local @!p0 [hbm:s6], $0xF7A  }
0x23: {  	s9 =	sor.u32 $0xD0000000, s2;
	s6 =	simm.s32 $0x108;
	_ =	swait.ge @!p0 [sflag:s8], $0x0  }
0x24: {  	s3 =	sadd.s32 $0x88, s3;
	s6 =	simm.s32 @!p1 $0x1082;
	[sflag:s4] =	ssyncset.s32 $0xFFFFF086  }
0x25: {  	[simem:s6], [sflag:s4] =	dma.local [hbm:s3], $0xF7A  }
0x26: {  	[smem:$0x3F8C] =	sst s1;
	(tag) =	ssettag s2;
	_ =	strace s9  }
0x27: {  	s1 =	sld [smem:$0x3F9C]  }
0x28: {  	s2 =	sld [smem:$0x3F9D]  }
0x29: {  	s4 =	sld [smem:$0x3F9F]  }
0x2a: {  	p0 =	seq.s32 s5, $0x0;
	s5 =	sld [smem:$0x3FA0]  }
0x2b: {  	s6 =	sld [smem:$0x3FA1]  }
0x2c: {  	s7 =	sld [smem:$0x3FA2]  }
0x2d: {  	s3 =	simm.s32 $0x108;
	s8 =	sld [smem:$0x3FA3]  }
0x2e: {  	s3 =	simm.s32 @!p0 $0x1082;
	s9 =	sld [smem:$0x3FA4]  }
0x2f: {  	lr =	sadd.s32 s0, s3;
	s0 =	sld [smem:$0x3F9B]  }
0x30: {  	s3 =	sld [smem:$0x3F9E]  }
0x31: {  	[smem:$0x3FA7] =	sst s10  }
0x32: {  	s10 =	sld [smem:$0x3FA5];
	_ =	sdelay $0x3  }
0x33: {  	p0 =	seq.s32 s10, $0x1;
	s10 =	sld [smem:$0x3FA7];
	_ =	sdelay $0x3  }
0x34: {  	[smem:$0x3FA7] =	sst s10  }
0x35: {  	s10 =	sld [smem:$0x3FA6];
	_ =	sdelay $0x3  }
0x36: {  	p1 =	seq.s32 s10, $0x1;
	s10 =	sld [smem:$0x3FA7];
	_ =	sdelay $0x3  }
0x37: {  	[smem:$0x3FA7] =	sst s10  }
0x38: {  	s10 =	sld [smem:$0x3FA8]  }
0x39: {  	_ = 	snop;
	(pc) =	sbr.ind lr, $3  }
0x3a: {  	_ = 	snop  }
0x3b: {  	_ = 	snop  }
0x3c: {  	p2 =	seq.s32 s10, $0x1;
	s10 =	sld [smem:$0x3FA7]  }
0x3d: {  	_ =	shalt  }
0x3e: {  	_ =	shalt  }
0x3f: {  	_ =	shalt  }
0x40: {  	_ =	shalt  }
0x41: {  	_ =	shalt  }
0x42: {  	_ =	shalt  }
0x43: {  	_ =	shalt  }
0x44: {  	_ =	shalt  }
0x45: {  	_ =	shalt  }
0x46: {  	_ =	shalt  }
0x47: {  	_ =	shalt  }
0x48: {  	_ =	shalt  }
0x49: {  	_ =	shalt  }
0x4a: {  	_ =	shalt  }
0x4b: {  	_ =	shalt  }
0x4c: {  	_ =	shalt  }
0x4d: {  	_ =	shalt  }
0x4e: {  	_ =	shalt  }
0x4f: {  	_ =	shalt  }
0x50: {  	_ =	shalt  }
0x51: {  	_ =	shalt  }
0x52: {  	_ =	shalt  }
0x53: {  	_ =	shalt  }
0x54: {  	_ =	shalt  }
0x55: {  	_ =	shalt  }
0x56: {  	_ =	shalt  }
0x57: {  	_ =	shalt  }
0x58: {  	_ =	shalt  }
0x59: {  	_ =	shalt  }
0x5a: {  	_ =	shalt  }
0x5b: {  	_ =	shalt  }
0x5c: {  	_ =	shalt  }
0x5d: {  	_ =	shalt  }
0x5e: {  	_ =	shalt  }
0x5f: {  	_ =	shalt  }
0x60: {  	_ =	shalt  }
0x61: {  	_ =	shalt  }
0x62: {  	_ =	shalt  }
0x63: {  	_ =	shalt  }
0x64: {  	_ =	shalt  }
0x65: {  	_ =	shalt  }
0x66: {  	_ =	shalt  }
0x67: {  	_ =	shalt  }
0x68: {  	_ =	shalt  }
0x69: {  	_ =	shalt  }
0x6a: {  	_ =	shalt  }
0x6b: {  	_ =	shalt  }
0x6c: {  	_ =	shalt  }
0x6d: {  	_ =	shalt  }
0x6e: {  	_ =	shalt  }
0x6f: {  	_ =	shalt  }
0x70: {  	_ =	shalt  }
0x71: {  	_ =	shalt  }
0x72: {  	_ =	shalt  }
0x73: {  	_ =	shalt  }
0x74: {  	_ =	shalt  }
0x75: {  	_ =	shalt  }
0x76: {  	_ =	shalt  }
0x77: {  	_ =	shalt  }
0x78: {  	_ =	shalt  }
0x79: {  	_ =	shalt  }
0x7a: {  	_ =	shalt  }
0x7b: {  	_ =	shalt  }
0x7c: {  	_ =	shalt  }
0x7d: {  	_ =	shalt  }
0x7e: {  	_ =	shalt  }
0x7f: {  	_ =	shalt  }
0x80: {  	_ =	shalt  }
0x81: {  	_ =	shalt  }
0x82: {  	_ =	shalt  }
0x83: {  	_ =	shalt  }
0x84: {  	_ =	shalt  }
0x85: {  	_ =	shalt  }
0x86: {  	_ =	shalt  }
0x87: {  	_ =	shalt  }
.Lfunc_end0:
.L_simem_size_0:
called_computation.5_lowered:
.L_overlay_start_0:
0x88: {  	s2 =	sld [smem:$0x3FD9]  }
0x89: {  	s3 =	sld [smem:$0x3FFE];
	_ =	sdelay $0x1  }
0x8a: {  	s1 =	srdreg.scid  }
0x8b: {  	s0 =	sand.u32 $0x1, s1  }
0x8c: {  	s16 =	sshll.u32 s0, $0xA;
	s2 =	sadd.s32 s3, s2  }
0x8d: {  	s2 =	sadd.s32 s2, s16  }
0x8e: {  	[smem:$0x3FB3] =	sst s2  }
0x8f: {  	_ = 	snop  }
0x90: {  	(tm) =	ssettm $0x1  }
0x91: {  	s17 =	sld [smem:$0x3FFB];
	_ =	sdelay $0x3  }
0x92: {  	_ =	strace s17  }
0x93: {  	s2 =	sld [smem:$0x3FFC];
	_ =	sdelay $0x3  }
0x94: {  	_ =	strace s2  }
0x95: {  	s2 =	sld [smem:$0x3FFD];
	_ =	sdelay $0x3  }
0x96: {  	_ =	strace s2  }
0x97: {  	_ =	strace $0x8FFFFFFF  }
0x98: {  	s18 =	sld [smem:$0x3FDB];
	_ =	sdelay $0x1  }
0x99: {  	s19 =	simm.s32 $_scs_section_size  }
0x9a: {  	s4 =	simm.s32 $_size__tile_overlayer_lowered;
	s5 =	simm.s32 $_tile_overlayer_lowered  }
0x9b: {  	s22 =	simm.s32 $0x1BFF;
	s21 =	sshll.u32 s5, $0x1;
	s2 =	sadd.s32 s19, s18  }
0x9c: {  	s6 =	simm.s32 $0x0;
	s20 =	sshll.u32 s4, $0x1;
	s4 =	sadd.s32 s21, s2  }
0x9d: {  	[timem:s6], [sflag:s22] =	dma.local [hbm:s4], s20  }
0x9e: {  	_ =	swait.ge [sflag:s22], s20  }
0x9f: {  	s3 =	ssub.s32 $0x0, s20;
	[sflag:s22] =	ssyncset.done $0x0  }
0xa0: {  	[sflag:s22] =	ssyncadd.s32 s3;
	_ =	sdelay $0x1  }
0xa1: {  	s23 =	simm.s32 $0x1B8B  }
0xa2: {  	_ =	swait.ge [sflag:s23], $0x1  }
0xa3: {  	[sflag:s23] =	ssyncset.done $0x0  }
0xa4: {  	s25 =	simm.s32 $0x1B8E;
	s24 =	sld [smem:$0x3FFE];
	[sflag:s23] =	ssyncadd.s32 $0xFFFFFFFF  }
0xa5: {  	s26 =	simm.s32 $execute0_lowered;
	[smem:$0x3FD2] =	sst s25  }
0xa6: {  	s4 =	sshll.u32 s26, $0x1;
	_ =	strace $0x80000055;
	[dreg:$0x1] =	wrdreg $0xFFFFFFFF  }
0xa7: {  	s28 =	simm.s32 $_size_execute0_lowered;
	s2 =	sadd.s32 s2, s4;
	[dreg:$0x0] =	wrdreg $0x0  }
0xa8: {  	s4 =	sshll.u32 s28, $0x1;
	[dreg:$0x2] =	wrdreg s2  }
0xa9: {  	[dreg:$0x3] =	wrdreg s4  }
0xaa: {  	[dreg:$0x4] =	wrdreg $0xC0  }
0xab: {  	_ =	task [dreg:s6], $0x5FFFF  }
0xac: {  	[dreg:$0x1] =	wrdreg $0xFFFFFFFF  }
0xad: {  	[dreg:$0x0] =	wrdreg $0x60  }
0xae: {  	[dreg:$0x2] =	wrdreg s24  }
0xaf: {  	[dreg:$0x3] =	wrdreg $0x9  }
0xb0: {  	_ =	task.clear_ibuf [dreg:s6], $0x4FFFF;
	_ =	strace $0x90000055  }
0xb1: {  	s29 =	simm.s32 $0x9;
	_ =	strace $0x80000057  }
0xb2: {  	_ =	swait.ge [sflag:s29], $0x1  }
0xb3: {  	[sflag:s29] =	ssyncadd.s32 $0xFFFFFFFF  }
0xb4: {  	_ =	strace $0x90000057  }
0xb5: {  	_ =	sfence  }
0xb6: {  	s30 =	sld [smem:$0x0];
	_ =	sdelay $0x2  }
0xb7: {  	s31 =	sshll.u32 s1, $0xD;
	s1 =	sshrl.u32 s1, $0x2  }
0xb8: {  	s3 =	sand.u32 $0x4000, s31;
	s1 =	sadd.s32 s1, s30  }
0xb9: {  	s0 =	sor.u32 s3, s0;
	s1 =	sshll.u32 s1, $0x11  }
0xba: {  	s0 =	sor.u32 s1, s0  }
0xbb: {  	s0 =	sadd.s32 $0x8F2B, s0  }
0xbc: {  	[sflag:s0] =	ssyncadd.remote.s32 $0x1  }
0xbd: {  	_ =	sfence.sel $0xFFFF  }
0xbe: {  	[dreg:$0x0] =	wrdreg $0xFFFFFFFF;
	(pc) =	sbr.abs _section_cstart, $3  }
0xbf: {  	[dreg:$0x1] =	wrdreg $0xFFFFFFFF  }
0xc0: {  	_ =	task.clear_ibuf [dreg:s6], $0x2FFFF;
	_ =	strace $0x9FFFFFFF  }
0xc1: {  	(tm) =	ssettm $0x7FFFFFFF  }
tec
execute0_lowered:
.L_overlay_start_1:
0x0: {  	(tag) =	ssettag $0x1  }
0x1: {  	s1 =	srdreg.scid  }
0x2: {  	s0 =	stileid.u32;
	s10 =	sand.u32 $0x1, s1  }
0x3: {  	s29 =	sshll.u32 s0, $0x2;
	s2 =	sshll.u32 s10, $0x1  }
0x4: {  	s8 =	rddreg [dreg:$0x0];
	s9 =	sor.u32 s2, s29  }
0x5: {  	s1 =	rddreg [dreg:$0x1];
	s2 =	simm.s32 $0x0;
	s3 =	smul.u32 $0xA, s9  }
0x6: {  	s11 =	sadd.s32 $0x5C00, s8;
	[smem:$0x7FF] =	sst s2  }
0x7: {  	_ =	strace $0x80000056;
	s4 =	sadd.s32 s11, s3;
	s3 =	simm.s32 $0x2  }
0x8: {  	[tilespmem:s2], [sflag:$0x2] =	stream.linear.gather [hbm4b:s4+s2], $0x50, $0x38;
	[tilespmem:$0x2D50] =	vst v63  }
0x9: {  	_ =	swait.ge [sflag:s3], $0x50  }
0xa: {  	s6 =	simm.s32 $0x50;
	[sflag:s3] =	ssyncset.done $0x0  }
0xb: {  	s7 =	simm.s32 $0x1;
	s5 =	sadd.s32 $0x54000, s8;
	[sflag:s3] =	ssyncadd.s32 $0xFFFFFFB0  }
0xc: {  	[tilespmem:s6], [sflag:$0x1] =	stream.indirect.gather [hbm4b:s5+s6], $0x90, s2, s6, $0xb8;
	[tilespmem:$0x2D50] =	vst v63  }
0xd: {  	s12 =	smul.u32 $0x5A0, s9;
	_ =	swait.ge [sflag:s7], $0x2D00  }
0xe: {  	s13 =	sadd.s32 $0x6000, s8;
	[sflag:s7] =	ssyncset.done $0x0  }
0xf: {  	s30 =	sor.u32 $0x1, s9;
	s8 =	sadd.s32 s13, s12;
	[sflag:s7] =	ssyncadd.s32 $0xFFFFD300  }
0x10: {  	[hbm4b:s8+s2] =	stream.linear.scatter [tilespmem:s6], [sflag:$0x2], $0x2D00, $0x38;
	[tilespmem:$0x2D50] =	vst v63  }
0x11: {  	s9 =	smul.u32 $0xA, s30;
	_ =	swait.ge [sflag:s3], $0x2D00  }
0x12: {  	[sflag:s3] =	ssyncset.done $0x0  }
0x13: {  	s10 =	ssub.s32 $0x2, s10;
	s9 =	sadd.s32 s11, s9;
	[sflag:s3] =	ssyncadd.s32 $0xFFFFD300  }
0x14: {  	[tilespmem:s2], [sflag:$0x2] =	stream.linear.gather [hbm4b:s9+s2], $0x50, $0x38;
	[tilespmem:$0x2D50] =	vst v63  }
0x15: {  	s31 =	sshrl.u32 s10, $0x1;
	_ =	swait.ge [sflag:s3], $0x50  }
0x16: {  	s11 =	ssub.s32 s10, s31;
	[sflag:s3] =	ssyncset.done $0x0  }
0x17: {  	s11 =	smax.u32 s11, $0x1;
	[sflag:s3] =	ssyncadd.s32 $0xFFFFFFB0  }
0x18: {  	[tilespmem:s6], [sflag:$0x1] =	stream.indirect.gather [hbm4b:s5+s6], $0x90, s2, s6, $0xb8;
	[tilespmem:$0x2D50] =	vst v63  }
0x19: {  	s12 =	smul.u32 $0x5A0, s30;
	p0 =	sne.s32 s11, $0x1;
	_ =	swait.ge [sflag:s7], $0x2D00  }
.Ltmp0:
0x1a: {  	[sflag:s7] =	ssyncset.done $0x0;
	(pc) =	sbr.rel @!p0 .LBB2_2-.Ltmp0, $4  }
0x1b: {  	s10 =	sadd.s32 s13, s12;
	[sflag:s7] =	ssyncadd.s32 $0xFFFFD300  }
0x1c: {  	[hbm4b:s10+s2] =	stream.linear.scatter [tilespmem:s6], [sflag:$0x2], $0x2D00, $0x38;
	[tilespmem:$0x2D50] =	vst v63  }
0x1d: {  	_ =	swait.ge [sflag:s3], $0x2D00  }
0x1e: {  	s11 =	sadd.s32 $0xFFFFFFFF, s11;
	[sflag:s3] =	ssyncset.done $0x0  }
.LBB2_1:
0x1f: {  	p0 =	sne.s32 s11, $0x1;
	s11 =	sadd.s32 $0xFFFFFFFF, s11;
	[sflag:s3] =	ssyncadd.s32 $0xFFFFD300  }
0x20: {  	[tilespmem:s2], [sflag:$0x2] =	stream.linear.gather [hbm4b:s4+s2], $0x50, $0x38;
	[tilespmem:$0x2D50] =	vst v63  }
0x21: {  	_ =	swait.ge [sflag:s3], $0x50  }
0x22: {  	[sflag:s3] =	ssyncset.done $0x0  }
0x23: {  	[sflag:s3] =	ssyncadd.s32 $0xFFFFFFB0  }
0x24: {  	[tilespmem:s6], [sflag:$0x1] =	stream.indirect.gather [hbm4b:s5+s6], $0x90, s2, s6, $0xb8;
	[tilespmem:$0x2D50] =	vst v63  }
0x25: {  	_ =	swait.ge [sflag:s7], $0x2D00  }
0x26: {  	[sflag:s7] =	ssyncset.done $0x0  }
0x27: {  	[sflag:s7] =	ssyncadd.s32 $0xFFFFD300  }
0x28: {  	[hbm4b:s8+s2] =	stream.linear.scatter [tilespmem:s6], [sflag:$0x2], $0x2D00, $0x38;
	[tilespmem:$0x2D50] =	vst v63  }
0x29: {  	_ =	swait.ge [sflag:s3], $0x2D00  }
0x2a: {  	[sflag:s3] =	ssyncset.done $0x0  }
0x2b: {  	[sflag:s3] =	ssyncadd.s32 $0xFFFFD300  }
0x2c: {  	[tilespmem:s2], [sflag:$0x2] =	stream.linear.gather [hbm4b:s9+s2], $0x50, $0x38;
	[tilespmem:$0x2D50] =	vst v63  }
0x2d: {  	_ =	swait.ge [sflag:s3], $0x50  }
0x2e: {  	[sflag:s3] =	ssyncset.done $0x0  }
0x2f: {  	[sflag:s3] =	ssyncadd.s32 $0xFFFFFFB0  }
0x30: {  	[tilespmem:s6], [sflag:$0x1] =	stream.indirect.gather [hbm4b:s5+s6], $0x90, s2, s6, $0xb8;
	[tilespmem:$0x2D50] =	vst v63  }
0x31: {  	_ =	swait.ge [sflag:s7], $0x2D00  }
.Ltmp1:
0x32: {  	[sflag:s7] =	ssyncset.done $0x0;
	(pc) =	sbr.rel @p0 .LBB2_1-.Ltmp1, $4  }
0x33: {  	[sflag:s7] =	ssyncadd.s32 $0xFFFFD300  }
0x34: {  	[hbm4b:s10+s2] =	stream.linear.scatter [tilespmem:s6], [sflag:$0x2], $0x2D00, $0x38;
	[tilespmem:$0x2D50] =	vst v63  }
0x35: {  	_ =	swait.ge [sflag:s3], $0x2D00  }
0x36: {  	[sflag:s3] =	ssyncset.done $0x0  }
.LBB2_2:
0x37: {  	[sflag:s3] =	ssyncadd.s32 $0xFFFFD300  }
0x38: {  	_ =	sfence.sel $0x180000  }
0x39: {  	[bflag:$0x0] =	sbarrier.arrive $0xFFFF  }
0x3a: {  	p0 =	sne.s32 s0, $0x0;
	_ =	strace $0x90000056  }
0x3b: {  	s0 =	sadd.s32 @!p0 $0x100000, s1;
	[bflag:$0x2] =	sbarrier.arrive $0xFFFF  }
0x3c: {  	[sflag:s0] =	ssyncadd.tile.s32 @!p0 $0x1;
	_ =	shalt  }
.Lfunc_end2:
_tile_overlayer_lowered:
.L_overlay_start_2:
0x3d: {  	(tag) =	ssettag $0x2  }
0x3e: {  	s0 =	rddreg [dreg:$0x0];
	s2 =	stileid.u32  }
0x3f: {  	s1 =	rddreg [dreg:$0x1];
	p0 =	sne.s32 s2, $0x0  }
0x40: {  	s3 =	rddreg [dreg:$0x2];
	[bflag:$0x3] =	sbarrier.arrive $0xFFFF;
	s2 =	simm.s32 @!p0 $0x1C02  }
0x41: {  	[timem:s3], [sflag:s2] =	dma.local @!p0 [hbm:s0], s1  }
0x42: {  	s0 =	simm.s32 @!p0 $0x2  }
0x43: {  	_ =	swait.ge @!p0 [sflag:s0], s1  }
0x44: {  	s1 =	ssub.s32 @!p0 $0x0, s1;
	[sflag:s0] =	ssyncset.done @!p0 $0x0  }
0x45: {  	[sflag:s0] =	ssyncadd.s32 @!p0 s1  }
0x46: {  	[bflag:$0x3] =	sbarrier.arrive $0xFFFF  }
0x47: {  	_ =	shalt  }

</sc_bundles>
